<compile_context>
chip_gen: v7x
topology: tpu7x:2x2x1
jax: 0.10.2.dev20260603
libtpu: 0.0.44.dev20260713+nightly
codegen_flags: <defaults>
</compile_context>

<pallas_src>
import functools

import jax
import jax.numpy as jnp
from jax import lax
from jax.experimental import pallas as pl
from jax.experimental.pallas import tpu as pltpu
from jax.experimental.pallas import tpu_sc as plsc

N_ROWS = 1000000
EMB = 16
BATCH = 16384
LANES = 128

NUM_CORES = 2
NUM_SUBCORES = 16
NUM_WORKERS = NUM_CORES * NUM_SUBCORES
BPW = BATCH // NUM_WORKERS
GROUP = 16
NGROUPS = BPW // GROUP


def _bpr_body(uidx_hbm, pidx_hbm, nidx_hbm, ut_hbm, it_hbm,
              rui_hbm, ruj_hbm, loss_hbm,
              uidx_v, pidx_v, nidx_v,
              u_s, p_s, n_s,
              rui_v, ruj_v, loss_v, sem):
    wid = lax.axis_index("s") * NUM_CORES + lax.axis_index("c")
    base = wid * BPW

    pltpu.sync_copy(uidx_hbm.at[pl.ds(base, BPW)], uidx_v)
    pltpu.sync_copy(pidx_hbm.at[pl.ds(base, BPW)], pidx_v)
    pltpu.sync_copy(nidx_hbm.at[pl.ds(base, BPW)], nidx_v)

    def group(g, loss_acc):
        goff = pl.ds(g * GROUP, GROUP)
        iv_u = uidx_v[goff]
        iv_p = pidx_v[goff]
        iv_n = nidx_v[goff]
        blk_u = iv_u & ~(LANES - 1)
        blk_p = iv_p & ~(LANES - 1)
        blk_n = iv_n & ~(LANES - 1)
        handles = []
        for i in range(GROUP):
            dst = pl.ds(i * EMB, EMB)
            bu = pl.multiple_of(blk_u[i], LANES)
            bp = pl.multiple_of(blk_p[i], LANES)
            bn = pl.multiple_of(blk_n[i], LANES)
            handles.append(pltpu.async_copy(
                ut_hbm.at[:, pl.ds(bu, LANES)], u_s.at[dst], sem))
            handles.append(pltpu.async_copy(
                it_hbm.at[:, pl.ds(bp, LANES)], p_s.at[dst], sem))
            handles.append(pltpu.async_copy(
                it_hbm.at[:, pl.ds(bn, LANES)], n_s.at[dst], sem))
        for cp in handles:
            cp.wait()

        item_rows = lax.iota(jnp.int32, GROUP) * EMB
        lane_u = iv_u & (LANES - 1)
        lane_p = iv_p & (LANES - 1)
        lane_n = iv_n & (LANES - 1)

        acc_ui = jnp.zeros((GROUP,), jnp.float32)
        acc_uj = jnp.zeros((GROUP,), jnp.float32)
        for e in range(EMB):
            rows = item_rows + e
            u = plsc.load_gather(u_s, [rows, lane_u])
            p = plsc.load_gather(p_s, [rows, lane_p])
            n = plsc.load_gather(n_s, [rows, lane_n])
            acc_ui = acc_ui + u * p
            acc_uj = acc_uj + u * n
            loss_acc = loss_acc + (u * u + p * p + n * n)
        rui_v[goff] = acc_ui
        ruj_v[goff] = acc_uj
        return loss_acc

    loss_acc = lax.fori_loop(0, NGROUPS, group, jnp.zeros((GROUP,), jnp.float32))
    loss_v[...] = loss_acc

    pltpu.sync_copy(rui_v, rui_hbm.at[pl.ds(base, BPW)])
    pltpu.sync_copy(ruj_v, ruj_hbm.at[pl.ds(base, BPW)])
    pltpu.sync_copy(loss_v, loss_hbm.at[wid])


@jax.jit
def _bpr_sc(uidx, pidx, nidx, ut, it):
    mesh = plsc.VectorSubcoreMesh(core_axis_name="c", subcore_axis_name="s")
    kern = functools.partial(
        pl.kernel,
        mesh=mesh,
        compiler_params=pltpu.CompilerParams(needs_layout_passes=False),
        out_type=[
            jax.ShapeDtypeStruct((BATCH,), jnp.float32),
            jax.ShapeDtypeStruct((BATCH,), jnp.float32),
            jax.ShapeDtypeStruct((NUM_WORKERS, EMB), jnp.float32),
        ],
        scratch_types=[
            pltpu.VMEM((BPW,), jnp.int32),
            pltpu.VMEM((BPW,), jnp.int32),
            pltpu.VMEM((BPW,), jnp.int32),
            pltpu.VMEM((GROUP * EMB, LANES), jnp.float32),
            pltpu.VMEM((GROUP * EMB, LANES), jnp.float32),
            pltpu.VMEM((GROUP * EMB, LANES), jnp.float32),
            pltpu.VMEM((BPW,), jnp.float32),
            pltpu.VMEM((BPW,), jnp.float32),
            pltpu.VMEM((EMB,), jnp.float32),
            pltpu.SemaphoreType.DMA,
        ],
    )(_bpr_body)
    return kern(uidx, pidx, nidx, ut, it)


def kernel(users, pos_items, neg_items, user_emb, item_emb):
    users = users.astype(jnp.int32)
    pos_items = pos_items.astype(jnp.int32)
    neg_items = neg_items.astype(jnp.int32)
    ut = user_emb.T
    it = item_emb.T
    rui, ruj, loss_parts = _bpr_sc(users, pos_items, neg_items, ut, it)
    return (rui.reshape(BATCH, 1), ruj.reshape(BATCH, 1),
            jnp.sum(loss_parts))

# --- scband reference (transcript-rebuilt; emitter-appended) ---
"""Pipeline reference for scband-bpr-60155311947901 (READ-ONLY COPY).

The authoritative reference and input builder live on the scoring server;
editing this copy changes nothing except your own understanding.
"""

import jax, jax.numpy as jnp
import numpy as np

N_USER = 1000000
N_ITEM = 1000000
EMB = 16
BATCH = 16384


def setup_inputs(seed: int = 0) -> dict:
    key = jax.random.key(seed)
    k1, k2, k3, k4, k5 = jax.random.split(key, 5)
    users = jax.random.randint(k1, (BATCH,), 0, N_USER, dtype=jnp.int64) if jax.config.jax_enable_x64 else jax.random.randint(k1, (BATCH,), 0, N_USER, dtype=jnp.int32)
    pos_items = jax.random.randint(k2, (BATCH,), 0, N_ITEM, dtype=jnp.int32)
    neg_items = jax.random.randint(k3, (BATCH,), 0, N_ITEM, dtype=jnp.int32)
    user_emb = jax.random.normal(k4, (N_USER, EMB), dtype=jnp.float32) * 0.02
    item_emb = jax.random.normal(k5, (N_ITEM, EMB), dtype=jnp.float32) * 0.02
    return {
        "users": users,
        "pos_items": pos_items,
        "neg_items": neg_items,
        "user_emb": user_emb,
        "item_emb": item_emb,
    }


def reference(users, pos_items, neg_items, user_emb, item_emb):
    # BPR.forward: embedding lookups + pairwise dot products + L2 emb loss
    user_vector = jnp.take(user_emb, users, axis=0)           # [B, EMB]
    pos_items_vector = jnp.take(item_emb, pos_items, axis=0)  # [B, EMB]
    neg_items_vector = jnp.take(item_emb, neg_items, axis=0)  # [B, EMB]
    rui = jnp.sum(user_vector * pos_items_vector, axis=-1, keepdims=True)  # [B, 1]
    ruj = jnp.sum(user_vector * neg_items_vector, axis=-1, keepdims=True)  # [B, 1]
    # torch.norm(x)**2 == sum of squares (Frobenius)
    emb_loss = (jnp.sum(user_vector ** 2)
                + jnp.sum(pos_items_vector ** 2)
                + jnp.sum(neg_items_vector ** 2))
    return (rui, ruj, emb_loss)

if __name__ == "__main__":
    import jax
    _d = setup_inputs()
    print(jax.jit(kernel)(*tuple(_d.values())))

</pallas_src>

<mosaic_0001>
#map = affine_map<(d0, d1) -> (0)>
#map1 = affine_map<(d0, d1) -> (0, 0)>
module attributes {stable_mosaic.version = 14 : i64} {
  func.func @_bpr_body(%arg0: i32, %arg1: i32, %arg2: memref<16384xi32, #tpu.memory_space<hbm>>, %arg3: memref<16384xi32, #tpu.memory_space<hbm>>, %arg4: memref<16384xi32, #tpu.memory_space<hbm>>, %arg5: memref<16x1000000xf32, #tpu.memory_space<hbm>>, %arg6: memref<16x1000000xf32, #tpu.memory_space<hbm>>, %arg7: memref<16384xf32, #tpu.memory_space<hbm>>, %arg8: memref<16384xf32, #tpu.memory_space<hbm>>, %arg9: memref<32x16xf32, #tpu.memory_space<hbm>>, %arg10: memref<512xi32, #tpu.memory_space<vmem>>, %arg11: memref<512xi32, #tpu.memory_space<vmem>>, %arg12: memref<512xi32, #tpu.memory_space<vmem>>, %arg13: memref<256x128xf32, #tpu.memory_space<vmem>>, %arg14: memref<256x128xf32, #tpu.memory_space<vmem>>, %arg15: memref<256x128xf32, #tpu.memory_space<vmem>>, %arg16: memref<512xf32, #tpu.memory_space<vmem>>, %arg17: memref<512xf32, #tpu.memory_space<vmem>>, %arg18: memref<16xf32, #tpu.memory_space<vmem>>, %arg19: memref<!tpu.dma_semaphore, #tpu.memory_space<semaphore_mem>>) attributes {dimension_semantics = [#tpu.dimension_semantics<core_parallel>, #tpu.dimension_semantics<subcore_parallel>], iteration_bounds = array<i64: 2, 16>, scalar_prefetch = 0 : i64, scratch_operands = 10 : i64, tpu.core_type = #tpu.core_type<sc_vector_subcore>, window_params = [{transform_indices = #map}, {transform_indices = #map}, {transform_indices = #map}, {transform_indices = #map1}, {transform_indices = #map1}, {transform_indices = #map}, {transform_indices = #map}, {transform_indices = #map1}]} {
    %mul3A = arith.constant 2 : i32
    %mul3A_0 = arith.muli %arg1, %mul3A : i32
    %add3A = arith.addi %mul3A_0, %arg0 : i32
    %mul3A_1 = arith.constant 512 : i32
    %mul3A_2 = arith.muli %add3A, %mul3A_1 : i32
    "tpu.region"() ({
      %run_scoped3A = tpu.sem_alloc : memref<!tpu.dma_semaphore, #tpu.memory_space<semaphore_mem>>
      %dma_start3A = tpu.memref_slice %arg2[%mul3A_2] : memref<16384xi32, #tpu.memory_space<hbm>> -> memref<512xi32, #tpu.memory_space<hbm>>
      %dma_start3A_10 = tpu.memref_slice %arg2[%mul3A_2] : memref<16384xi32, #tpu.memory_space<hbm>> -> memref<512xi32, #tpu.memory_space<hbm>>
      tpu.enqueue_dma source(%dma_start3A_10 : memref<512xi32, #tpu.memory_space<hbm>>) target(%arg10 : memref<512xi32, #tpu.memory_space<vmem>>) target_semaphore(%run_scoped3A : memref<!tpu.dma_semaphore, #tpu.memory_space<semaphore_mem>>)
      %dma_wait3A = tpu.memref_slice %arg2[%mul3A_2] : memref<16384xi32, #tpu.memory_space<hbm>> -> memref<512xi32, #tpu.memory_space<hbm>>
      %dma_wait3A_11 = tpu.memref_slice %arg2[%mul3A_2] : memref<16384xi32, #tpu.memory_space<hbm>> -> memref<512xi32, #tpu.memory_space<hbm>>
      tpu.wait_dma2 semaphore(%run_scoped3A : memref<!tpu.dma_semaphore, #tpu.memory_space<semaphore_mem>>) src(%dma_wait3A_11 : memref<512xi32, #tpu.memory_space<hbm>>) dst(%arg10 : memref<512xi32, #tpu.memory_space<vmem>>)
      tpu.yield
    }) : () -> ()
    "tpu.region"() ({
      %run_scoped3A = tpu.sem_alloc : memref<!tpu.dma_semaphore, #tpu.memory_space<semaphore_mem>>
      %dma_start3A = tpu.memref_slice %arg3[%mul3A_2] : memref<16384xi32, #tpu.memory_space<hbm>> -> memref<512xi32, #tpu.memory_space<hbm>>
      %dma_start3A_10 = tpu.memref_slice %arg3[%mul3A_2] : memref<16384xi32, #tpu.memory_space<hbm>> -> memref<512xi32, #tpu.memory_space<hbm>>
      tpu.enqueue_dma source(%dma_start3A_10 : memref<512xi32, #tpu.memory_space<hbm>>) target(%arg11 : memref<512xi32, #tpu.memory_space<vmem>>) target_semaphore(%run_scoped3A : memref<!tpu.dma_semaphore, #tpu.memory_space<semaphore_mem>>)
      %dma_wait3A = tpu.memref_slice %arg3[%mul3A_2] : memref<16384xi32, #tpu.memory_space<hbm>> -> memref<512xi32, #tpu.memory_space<hbm>>
      %dma_wait3A_11 = tpu.memref_slice %arg3[%mul3A_2] : memref<16384xi32, #tpu.memory_space<hbm>> -> memref<512xi32, #tpu.memory_space<hbm>>
      tpu.wait_dma2 semaphore(%run_scoped3A : memref<!tpu.dma_semaphore, #tpu.memory_space<semaphore_mem>>) src(%dma_wait3A_11 : memref<512xi32, #tpu.memory_space<hbm>>) dst(%arg11 : memref<512xi32, #tpu.memory_space<vmem>>)
      tpu.yield
    }) : () -> ()
    "tpu.region"() ({
      %run_scoped3A = tpu.sem_alloc : memref<!tpu.dma_semaphore, #tpu.memory_space<semaphore_mem>>
      %dma_start3A = tpu.memref_slice %arg4[%mul3A_2] : memref<16384xi32, #tpu.memory_space<hbm>> -> memref<512xi32, #tpu.memory_space<hbm>>
      %dma_start3A_10 = tpu.memref_slice %arg4[%mul3A_2] : memref<16384xi32, #tpu.memory_space<hbm>> -> memref<512xi32, #tpu.memory_space<hbm>>
      tpu.enqueue_dma source(%dma_start3A_10 : memref<512xi32, #tpu.memory_space<hbm>>) target(%arg12 : memref<512xi32, #tpu.memory_space<vmem>>) target_semaphore(%run_scoped3A : memref<!tpu.dma_semaphore, #tpu.memory_space<semaphore_mem>>)
      %dma_wait3A = tpu.memref_slice %arg4[%mul3A_2] : memref<16384xi32, #tpu.memory_space<hbm>> -> memref<512xi32, #tpu.memory_space<hbm>>
      %dma_wait3A_11 = tpu.memref_slice %arg4[%mul3A_2] : memref<16384xi32, #tpu.memory_space<hbm>> -> memref<512xi32, #tpu.memory_space<hbm>>
      tpu.wait_dma2 semaphore(%run_scoped3A : memref<!tpu.dma_semaphore, #tpu.memory_space<semaphore_mem>>) src(%dma_wait3A_11 : memref<512xi32, #tpu.memory_space<hbm>>) dst(%arg12 : memref<512xi32, #tpu.memory_space<vmem>>)
      tpu.yield
    }) : () -> ()
    %broadcast_in_dim3A = arith.constant 0.000000e+00 : f32
    %broadcast_in_dim3A_3 = vector.broadcast %broadcast_in_dim3A : f32 to vector<16xf32>
    %scan3A = arith.constant 0 : i32
    %scan3A_4 = arith.constant 32 : i32
    %scan3A_5 = arith.addi %scan3A, %scan3A_4 : i32
    %scan3A_6 = arith.constant 1 : i32
    %scan3A_7 = scf.for %scan3A_10 = %scan3A to %scan3A_5 step %scan3A_6 iter_args(%scan3A_11 = %broadcast_in_dim3A_3) -> (vector<16xf32>)  : i32 {
      %mul3A_12 = arith.constant 16 : i32
      %mul3A_13 = arith.muli %scan3A_10, %mul3A_12 : i32
      %get3A = arith.index_cast %mul3A_13 : i32 to index
      %get3A_14 = tpu.vector_load %arg10[%get3A] {strides = array<i32>} : memref<512xi32, #tpu.memory_space<vmem>>, vector<16xi32>,
      %get3A_15 = arith.index_cast %mul3A_13 : i32 to index
      %get3A_16 = tpu.vector_load %arg11[%get3A_15] {strides = array<i32>} : memref<512xi32, #tpu.memory_space<vmem>>, vector<16xi32>,
      %get3A_17 = arith.index_cast %mul3A_13 : i32 to index
      %get3A_18 = tpu.vector_load %arg12[%get3A_17] {strides = array<i32>} : memref<512xi32, #tpu.memory_space<vmem>>, vector<16xi32>,
      %and3A = arith.constant -128 : i32
      %and3A_19 = vector.broadcast %and3A : i32 to vector<16xi32>
      %and3A_20 = arith.andi %get3A_14, %and3A_19 : vector<16xi32>
      %and3A_21 = arith.constant -128 : i32
      %and3A_22 = vector.broadcast %and3A_21 : i32 to vector<16xi32>
      %and3A_23 = arith.andi %get3A_16, %and3A_22 : vector<16xi32>
      %and3A_24 = arith.constant -128 : i32
      %and3A_25 = vector.broadcast %and3A_24 : i32 to vector<16xi32>
      %and3A_26 = arith.andi %get3A_18, %and3A_25 : vector<16xi32>
      %slice3A = vector.extract_strided_slice %and3A_20 {offsets = [0], sizes = [1], strides = [1]} : vector<16xi32> to vector<1xi32>
      %squeeze3A = vector.extract %slice3A[0] : i32 from vector<1xi32>
      %multiple_of3A = tpu.assume_multiple %squeeze3A, 128 : i32
      %slice3A_27 = vector.extract_strided_slice %and3A_23 {offsets = [0], sizes = [1], strides = [1]} : vector<16xi32> to vector<1xi32>
      %squeeze3A_28 = vector.extract %slice3A_27[0] : i32 from vector<1xi32>
      %multiple_of3A_29 = tpu.assume_multiple %squeeze3A_28, 128 : i32
      %slice3A_30 = vector.extract_strided_slice %and3A_26 {offsets = [0], sizes = [1], strides = [1]} : vector<16xi32> to vector<1xi32>
      %squeeze3A_31 = vector.extract %slice3A_30[0] : i32 from vector<1xi32>
      %multiple_of3A_32 = tpu.assume_multiple %squeeze3A_31, 128 : i32
      %dma_start3A = arith.constant 0 : i32
      %dma_start3A_33 = arith.constant 0 : i32
      %dma_start3A_34 = tpu.memref_slice %arg13[%dma_start3A, %dma_start3A_33] : memref<256x128xf32, #tpu.memory_space<vmem>> -> memref<16x128xf32, #tpu.memory_space<vmem>>
      %dma_start3A_35 = arith.constant 0 : i32
      %dma_start3A_36 = tpu.memref_slice %arg5[%dma_start3A_35, %multiple_of3A] : memref<16x1000000xf32, #tpu.memory_space<hbm>> -> memref<16x128xf32, #tpu.memory_space<hbm>>
      %dma_start3A_37 = arith.constant 0 : i32
      %dma_start3A_38 = arith.constant 0 : i32
      %dma_start3A_39 = tpu.memref_slice %arg13[%dma_start3A_37, %dma_start3A_38] : memref<256x128xf32, #tpu.memory_space<vmem>> -> memref<16x128xf32, #tpu.memory_space<vmem>>
      %dma_start3A_40 = arith.constant 0 : i32
      %dma_start3A_41 = tpu.memref_slice %arg5[%dma_start3A_40, %multiple_of3A] : memref<16x1000000xf32, #tpu.memory_space<hbm>> -> memref<16x128xf32, #tpu.memory_space<hbm>>
      tpu.enqueue_dma source(%dma_start3A_41 : memref<16x128xf32, #tpu.memory_space<hbm>>) target(%dma_start3A_39 : memref<16x128xf32, #tpu.memory_space<vmem>>) target_semaphore(%arg19 : memref<!tpu.dma_semaphore, #tpu.memory_space<semaphore_mem>>)
      %dma_start3A_42 = arith.constant 0 : i32
      %dma_start3A_43 = arith.constant 0 : i32
      %dma_start3A_44 = tpu.memref_slice %arg14[%dma_start3A_42, %dma_start3A_43] : memref<256x128xf32, #tpu.memory_space<vmem>> -> memref<16x128xf32, #tpu.memory_space<vmem>>
      %dma_start3A_45 = arith.constant 0 : i32
      %dma_start3A_46 = tpu.memref_slice %arg6[%dma_start3A_45, %multiple_of3A_29] : memref<16x1000000xf32, #tpu.memory_space<hbm>> -> memref<16x128xf32, #tpu.memory_space<hbm>>
      %dma_start3A_47 = arith.constant 0 : i32
      %dma_start3A_48 = arith.constant 0 : i32
      %dma_start3A_49 = tpu.memref_slice %arg14[%dma_start3A_47, %dma_start3A_48] : memref<256x128xf32, #tpu.memory_space<vmem>> -> memref<16x128xf32, #tpu.memory_space<vmem>>
      %dma_start3A_50 = arith.constant 0 : i32
      %dma_start3A_51 = tpu.memref_slice %arg6[%dma_start3A_50, %multiple_of3A_29] : memref<16x1000000xf32, #tpu.memory_space<hbm>> -> memref<16x128xf32, #tpu.memory_space<hbm>>
      tpu.enqueue_dma source(%dma_start3A_51 : memref<16x128xf32, #tpu.memory_space<hbm>>) target(%dma_start3A_49 : memref<16x128xf32, #tpu.memory_space<vmem>>) target_semaphore(%arg19 : memref<!tpu.dma_semaphore, #tpu.memory_space<semaphore_mem>>)
      %dma_start3A_52 = arith.constant 0 : i32
      %dma_start3A_53 = arith.constant 0 : i32
      %dma_start3A_54 = tpu.memref_slice %arg15[%dma_start3A_52, %dma_start3A_53] : memref<256x128xf32, #tpu.memory_space<vmem>> -> memref<16x128xf32, #tpu.memory_space<vmem>>
      %dma_start3A_55 = arith.constant 0 : i32
      %dma_start3A_56 = tpu.memref_slice %arg6[%dma_start3A_55, %multiple_of3A_32] : memref<16x1000000xf32, #tpu.memory_space<hbm>> -> memref<16x128xf32, #tpu.memory_space<hbm>>
      %dma_start3A_57 = arith.constant 0 : i32
      %dma_start3A_58 = arith.constant 0 : i32
      %dma_start3A_59 = tpu.memref_slice %arg15[%dma_start3A_57, %dma_start3A_58] : memref<256x128xf32, #tpu.memory_space<vmem>> -> memref<16x128xf32, #tpu.memory_space<vmem>>
      %dma_start3A_60 = arith.constant 0 : i32
      %dma_start3A_61 = tpu.memref_slice %arg6[%dma_start3A_60, %multiple_of3A_32] : memref<16x1000000xf32, #tpu.memory_space<hbm>> -> memref<16x128xf32, #tpu.memory_space<hbm>>
      tpu.enqueue_dma source(%dma_start3A_61 : memref<16x128xf32, #tpu.memory_space<hbm>>) target(%dma_start3A_59 : memref<16x128xf32, #tpu.memory_space<vmem>>) target_semaphore(%arg19 : memref<!tpu.dma_semaphore, #tpu.memory_space<semaphore_mem>>)
      %slice3A_62 = vector.extract_strided_slice %and3A_20 {offsets = [1], sizes = [1], strides = [1]} : vector<16xi32> to vector<1xi32>
      %squeeze3A_63 = vector.extract %slice3A_62[0] : i32 from vector<1xi32>
      %multiple_of3A_64 = tpu.assume_multiple %squeeze3A_63, 128 : i32
      %slice3A_65 = vector.extract_strided_slice %and3A_23 {offsets = [1], sizes = [1], strides = [1]} : vector<16xi32> to vector<1xi32>
      %squeeze3A_66 = vector.extract %slice3A_65[0] : i32 from vector<1xi32>
      %multiple_of3A_67 = tpu.assume_multiple %squeeze3A_66, 128 : i32
      %slice3A_68 = vector.extract_strided_slice %and3A_26 {offsets = [1], sizes = [1], strides = [1]} : vector<16xi32> to vector<1xi32>
      %squeeze3A_69 = vector.extract %slice3A_68[0] : i32 from vector<1xi32>
      %multiple_of3A_70 = tpu.assume_multiple %squeeze3A_69, 128 : i32
      %dma_start3A_71 = arith.constant 16 : i32
      %dma_start3A_72 = arith.constant 0 : i32
      %dma_start3A_73 = tpu.memref_slice %arg13[%dma_start3A_71, %dma_start3A_72] : memref<256x128xf32, #tpu.memory_space<vmem>> -> memref<16x128xf32, #tpu.memory_space<vmem>>
      %dma_start3A_74 = arith.constant 0 : i32
      %dma_start3A_75 = tpu.memref_slice %arg5[%dma_start3A_74, %multiple_of3A_64] : memref<16x1000000xf32, #tpu.memory_space<hbm>> -> memref<16x128xf32, #tpu.memory_space<hbm>>
      %dma_start3A_76 = arith.constant 16 : i32
      %dma_start3A_77 = arith.constant 0 : i32
      %dma_start3A_78 = tpu.memref_slice %arg13[%dma_start3A_76, %dma_start3A_77] : memref<256x128xf32, #tpu.memory_space<vmem>> -> memref<16x128xf32, #tpu.memory_space<vmem>>
      %dma_start3A_79 = arith.constant 0 : i32
      %dma_start3A_80 = tpu.memref_slice %arg5[%dma_start3A_79, %multiple_of3A_64] : memref<16x1000000xf32, #tpu.memory_space<hbm>> -> memref<16x128xf32, #tpu.memory_space<hbm>>
      tpu.enqueue_dma source(%dma_start3A_80 : memref<16x128xf32, #tpu.memory_space<hbm>>) target(%dma_start3A_78 : memref<16x128xf32, #tpu.memory_space<vmem>>) target_semaphore(%arg19 : memref<!tpu.dma_semaphore, #tpu.memory_space<semaphore_mem>>)
      %dma_start3A_81 = arith.constant 16 : i32
      %dma_start3A_82 = arith.constant 0 : i32
      %dma_start3A_83 = tpu.memref_slice %arg14[%dma_start3A_81, %dma_start3A_82] : memref<256x128xf32, #tpu.memory_space<vmem>> -> memref<16x128xf32, #tpu.memory_space<vmem>>
      %dma_start3A_84 = arith.constant 0 : i32
      %dma_start3A_85 = tpu.memref_slice %arg6[%dma_start3A_84, %multiple_of3A_67] : memref<16x1000000xf32, #tpu.memory_space<hbm>> -> memref<16x128xf32, #tpu.memory_space<hbm>>
      %dma_start3A_86 = arith.constant 16 : i32
      %dma_start3A_87 = arith.constant 0 : i32
      %dma_start3A_88 = tpu.memref_slice %arg14[%dma_start3A_86, %dma_start3A_87] : memref<256x128xf32, #tpu.memory_space<vmem>> -> memref<16x128xf32, #tpu.memory_space<vmem>>
      %dma_start3A_89 = arith.constant 0 : i32
      %dma_start3A_90 = tpu.memref_slice %arg6[%dma_start3A_89, %multiple_of3A_67] : memref<16x1000000xf32, #tpu.memory_space<hbm>> -> memref<16x128xf32, #tpu.memory_space<hbm>>
      tpu.enqueue_dma source(%dma_start3A_90 : memref<16x128xf32, #tpu.memory_space<hbm>>) target(%dma_start3A_88 : memref<16x128xf32, #tpu.memory_space<vmem>>) target_semaphore(%arg19 : memref<!tpu.dma_semaphore, #tpu.memory_space<semaphore_mem>>)
      %dma_start3A_91 = arith.constant 16 : i32
      %dma_start3A_92 = arith.constant 0 : i32
      %dma_start3A_93 = tpu.memref_slice %arg15[%dma_start3A_91, %dma_start3A_92] : memref<256x128xf32, #tpu.memory_space<vmem>> -> memref<16x128xf32, #tpu.memory_space<vmem>>
      %dma_start3A_94 = arith.constant 0 : i32
      %dma_start3A_95 = tpu.memref_slice %arg6[%dma_start3A_94, %multiple_of3A_70] : memref<16x1000000xf32, #tpu.memory_space<hbm>> -> memref<16x128xf32, #tpu.memory_space<hbm>>
      %dma_start3A_96 = arith.constant 16 : i32
      %dma_start3A_97 = arith.constant 0 : i32
      %dma_start3A_98 = tpu.memref_slice %arg15[%dma_start3A_96, %dma_start3A_97] : memref<256x128xf32, #tpu.memory_space<vmem>> -> memref<16x128xf32, #tpu.memory_space<vmem>>
      %dma_start3A_99 = arith.constant 0 : i32
      %dma_start3A_100 = tpu.memref_slice %arg6[%dma_start3A_99, %multiple_of3A_70] : memref<16x1000000xf32, #tpu.memory_space<hbm>> -> memref<16x128xf32, #tpu.memory_space<hbm>>
      tpu.enqueue_dma source(%dma_start3A_100 : memref<16x128xf32, #tpu.memory_space<hbm>>) target(%dma_start3A_98 : memref<16x128xf32, #tpu.memory_space<vmem>>) target_semaphore(%arg19 : memref<!tpu.dma_semaphore, #tpu.memory_space<semaphore_mem>>)
      %slice3A_101 = vector.extract_strided_slice %and3A_20 {offsets = [2], sizes = [1], strides = [1]} : vector<16xi32> to vector<1xi32>
      %squeeze3A_102 = vector.extract %slice3A_101[0] : i32 from vector<1xi32>
      %multiple_of3A_103 = tpu.assume_multiple %squeeze3A_102, 128 : i32
      %slice3A_104 = vector.extract_strided_slice %and3A_23 {offsets = [2], sizes = [1], strides = [1]} : vector<16xi32> to vector<1xi32>
      %squeeze3A_105 = vector.extract %slice3A_104[0] : i32 from vector<1xi32>
      %multiple_of3A_106 = tpu.assume_multiple %squeeze3A_105, 128 : i32
      %slice3A_107 = vector.extract_strided_slice %and3A_26 {offsets = [2], sizes = [1], strides = [1]} : vector<16xi32> to vector<1xi32>
      %squeeze3A_108 = vector.extract %slice3A_107[0] : i32 from vector<1xi32>
      %multiple_of3A_109 = tpu.assume_multiple %squeeze3A_108, 128 : i32
      %dma_start3A_110 = arith.constant 32 : i32
      %dma_start3A_111 = arith.constant 0 : i32
      %dma_start3A_112 = tpu.memref_slice %arg13[%dma_start3A_110, %dma_start3A_111] : memref<256x128xf32, #tpu.memory_space<vmem>> -> memref<16x128xf32, #tpu.memory_space<vmem>>
      %dma_start3A_113 = arith.constant 0 : i32
      %dma_start3A_114 = tpu.memref_slice %arg5[%dma_start3A_113, %multiple_of3A_103] : memref<16x1000000xf32, #tpu.memory_space<hbm>> -> memref<16x128xf32, #tpu.memory_space<hbm>>
      %dma_start3A_115 = arith.constant 32 : i32
      %dma_start3A_116 = arith.constant 0 : i32
      %dma_start3A_117 = tpu.memref_slice %arg13[%dma_start3A_115, %dma_start3A_116] : memref<256x128xf32, #tpu.memory_space<vmem>> -> memref<16x128xf32, #tpu.memory_space<vmem>>
      %dma_start3A_118 = arith.constant 0 : i32
      %dma_start3A_119 = tpu.memref_slice %arg5[%dma_start3A_118, %multiple_of3A_103] : memref<16x1000000xf32, #tpu.memory_space<hbm>> -> memref<16x128xf32, #tpu.memory_space<hbm>>
      tpu.enqueue_dma source(%dma_start3A_119 : memref<16x128xf32, #tpu.memory_space<hbm>>) target(%dma_start3A_117 : memref<16x128xf32, #tpu.memory_space<vmem>>) target_semaphore(%arg19 : memref<!tpu.dma_semaphore, #tpu.memory_space<semaphore_mem>>)
      %dma_start3A_120 = arith.constant 32 : i32
      %dma_start3A_121 = arith.constant 0 : i32
      %dma_start3A_122 = tpu.memref_slice %arg14[%dma_start3A_120, %dma_start3A_121] : memref<256x128xf32, #tpu.memory_space<vmem>> -> memref<16x128xf32, #tpu.memory_space<vmem>>
      %dma_start3A_123 = arith.constant 0 : i32
      %dma_start3A_124 = tpu.memref_slice %arg6[%dma_start3A_123, %multiple_of3A_106] : memref<16x1000000xf32, #tpu.memory_space<hbm>> -> memref<16x128xf32, #tpu.memory_space<hbm>>
      %dma_start3A_125 = arith.constant 32 : i32
      %dma_start3A_126 = arith.constant 0 : i32
      %dma_start3A_127 = tpu.memref_slice %arg14[%dma_start3A_125, %dma_start3A_126] : memref<256x128xf32, #tpu.memory_space<vmem>> -> memref<16x128xf32, #tpu.memory_space<vmem>>
      %dma_start3A_128 = arith.constant 0 : i32
      %dma_start3A_129 = tpu.memref_slice %arg6[%dma_start3A_128, %multiple_of3A_106] : memref<16x1000000xf32, #tpu.memory_space<hbm>> -> memref<16x128xf32, #tpu.memory_space<hbm>>
      tpu.enqueue_dma source(%dma_start3A_129 : memref<16x128xf32, #tpu.memory_space<hbm>>) target(%dma_start3A_127 : memref<16x128xf32, #tpu.memory_space<vmem>>) target_semaphore(%arg19 : memref<!tpu.dma_semaphore, #tpu.memory_space<semaphore_mem>>)
      %dma_start3A_130 = arith.constant 32 : i32
      %dma_start3A_131 = arith.constant 0 : i32
      %dma_start3A_132 = tpu.memref_slice %arg15[%dma_start3A_130, %dma_start3A_131] : memref<256x128xf32, #tpu.memory_space<vmem>> -> memref<16x128xf32, #tpu.memory_space<vmem>>
      %dma_start3A_133 = arith.constant 0 : i32
      %dma_start3A_134 = tpu.memref_slice %arg6[%dma_start3A_133, %multiple_of3A_109] : memref<16x1000000xf32, #tpu.memory_space<hbm>> -> memref<16x128xf32, #tpu.memory_space<hbm>>
      %dma_start3A_135 = arith.constant 32 : i32
      %dma_start3A_136 = arith.constant 0 : i32
      %dma_start3A_137 = tpu.memref_slice %arg15[%dma_start3A_135, %dma_start3A_136] : memref<256x128xf32, #tpu.memory_space<vmem>> -> memref<16x128xf32, #tpu.memory_space<vmem>>
      %dma_start3A_138 = arith.constant 0 : i32
      %dma_start3A_139 = tpu.memref_slice %arg6[%dma_start3A_138, %multiple_of3A_109] : memref<16x1000000xf32, #tpu.memory_space<hbm>> -> memref<16x128xf32, #tpu.memory_space<hbm>>
      tpu.enqueue_dma source(%dma_start3A_139 : memref<16x128xf32, #tpu.memory_space<hbm>>) target(%dma_start3A_137 : memref<16x128xf32, #tpu.memory_space<vmem>>) target_semaphore(%arg19 : memref<!tpu.dma_semaphore, #tpu.memory_space<semaphore_mem>>)
      %slice3A_140 = vector.extract_strided_slice %and3A_20 {offsets = [3], sizes = [1], strides = [1]} : vector<16xi32> to vector<1xi32>
      %squeeze3A_141 = vector.extract %slice3A_140[0] : i32 from vector<1xi32>
      %multiple_of3A_142 = tpu.assume_multiple %squeeze3A_141, 128 : i32
      %slice3A_143 = vector.extract_strided_slice %and3A_23 {offsets = [3], sizes = [1], strides = [1]} : vector<16xi32> to vector<1xi32>
      %squeeze3A_144 = vector.extract %slice3A_143[0] : i32 from vector<1xi32>
      %multiple_of3A_145 = tpu.assume_multiple %squeeze3A_144, 128 : i32
      %slice3A_146 = vector.extract_strided_slice %and3A_26 {offsets = [3], sizes = [1], strides = [1]} : vector<16xi32> to vector<1xi32>
      %squeeze3A_147 = vector.extract %slice3A_146[0] : i32 from vector<1xi32>
      %multiple_of3A_148 = tpu.assume_multiple %squeeze3A_147, 128 : i32
      %dma_start3A_149 = arith.constant 48 : i32
      %dma_start3A_150 = arith.constant 0 : i32
      %dma_start3A_151 = tpu.memref_slice %arg13[%dma_start3A_149, %dma_start3A_150] : memref<256x128xf32, #tpu.memory_space<vmem>> -> memref<16x128xf32, #tpu.memory_space<vmem>>
      %dma_start3A_152 = arith.constant 0 : i32
      %dma_start3A_153 = tpu.memref_slice %arg5[%dma_start3A_152, %multiple_of3A_142] : memref<16x1000000xf32, #tpu.memory_space<hbm>> -> memref<16x128xf32, #tpu.memory_space<hbm>>
      %dma_start3A_154 = arith.constant 48 : i32
      %dma_start3A_155 = arith.constant 0 : i32
      %dma_start3A_156 = tpu.memref_slice %arg13[%dma_start3A_154, %dma_start3A_155] : memref<256x128xf32, #tpu.memory_space<vmem>> -> memref<16x128xf32, #tpu.memory_space<vmem>>
      %dma_start3A_157 = arith.constant 0 : i32
      %dma_start3A_158 = tpu.memref_slice %arg5[%dma_start3A_157, %multiple_of3A_142] : memref<16x1000000xf32, #tpu.memory_space<hbm>> -> memref<16x128xf32, #tpu.memory_space<hbm>>
      tpu.enqueue_dma source(%dma_start3A_158 : memref<16x128xf32, #tpu.memory_space<hbm>>) target(%dma_start3A_156 : memref<16x128xf32, #tpu.memory_space<vmem>>) target_semaphore(%arg19 : memref<!tpu.dma_semaphore, #tpu.memory_space<semaphore_mem>>)
      %dma_start3A_159 = arith.constant 48 : i32
      %dma_start3A_160 = arith.constant 0 : i32
      %dma_start3A_161 = tpu.memref_slice %arg14[%dma_start3A_159, %dma_start3A_160] : memref<256x128xf32, #tpu.memory_space<vmem>> -> memref<16x128xf32, #tpu.memory_space<vmem>>
      %dma_start3A_162 = arith.constant 0 : i32
      %dma_start3A_163 = tpu.memref_slice %arg6[%dma_start3A_162, %multiple_of3A_145] : memref<16x1000000xf32, #tpu.memory_space<hbm>> -> memref<16x128xf32, #tpu.memory_space<hbm>>
      %dma_start3A_164 = arith.constant 48 : i32
      %dma_start3A_165 = arith.constant 0 : i32
      %dma_start3A_166 = tpu.memref_slice %arg14[%dma_start3A_164, %dma_start3A_165] : memref<256x128xf32, #tpu.memory_space<vmem>> -> memref<16x128xf32, #tpu.memory_space<vmem>>
      %dma_start3A_167 = arith.constant 0 : i32
      %dma_start3A_168 = tpu.memref_slice %arg6[%dma_start3A_167, %multiple_of3A_145] : memref<16x1000000xf32, #tpu.memory_space<hbm>> -> memref<16x128xf32, #tpu.memory_space<hbm>>
      tpu.enqueue_dma source(%dma_start3A_168 : memref<16x128xf32, #tpu.memory_space<hbm>>) target(%dma_start3A_166 : memref<16x128xf32, #tpu.memory_space<vmem>>) target_semaphore(%arg19 : memref<!tpu.dma_semaphore, #tpu.memory_space<semaphore_mem>>)
      %dma_start3A_169 = arith.constant 48 : i32
      %dma_start3A_170 = arith.constant 0 : i32
      %dma_start3A_171 = tpu.memref_slice %arg15[%dma_start3A_169, %dma_start3A_170] : memref<256x128xf32, #tpu.memory_space<vmem>> -> memref<16x128xf32, #tpu.memory_space<vmem>>
      %dma_start3A_172 = arith.constant 0 : i32
      %dma_start3A_173 = tpu.memref_slice %arg6[%dma_start3A_172, %multiple_of3A_148] : memref<16x1000000xf32, #tpu.memory_space<hbm>> -> memref<16x128xf32, #tpu.memory_space<hbm>>
      %dma_start3A_174 = arith.constant 48 : i32
      %dma_start3A_175 = arith.constant 0 : i32
      %dma_start3A_176 = tpu.memref_slice %arg15[%dma_start3A_174, %dma_start3A_175] : memref<256x128xf32, #tpu.memory_space<vmem>> -> memref<16x128xf32, #tpu.memory_space<vmem>>
      %dma_start3A_177 = arith.constant 0 : i32
      %dma_start3A_178 = tpu.memref_slice %arg6[%dma_start3A_177, %multiple_of3A_148] : memref<16x1000000xf32, #tpu.memory_space<hbm>> -> memref<16x128xf32, #tpu.memory_space<hbm>>
      tpu.enqueue_dma source(%dma_start3A_178 : memref<16x128xf32, #tpu.memory_space<hbm>>) target(%dma_start3A_176 : memref<16x128xf32, #tpu.memory_space<vmem>>) target_semaphore(%arg19 : memref<!tpu.dma_semaphore, #tpu.memory_space<semaphore_mem>>)
      %slice3A_179 = vector.extract_strided_slice %and3A_20 {offsets = [4], sizes = [1], strides = [1]} : vector<16xi32> to vector<1xi32>
      %squeeze3A_180 = vector.extract %slice3A_179[0] : i32 from vector<1xi32>
      %multiple_of3A_181 = tpu.assume_multiple %squeeze3A_180, 128 : i32
      %slice3A_182 = vector.extract_strided_slice %and3A_23 {offsets = [4], sizes = [1], strides = [1]} : vector<16xi32> to vector<1xi32>
      %squeeze3A_183 = vector.extract %slice3A_182[0] : i32 from vector<1xi32>
      %multiple_of3A_184 = tpu.assume_multiple %squeeze3A_183, 128 : i32
      %slice3A_185 = vector.extract_strided_slice %and3A_26 {offsets = [4], sizes = [1], strides = [1]} : vector<16xi32> to vector<1xi32>
      %squeeze3A_186 = vector.extract %slice3A_185[0] : i32 from vector<1xi32>
      %multiple_of3A_187 = tpu.assume_multiple %squeeze3A_186, 128 : i32
      %dma_start3A_188 = arith.constant 64 : i32
      %dma_start3A_189 = arith.constant 0 : i32
      %dma_start3A_190 = tpu.memref_slice %arg13[%dma_start3A_188, %dma_start3A_189] : memref<256x128xf32, #tpu.memory_space<vmem>> -> memref<16x128xf32, #tpu.memory_space<vmem>>
      %dma_start3A_191 = arith.constant 0 : i32
      %dma_start3A_192 = tpu.memref_slice %arg5[%dma_start3A_191, %multiple_of3A_181] : memref<16x1000000xf32, #tpu.memory_space<hbm>> -> memref<16x128xf32, #tpu.memory_space<hbm>>
      %dma_start3A_193 = arith.constant 64 : i32
      %dma_start3A_194 = arith.constant 0 : i32
      %dma_start3A_195 = tpu.memref_slice %arg13[%dma_start3A_193, %dma_start3A_194] : memref<256x128xf32, #tpu.memory_space<vmem>> -> memref<16x128xf32, #tpu.memory_space<vmem>>
      %dma_start3A_196 = arith.constant 0 : i32
      %dma_start3A_197 = tpu.memref_slice %arg5[%dma_start3A_196, %multiple_of3A_181] : memref<16x1000000xf32, #tpu.memory_space<hbm>> -> memref<16x128xf32, #tpu.memory_space<hbm>>
      tpu.enqueue_dma source(%dma_start3A_197 : memref<16x128xf32, #tpu.memory_space<hbm>>) target(%dma_start3A_195 : memref<16x128xf32, #tpu.memory_space<vmem>>) target_semaphore(%arg19 : memref<!tpu.dma_semaphore, #tpu.memory_space<semaphore_mem>>)
      %dma_start3A_198 = arith.constant 64 : i32
      %dma_start3A_199 = arith.constant 0 : i32
      %dma_start3A_200 = tpu.memref_slice %arg14[%dma_start3A_198, %dma_start3A_199] : memref<256x128xf32, #tpu.memory_space<vmem>> -> memref<16x128xf32, #tpu.memory_space<vmem>>
      %dma_start3A_201 = arith.constant 0 : i32
      %dma_start3A_202 = tpu.memref_slice %arg6[%dma_start3A_201, %multiple_of3A_184] : memref<16x1000000xf32, #tpu.memory_space<hbm>> -> memref<16x128xf32, #tpu.memory_space<hbm>>
      %dma_start3A_203 = arith.constant 64 : i32
      %dma_start3A_204 = arith.constant 0 : i32
      %dma_start3A_205 = tpu.memref_slice %arg14[%dma_start3A_203, %dma_start3A_204] : memref<256x128xf32, #tpu.memory_space<vmem>> -> memref<16x128xf32, #tpu.memory_space<vmem>>
      %dma_start3A_206 = arith.constant 0 : i32
      %dma_start3A_207 = tpu.memref_slice %arg6[%dma_start3A_206, %multiple_of3A_184] : memref<16x1000000xf32, #tpu.memory_space<hbm>> -> memref<16x128xf32, #tpu.memory_space<hbm>>
      tpu.enqueue_dma source(%dma_start3A_207 : memref<16x128xf32, #tpu.memory_space<hbm>>) target(%dma_start3A_205 : memref<16x128xf32, #tpu.memory_space<vmem>>) target_semaphore(%arg19 : memref<!tpu.dma_semaphore, #tpu.memory_space<semaphore_mem>>)
      %dma_start3A_208 = arith.constant 64 : i32
      %dma_start3A_209 = arith.constant 0 : i32
      %dma_start3A_210 = tpu.memref_slice %arg15[%dma_start3A_208, %dma_start3A_209] : memref<256x128xf32, #tpu.memory_space<vmem>> -> memref<16x128xf32, #tpu.memory_space<vmem>>
      %dma_start3A_211 = arith.constant 0 : i32
      %dma_start3A_212 = tpu.memref_slice %arg6[%dma_start3A_211, %multiple_of3A_187] : memref<16x1000000xf32, #tpu.memory_space<hbm>> -> memref<16x128xf32, #tpu.memory_space<hbm>>
      %dma_start3A_213 = arith.constant 64 : i32
      %dma_start3A_214 = arith.constant 0 : i32
      %dma_start3A_215 = tpu.memref_slice %arg15[%dma_start3A_213, %dma_start3A_214] : memref<256x128xf32, #tpu.memory_space<vmem>> -> memref<16x128xf32, #tpu.memory_space<vmem>>
      %dma_start3A_216 = arith.constant 0 : i32
      %dma_start3A_217 = tpu.memref_slice %arg6[%dma_start3A_216, %multiple_of3A_187] : memref<16x1000000xf32, #tpu.memory_space<hbm>> -> memref<16x128xf32, #tpu.memory_space<hbm>>
      tpu.enqueue_dma source(%dma_start3A_217 : memref<16x128xf32, #tpu.memory_space<hbm>>) target(%dma_start3A_215 : memref<16x128xf32, #tpu.memory_space<vmem>>) target_semaphore(%arg19 : memref<!tpu.dma_semaphore, #tpu.memory_space<semaphore_mem>>)
      %slice3A_218 = vector.extract_strided_slice %and3A_20 {offsets = [5], sizes = [1], strides = [1]} : vector<16xi32> to vector<1xi32>
      %squeeze3A_219 = vector.extract %slice3A_218[0] : i32 from vector<1xi32>
      %multiple_of3A_220 = tpu.assume_multiple %squeeze3A_219, 128 : i32
      %slice3A_221 = vector.extract_strided_slice %and3A_23 {offsets = [5], sizes = [1], strides = [1]} : vector<16xi32> to vector<1xi32>
      %squeeze3A_222 = vector.extract %slice3A_221[0] : i32 from vector<1xi32>
      %multiple_of3A_223 = tpu.assume_multiple %squeeze3A_222, 128 : i32
      %slice3A_224 = vector.extract_strided_slice %and3A_26 {offsets = [5], sizes = [1], strides = [1]} : vector<16xi32> to vector<1xi32>
      %squeeze3A_225 = vector.extract %slice3A_224[0] : i32 from vector<1xi32>
      %multiple_of3A_226 = tpu.assume_multiple %squeeze3A_225, 128 : i32
      %dma_start3A_227 = arith.constant 80 : i32
      %dma_start3A_228 = arith.constant 0 : i32
      %dma_start3A_229 = tpu.memref_slice %arg13[%dma_start3A_227, %dma_start3A_228] : memref<256x128xf32, #tpu.memory_space<vmem>> -> memref<16x128xf32, #tpu.memory_space<vmem>>
      %dma_start3A_230 = arith.constant 0 : i32
      %dma_start3A_231 = tpu.memref_slice %arg5[%dma_start3A_230, %multiple_of3A_220] : memref<16x1000000xf32, #tpu.memory_space<hbm>> -> memref<16x128xf32, #tpu.memory_space<hbm>>
      %dma_start3A_232 = arith.constant 80 : i32
      %dma_start3A_233 = arith.constant 0 : i32
      %dma_start3A_234 = tpu.memref_slice %arg13[%dma_start3A_232, %dma_start3A_233] : memref<256x128xf32, #tpu.memory_space<vmem>> -> memref<16x128xf32, #tpu.memory_space<vmem>>
      %dma_start3A_235 = arith.constant 0 : i32
      %dma_start3A_236 = tpu.memref_slice %arg5[%dma_start3A_235, %multiple_of3A_220] : memref<16x1000000xf32, #tpu.memory_space<hbm>> -> memref<16x128xf32, #tpu.memory_space<hbm>>
      tpu.enqueue_dma source(%dma_start3A_236 : memref<16x128xf32, #tpu.memory_space<hbm>>) target(%dma_start3A_234 : memref<16x128xf32, #tpu.memory_space<vmem>>) target_semaphore(%arg19 : memref<!tpu.dma_semaphore, #tpu.memory_space<semaphore_mem>>)
      %dma_start3A_237 = arith.constant 80 : i32
      %dma_start3A_238 = arith.constant 0 : i32
      %dma_start3A_239 = tpu.memref_slice %arg14[%dma_start3A_237, %dma_start3A_238] : memref<256x128xf32, #tpu.memory_space<vmem>> -> memref<16x128xf32, #tpu.memory_space<vmem>>
      %dma_start3A_240 = arith.constant 0 : i32
      %dma_start3A_241 = tpu.memref_slice %arg6[%dma_start3A_240, %multiple_of3A_223] : memref<16x1000000xf32, #tpu.memory_space<hbm>> -> memref<16x128xf32, #tpu.memory_space<hbm>>
      %dma_start3A_242 = arith.constant 80 : i32
      %dma_start3A_243 = arith.constant 0 : i32
      %dma_start3A_244 = tpu.memref_slice %arg14[%dma_start3A_242, %dma_start3A_243] : memref<256x128xf32, #tpu.memory_space<vmem>> -> memref<16x128xf32, #tpu.memory_space<vmem>>
      %dma_start3A_245 = arith.constant 0 : i32
      %dma_start3A_246 = tpu.memref_slice %arg6[%dma_start3A_245, %multiple_of3A_223] : memref<16x1000000xf32, #tpu.memory_space<hbm>> -> memref<16x128xf32, #tpu.memory_space<hbm>>
      tpu.enqueue_dma source(%dma_start3A_246 : memref<16x128xf32, #tpu.memory_space<hbm>>) target(%dma_start3A_244 : memref<16x128xf32, #tpu.memory_space<vmem>>) target_semaphore(%arg19 : memref<!tpu.dma_semaphore, #tpu.memory_space<semaphore_mem>>)
      %dma_start3A_247 = arith.constant 80 : i32
      %dma_start3A_248 = arith.constant 0 : i32
      %dma_start3A_249 = tpu.memref_slice %arg15[%dma_start3A_247, %dma_start3A_248] : memref<256x128xf32, #tpu.memory_space<vmem>> -> memref<16x128xf32, #tpu.memory_space<vmem>>
      %dma_start3A_250 = arith.constant 0 : i32
      %dma_start3A_251 = tpu.memref_slice %arg6[%dma_start3A_250, %multiple_of3A_226] : memref<16x1000000xf32, #tpu.memory_space<hbm>> -> memref<16x128xf32, #tpu.memory_space<hbm>>
      %dma_start3A_252 = arith.constant 80 : i32
      %dma_start3A_253 = arith.constant 0 : i32
      %dma_start3A_254 = tpu.memref_slice %arg15[%dma_start3A_252, %dma_start3A_253] : memref<256x128xf32, #tpu.memory_space<vmem>> -> memref<16x128xf32, #tpu.memory_space<vmem>>
      %dma_start3A_255 = arith.constant 0 : i32
      %dma_start3A_256 = tpu.memref_slice %arg6[%dma_start3A_255, %multiple_of3A_226] : memref<16x1000000xf32, #tpu.memory_space<hbm>> -> memref<16x128xf32, #tpu.memory_space<hbm>>
      tpu.enqueue_dma source(%dma_start3A_256 : memref<16x128xf32, #tpu.memory_space<hbm>>) target(%dma_start3A_254 : memref<16x128xf32, #tpu.memory_space<vmem>>) target_semaphore(%arg19 : memref<!tpu.dma_semaphore, #tpu.memory_space<semaphore_mem>>)
      %slice3A_257 = vector.extract_strided_slice %and3A_20 {offsets = [6], sizes = [1], strides = [1]} : vector<16xi32> to vector<1xi32>
      %squeeze3A_258 = vector.extract %slice3A_257[0] : i32 from vector<1xi32>
      %multiple_of3A_259 = tpu.assume_multiple %squeeze3A_258, 128 : i32
      %slice3A_260 = vector.extract_strided_slice %and3A_23 {offsets = [6], sizes = [1], strides = [1]} : vector<16xi32> to vector<1xi32>
      %squeeze3A_261 = vector.extract %slice3A_260[0] : i32 from vector<1xi32>
      %multiple_of3A_262 = tpu.assume_multiple %squeeze3A_261, 128 : i32
      %slice3A_263 = vector.extract_strided_slice %and3A_26 {offsets = [6], sizes = [1], strides = [1]} : vector<16xi32> to vector<1xi32>
      %squeeze3A_264 = vector.extract %slice3A_263[0] : i32 from vector<1xi32>
      %multiple_of3A_265 = tpu.assume_multiple %squeeze3A_264, 128 : i32
      %dma_start3A_266 = arith.constant 96 : i32
      %dma_start3A_267 = arith.constant 0 : i32
      %dma_start3A_268 = tpu.memref_slice %arg13[%dma_start3A_266, %dma_start3A_267] : memref<256x128xf32, #tpu.memory_space<vmem>> -> memref<16x128xf32, #tpu.memory_space<vmem>>
      %dma_start3A_269 = arith.constant 0 : i32
      %dma_start3A_270 = tpu.memref_slice %arg5[%dma_start3A_269, %multiple_of3A_259] : memref<16x1000000xf32, #tpu.memory_space<hbm>> -> memref<16x128xf32, #tpu.memory_space<hbm>>
      %dma_start3A_271 = arith.constant 96 : i32
      %dma_start3A_272 = arith.constant 0 : i32
      %dma_start3A_273 = tpu.memref_slice %arg13[%dma_start3A_271, %dma_start3A_272] : memref<256x128xf32, #tpu.memory_space<vmem>> -> memref<16x128xf32, #tpu.memory_space<vmem>>
      %dma_start3A_274 = arith.constant 0 : i32
      %dma_start3A_275 = tpu.memref_slice %arg5[%dma_start3A_274, %multiple_of3A_259] : memref<16x1000000xf32, #tpu.memory_space<hbm>> -> memref<16x128xf32, #tpu.memory_space<hbm>>
      tpu.enqueue_dma source(%dma_start3A_275 : memref<16x128xf32, #tpu.memory_space<hbm>>) target(%dma_start3A_273 : memref<16x128xf32, #tpu.memory_space<vmem>>) target_semaphore(%arg19 : memref<!tpu.dma_semaphore, #tpu.memory_space<semaphore_mem>>)
      %dma_start3A_276 = arith.constant 96 : i32
      %dma_start3A_277 = arith.constant 0 : i32
      %dma_start3A_278 = tpu.memref_slice %arg14[%dma_start3A_276, %dma_start3A_277] : memref<256x128xf32, #tpu.memory_space<vmem>> -> memref<16x128xf32, #tpu.memory_space<vmem>>
      %dma_start3A_279 = arith.constant 0 : i32
      %dma_start3A_280 = tpu.memref_slice %arg6[%dma_start3A_279, %multiple_of3A_262] : memref<16x1000000xf32, #tpu.memory_space<hbm>> -> memref<16x128xf32, #tpu.memory_space<hbm>>
      %dma_start3A_281 = arith.constant 96 : i32
      %dma_start3A_282 = arith.constant 0 : i32
      %dma_start3A_283 = tpu.memref_slice %arg14[%dma_start3A_281, %dma_start3A_282] : memref<256x128xf32, #tpu.memory_space<vmem>> -> memref<16x128xf32, #tpu.memory_space<vmem>>
      %dma_start3A_284 = arith.constant 0 : i32
      %dma_start3A_285 = tpu.memref_slice %arg6[%dma_start3A_284, %multiple_of3A_262] : memref<16x1000000xf32, #tpu.memory_space<hbm>> -> memref<16x128xf32, #tpu.memory_space<hbm>>
      tpu.enqueue_dma source(%dma_start3A_285 : memref<16x128xf32, #tpu.memory_space<hbm>>) target(%dma_start3A_283 : memref<16x128xf32, #tpu.memory_space<vmem>>) target_semaphore(%arg19 : memref<!tpu.dma_semaphore, #tpu.memory_space<semaphore_mem>>)
      %dma_start3A_286 = arith.constant 96 : i32
      %dma_start3A_287 = arith.constant 0 : i32
      %dma_start3A_288 = tpu.memref_slice %arg15[%dma_start3A_286, %dma_start3A_287] : memref<256x128xf32, #tpu.memory_space<vmem>> -> memref<16x128xf32, #tpu.memory_space<vmem>>
      %dma_start3A_289 = arith.constant 0 : i32
      %dma_start3A_290 = tpu.memref_slice %arg6[%dma_start3A_289, %multiple_of3A_265] : memref<16x1000000xf32, #tpu.memory_space<hbm>> -> memref<16x128xf32, #tpu.memory_space<hbm>>
      %dma_start3A_291 = arith.constant 96 : i32
      %dma_start3A_292 = arith.constant 0 : i32
      %dma_start3A_293 = tpu.memref_slice %arg15[%dma_start3A_291, %dma_start3A_292] : memref<256x128xf32, #tpu.memory_space<vmem>> -> memref<16x128xf32, #tpu.memory_space<vmem>>
      %dma_start3A_294 = arith.constant 0 : i32
      %dma_start3A_295 = tpu.memref_slice %arg6[%dma_start3A_294, %multiple_of3A_265] : memref<16x1000000xf32, #tpu.memory_space<hbm>> -> memref<16x128xf32, #tpu.memory_space<hbm>>
      tpu.enqueue_dma source(%dma_start3A_295 : memref<16x128xf32, #tpu.memory_space<hbm>>) target(%dma_start3A_293 : memref<16x128xf32, #tpu.memory_space<vmem>>) target_semaphore(%arg19 : memref<!tpu.dma_semaphore, #tpu.memory_space<semaphore_mem>>)
      %slice3A_296 = vector.extract_strided_slice %and3A_20 {offsets = [7], sizes = [1], strides = [1]} : vector<16xi32> to vector<1xi32>
      %squeeze3A_297 = vector.extract %slice3A_296[0] : i32 from vector<1xi32>
      %multiple_of3A_298 = tpu.assume_multiple %squeeze3A_297, 128 : i32
      %slice3A_299 = vector.extract_strided_slice %and3A_23 {offsets = [7], sizes = [1], strides = [1]} : vector<16xi32> to vector<1xi32>
      %squeeze3A_300 = vector.extract %slice3A_299[0] : i32 from vector<1xi32>
      %multiple_of3A_301 = tpu.assume_multiple %squeeze3A_300, 128 : i32
      %slice3A_302 = vector.extract_strided_slice %and3A_26 {offsets = [7], sizes = [1], strides = [1]} : vector<16xi32> to vector<1xi32>
      %squeeze3A_303 = vector.extract %slice3A_302[0] : i32 from vector<1xi32>
      %multiple_of3A_304 = tpu.assume_multiple %squeeze3A_303, 128 : i32
      %dma_start3A_305 = arith.constant 112 : i32
      %dma_start3A_306 = arith.constant 0 : i32
      %dma_start3A_307 = tpu.memref_slice %arg13[%dma_start3A_305, %dma_start3A_306] : memref<256x128xf32, #tpu.memory_space<vmem>> -> memref<16x128xf32, #tpu.memory_space<vmem>>
      %dma_start3A_308 = arith.constant 0 : i32
      %dma_start3A_309 = tpu.memref_slice %arg5[%dma_start3A_308, %multiple_of3A_298] : memref<16x1000000xf32, #tpu.memory_space<hbm>> -> memref<16x128xf32, #tpu.memory_space<hbm>>
      %dma_start3A_310 = arith.constant 112 : i32
      %dma_start3A_311 = arith.constant 0 : i32
      %dma_start3A_312 = tpu.memref_slice %arg13[%dma_start3A_310, %dma_start3A_311] : memref<256x128xf32, #tpu.memory_space<vmem>> -> memref<16x128xf32, #tpu.memory_space<vmem>>
      %dma_start3A_313 = arith.constant 0 : i32
      %dma_start3A_314 = tpu.memref_slice %arg5[%dma_start3A_313, %multiple_of3A_298] : memref<16x1000000xf32, #tpu.memory_space<hbm>> -> memref<16x128xf32, #tpu.memory_space<hbm>>
      tpu.enqueue_dma source(%dma_start3A_314 : memref<16x128xf32, #tpu.memory_space<hbm>>) target(%dma_start3A_312 : memref<16x128xf32, #tpu.memory_space<vmem>>) target_semaphore(%arg19 : memref<!tpu.dma_semaphore, #tpu.memory_space<semaphore_mem>>)
      %dma_start3A_315 = arith.constant 112 : i32
      %dma_start3A_316 = arith.constant 0 : i32
      %dma_start3A_317 = tpu.memref_slice %arg14[%dma_start3A_315, %dma_start3A_316] : memref<256x128xf32, #tpu.memory_space<vmem>> -> memref<16x128xf32, #tpu.memory_space<vmem>>
      %dma_start3A_318 = arith.constant 0 : i32
      %dma_start3A_319 = tpu.memref_slice %arg6[%dma_start3A_318, %multiple_of3A_301] : memref<16x1000000xf32, #tpu.memory_space<hbm>> -> memref<16x128xf32, #tpu.memory_space<hbm>>
      %dma_start3A_320 = arith.constant 112 : i32
      %dma_start3A_321 = arith.constant 0 : i32
      %dma_start3A_322 = tpu.memref_slice %arg14[%dma_start3A_320, %dma_start3A_321] : memref<256x128xf32, #tpu.memory_space<vmem>> -> memref<16x128xf32, #tpu.memory_space<vmem>>
      %dma_start3A_323 = arith.constant 0 : i32
      %dma_start3A_324 = tpu.memref_slice %arg6[%dma_start3A_323, %multiple_of3A_301] : memref<16x1000000xf32, #tpu.memory_space<hbm>> -> memref<16x128xf32, #tpu.memory_space<hbm>>
      tpu.enqueue_dma source(%dma_start3A_324 : memref<16x128xf32, #tpu.memory_space<hbm>>) target(%dma_start3A_322 : memref<16x128xf32, #tpu.memory_space<vmem>>) target_semaphore(%arg19 : memref<!tpu.dma_semaphore, #tpu.memory_space<semaphore_mem>>)
      %dma_start3A_325 = arith.constant 112 : i32
      %dma_start3A_326 = arith.constant 0 : i32
      %dma_start3A_327 = tpu.memref_slice %arg15[%dma_start3A_325, %dma_start3A_326] : memref<256x128xf32, #tpu.memory_space<vmem>> -> memref<16x128xf32, #tpu.memory_space<vmem>>
      %dma_start3A_328 = arith.constant 0 : i32
      %dma_start3A_329 = tpu.memref_slice %arg6[%dma_start3A_328, %multiple_of3A_304] : memref<16x1000000xf32, #tpu.memory_space<hbm>> -> memref<16x128xf32, #tpu.memory_space<hbm>>
      %dma_start3A_330 = arith.constant 112 : i32
      %dma_start3A_331 = arith.constant 0 : i32
      %dma_start3A_332 = tpu.memref_slice %arg15[%dma_start3A_330, %dma_start3A_331] : memref<256x128xf32, #tpu.memory_space<vmem>> -> memref<16x128xf32, #tpu.memory_space<vmem>>
      %dma_start3A_333 = arith.constant 0 : i32
      %dma_start3A_334 = tpu.memref_slice %arg6[%dma_start3A_333, %multiple_of3A_304] : memref<16x1000000xf32, #tpu.memory_space<hbm>> -> memref<16x128xf32, #tpu.memory_space<hbm>>
      tpu.enqueue_dma source(%dma_start3A_334 : memref<16x128xf32, #tpu.memory_space<hbm>>) target(%dma_start3A_332 : memref<16x128xf32, #tpu.memory_space<vmem>>) target_semaphore(%arg19 : memref<!tpu.dma_semaphore, #tpu.memory_space<semaphore_mem>>)
      %slice3A_335 = vector.extract_strided_slice %and3A_20 {offsets = [8], sizes = [1], strides = [1]} : vector<16xi32> to vector<1xi32>
      %squeeze3A_336 = vector.extract %slice3A_335[0] : i32 from vector<1xi32>
      %multiple_of3A_337 = tpu.assume_multiple %squeeze3A_336, 128 : i32
      %slice3A_338 = vector.extract_strided_slice %and3A_23 {offsets = [8], sizes = [1], strides = [1]} : vector<16xi32> to vector<1xi32>
      %squeeze3A_339 = vector.extract %slice3A_338[0] : i32 from vector<1xi32>
      %multiple_of3A_340 = tpu.assume_multiple %squeeze3A_339, 128 : i32
      %slice3A_341 = vector.extract_strided_slice %and3A_26 {offsets = [8], sizes = [1], strides = [1]} : vector<16xi32> to vector<1xi32>
      %squeeze3A_342 = vector.extract %slice3A_341[0] : i32 from vector<1xi32>
      %multiple_of3A_343 = tpu.assume_multiple %squeeze3A_342, 128 : i32
      %dma_start3A_344 = arith.constant 128 : i32
      %dma_start3A_345 = arith.constant 0 : i32
      %dma_start3A_346 = tpu.memref_slice %arg13[%dma_start3A_344, %dma_start3A_345] : memref<256x128xf32, #tpu.memory_space<vmem>> -> memref<16x128xf32, #tpu.memory_space<vmem>>
      %dma_start3A_347 = arith.constant 0 : i32
      %dma_start3A_348 = tpu.memref_slice %arg5[%dma_start3A_347, %multiple_of3A_337] : memref<16x1000000xf32, #tpu.memory_space<hbm>> -> memref<16x128xf32, #tpu.memory_space<hbm>>
      %dma_start3A_349 = arith.constant 128 : i32
      %dma_start3A_350 = arith.constant 0 : i32
      %dma_start3A_351 = tpu.memref_slice %arg13[%dma_start3A_349, %dma_start3A_350] : memref<256x128xf32, #tpu.memory_space<vmem>> -> memref<16x128xf32, #tpu.memory_space<vmem>>
      %dma_start3A_352 = arith.constant 0 : i32
      %dma_start3A_353 = tpu.memref_slice %arg5[%dma_start3A_352, %multiple_of3A_337] : memref<16x1000000xf32, #tpu.memory_space<hbm>> -> memref<16x128xf32, #tpu.memory_space<hbm>>
      tpu.enqueue_dma source(%dma_start3A_353 : memref<16x128xf32, #tpu.memory_space<hbm>>) target(%dma_start3A_351 : memref<16x128xf32, #tpu.memory_space<vmem>>) target_semaphore(%arg19 : memref<!tpu.dma_semaphore, #tpu.memory_space<semaphore_mem>>)
      %dma_start3A_354 = arith.constant 128 : i32
      %dma_start3A_355 = arith.constant 0 : i32
      %dma_start3A_356 = tpu.memref_slice %arg14[%dma_start3A_354, %dma_start3A_355] : memref<256x128xf32, #tpu.memory_space<vmem>> -> memref<16x128xf32, #tpu.memory_space<vmem>>
      %dma_start3A_357 = arith.constant 0 : i32
      %dma_start3A_358 = tpu.memref_slice %arg6[%dma_start3A_357, %multiple_of3A_340] : memref<16x1000000xf32, #tpu.memory_space<hbm>> -> memref<16x128xf32, #tpu.memory_space<hbm>>
      %dma_start3A_359 = arith.constant 128 : i32
      %dma_start3A_360 = arith.constant 0 : i32
      %dma_start3A_361 = tpu.memref_slice %arg14[%dma_start3A_359, %dma_start3A_360] : memref<256x128xf32, #tpu.memory_space<vmem>> -> memref<16x128xf32, #tpu.memory_space<vmem>>
      %dma_start3A_362 = arith.constant 0 : i32
      %dma_start3A_363 = tpu.memref_slice %arg6[%dma_start3A_362, %multiple_of3A_340] : memref<16x1000000xf32, #tpu.memory_space<hbm>> -> memref<16x128xf32, #tpu.memory_space<hbm>>
      tpu.enqueue_dma source(%dma_start3A_363 : memref<16x128xf32, #tpu.memory_space<hbm>>) target(%dma_start3A_361 : memref<16x128xf32, #tpu.memory_space<vmem>>) target_semaphore(%arg19 : memref<!tpu.dma_semaphore, #tpu.memory_space<semaphore_mem>>)
      %dma_start3A_364 = arith.constant 128 : i32
      %dma_start3A_365 = arith.constant 0 : i32
      %dma_start3A_366 = tpu.memref_slice %arg15[%dma_start3A_364, %dma_start3A_365] : memref<256x128xf32, #tpu.memory_space<vmem>> -> memref<16x128xf32, #tpu.memory_space<vmem>>
      %dma_start3A_367 = arith.constant 0 : i32
      %dma_start3A_368 = tpu.memref_slice %arg6[%dma_start3A_367, %multiple_of3A_343] : memref<16x1000000xf32, #tpu.memory_space<hbm>> -> memref<16x128xf32, #tpu.memory_space<hbm>>
      %dma_start3A_369 = arith.constant 128 : i32
      %dma_start3A_370 = arith.constant 0 : i32
      %dma_start3A_371 = tpu.memref_slice %arg15[%dma_start3A_369, %dma_start3A_370] : memref<256x128xf32, #tpu.memory_space<vmem>> -> memref<16x128xf32, #tpu.memory_space<vmem>>
      %dma_start3A_372 = arith.constant 0 : i32
      %dma_start3A_373 = tpu.memref_slice %arg6[%dma_start3A_372, %multiple_of3A_343] : memref<16x1000000xf32, #tpu.memory_space<hbm>> -> memref<16x128xf32, #tpu.memory_space<hbm>>
      tpu.enqueue_dma source(%dma_start3A_373 : memref<16x128xf32, #tpu.memory_space<hbm>>) target(%dma_start3A_371 : memref<16x128xf32, #tpu.memory_space<vmem>>) target_semaphore(%arg19 : memref<!tpu.dma_semaphore, #tpu.memory_space<semaphore_mem>>)
      %slice3A_374 = vector.extract_strided_slice %and3A_20 {offsets = [9], sizes = [1], strides = [1]} : vector<16xi32> to vector<1xi32>
      %squeeze3A_375 = vector.extract %slice3A_374[0] : i32 from vector<1xi32>
      %multiple_of3A_376 = tpu.assume_multiple %squeeze3A_375, 128 : i32
      %slice3A_377 = vector.extract_strided_slice %and3A_23 {offsets = [9], sizes = [1], strides = [1]} : vector<16xi32> to vector<1xi32>
      %squeeze3A_378 = vector.extract %slice3A_377[0] : i32 from vector<1xi32>
      %multiple_of3A_379 = tpu.assume_multiple %squeeze3A_378, 128 : i32
      %slice3A_380 = vector.extract_strided_slice %and3A_26 {offsets = [9], sizes = [1], strides = [1]} : vector<16xi32> to vector<1xi32>
      %squeeze3A_381 = vector.extract %slice3A_380[0] : i32 from vector<1xi32>
      %multiple_of3A_382 = tpu.assume_multiple %squeeze3A_381, 128 : i32
      %dma_start3A_383 = arith.constant 144 : i32
      %dma_start3A_384 = arith.constant 0 : i32
      %dma_start3A_385 = tpu.memref_slice %arg13[%dma_start3A_383, %dma_start3A_384] : memref<256x128xf32, #tpu.memory_space<vmem>> -> memref<16x128xf32, #tpu.memory_space<vmem>>
      %dma_start3A_386 = arith.constant 0 : i32
      %dma_start3A_387 = tpu.memref_slice %arg5[%dma_start3A_386, %multiple_of3A_376] : memref<16x1000000xf32, #tpu.memory_space<hbm>> -> memref<16x128xf32, #tpu.memory_space<hbm>>
      %dma_start3A_388 = arith.constant 144 : i32
      %dma_start3A_389 = arith.constant 0 : i32
      %dma_start3A_390 = tpu.memref_slice %arg13[%dma_start3A_388, %dma_start3A_389] : memref<256x128xf32, #tpu.memory_space<vmem>> -> memref<16x128xf32, #tpu.memory_space<vmem>>
      %dma_start3A_391 = arith.constant 0 : i32
      %dma_start3A_392 = tpu.memref_slice %arg5[%dma_start3A_391, %multiple_of3A_376] : memref<16x1000000xf32, #tpu.memory_space<hbm>> -> memref<16x128xf32, #tpu.memory_space<hbm>>
      tpu.enqueue_dma source(%dma_start3A_392 : memref<16x128xf32, #tpu.memory_space<hbm>>) target(%dma_start3A_390 : memref<16x128xf32, #tpu.memory_space<vmem>>) target_semaphore(%arg19 : memref<!tpu.dma_semaphore, #tpu.memory_space<semaphore_mem>>)
      %dma_start3A_393 = arith.constant 144 : i32
      %dma_start3A_394 = arith.constant 0 : i32
      %dma_start3A_395 = tpu.memref_slice %arg14[%dma_start3A_393, %dma_start3A_394] : memref<256x128xf32, #tpu.memory_space<vmem>> -> memref<16x128xf32, #tpu.memory_space<vmem>>
      %dma_start3A_396 = arith.constant 0 : i32
      %dma_start3A_397 = tpu.memref_slice %arg6[%dma_start3A_396, %multiple_of3A_379] : memref<16x1000000xf32, #tpu.memory_space<hbm>> -> memref<16x128xf32, #tpu.memory_space<hbm>>
      %dma_start3A_398 = arith.constant 144 : i32
      %dma_start3A_399 = arith.constant 0 : i32
      %dma_start3A_400 = tpu.memref_slice %arg14[%dma_start3A_398, %dma_start3A_399] : memref<256x128xf32, #tpu.memory_space<vmem>> -> memref<16x128xf32, #tpu.memory_space<vmem>>
      %dma_start3A_401 = arith.constant 0 : i32
      %dma_start3A_402 = tpu.memref_slice %arg6[%dma_start3A_401, %multiple_of3A_379] : memref<16x1000000xf32, #tpu.memory_space<hbm>> -> memref<16x128xf32, #tpu.memory_space<hbm>>
      tpu.enqueue_dma source(%dma_start3A_402 : memref<16x128xf32, #tpu.memory_space<hbm>>) target(%dma_start3A_400 : memref<16x128xf32, #tpu.memory_space<vmem>>) target_semaphore(%arg19 : memref<!tpu.dma_semaphore, #tpu.memory_space<semaphore_mem>>)
      %dma_start3A_403 = arith.constant 144 : i32
      %dma_start3A_404 = arith.constant 0 : i32
      %dma_start3A_405 = tpu.memref_slice %arg15[%dma_start3A_403, %dma_start3A_404] : memref<256x128xf32, #tpu.memory_space<vmem>> -> memref<16x128xf32, #tpu.memory_space<vmem>>
      %dma_start3A_406 = arith.constant 0 : i32
      %dma_start3A_407 = tpu.memref_slice %arg6[%dma_start3A_406, %multiple_of3A_382] : memref<16x1000000xf32, #tpu.memory_space<hbm>> -> memref<16x128xf32, #tpu.memory_space<hbm>>
      %dma_start3A_408 = arith.constant 144 : i32
      %dma_start3A_409 = arith.constant 0 : i32
      %dma_start3A_410 = tpu.memref_slice %arg15[%dma_start3A_408, %dma_start3A_409] : memref<256x128xf32, #tpu.memory_space<vmem>> -> memref<16x128xf32, #tpu.memory_space<vmem>>
      %dma_start3A_411 = arith.constant 0 : i32
      %dma_start3A_412 = tpu.memref_slice %arg6[%dma_start3A_411, %multiple_of3A_382] : memref<16x1000000xf32, #tpu.memory_space<hbm>> -> memref<16x128xf32, #tpu.memory_space<hbm>>
      tpu.enqueue_dma source(%dma_start3A_412 : memref<16x128xf32, #tpu.memory_space<hbm>>) target(%dma_start3A_410 : memref<16x128xf32, #tpu.memory_space<vmem>>) target_semaphore(%arg19 : memref<!tpu.dma_semaphore, #tpu.memory_space<semaphore_mem>>)
      %slice3A_413 = vector.extract_strided_slice %and3A_20 {offsets = [10], sizes = [1], strides = [1]} : vector<16xi32> to vector<1xi32>
      %squeeze3A_414 = vector.extract %slice3A_413[0] : i32 from vector<1xi32>
      %multiple_of3A_415 = tpu.assume_multiple %squeeze3A_414, 128 : i32
      %slice3A_416 = vector.extract_strided_slice %and3A_23 {offsets = [10], sizes = [1], strides = [1]} : vector<16xi32> to vector<1xi32>
      %squeeze3A_417 = vector.extract %slice3A_416[0] : i32 from vector<1xi32>
      %multiple_of3A_418 = tpu.assume_multiple %squeeze3A_417, 128 : i32
      %slice3A_419 = vector.extract_strided_slice %and3A_26 {offsets = [10], sizes = [1], strides = [1]} : vector<16xi32> to vector<1xi32>
      %squeeze3A_420 = vector.extract %slice3A_419[0] : i32 from vector<1xi32>
      %multiple_of3A_421 = tpu.assume_multiple %squeeze3A_420, 128 : i32
      %dma_start3A_422 = arith.constant 160 : i32
      %dma_start3A_423 = arith.constant 0 : i32
      %dma_start3A_424 = tpu.memref_slice %arg13[%dma_start3A_422, %dma_start3A_423] : memref<256x128xf32, #tpu.memory_space<vmem>> -> memref<16x128xf32, #tpu.memory_space<vmem>>
      %dma_start3A_425 = arith.constant 0 : i32
      %dma_start3A_426 = tpu.memref_slice %arg5[%dma_start3A_425, %multiple_of3A_415] : memref<16x1000000xf32, #tpu.memory_space<hbm>> -> memref<16x128xf32, #tpu.memory_space<hbm>>
      %dma_start3A_427 = arith.constant 160 : i32
      %dma_start3A_428 = arith.constant 0 : i32
      %dma_start3A_429 = tpu.memref_slice %arg13[%dma_start3A_427, %dma_start3A_428] : memref<256x128xf32, #tpu.memory_space<vmem>> -> memref<16x128xf32, #tpu.memory_space<vmem>>
      %dma_start3A_430 = arith.constant 0 : i32
      %dma_start3A_431 = tpu.memref_slice %arg5[%dma_start3A_430, %multiple_of3A_415] : memref<16x1000000xf32, #tpu.memory_space<hbm>> -> memref<16x128xf32, #tpu.memory_space<hbm>>
      tpu.enqueue_dma source(%dma_start3A_431 : memref<16x128xf32, #tpu.memory_space<hbm>>) target(%dma_start3A_429 : memref<16x128xf32, #tpu.memory_space<vmem>>) target_semaphore(%arg19 : memref<!tpu.dma_semaphore, #tpu.memory_space<semaphore_mem>>)
      %dma_start3A_432 = arith.constant 160 : i32
      %dma_start3A_433 = arith.constant 0 : i32
      %dma_start3A_434 = tpu.memref_slice %arg14[%dma_start3A_432, %dma_start3A_433] : memref<256x128xf32, #tpu.memory_space<vmem>> -> memref<16x128xf32, #tpu.memory_space<vmem>>
      %dma_start3A_435 = arith.constant 0 : i32
      %dma_start3A_436 = tpu.memref_slice %arg6[%dma_start3A_435, %multiple_of3A_418] : memref<16x1000000xf32, #tpu.memory_space<hbm>> -> memref<16x128xf32, #tpu.memory_space<hbm>>
      %dma_start3A_437 = arith.constant 160 : i32
      %dma_start3A_438 = arith.constant 0 : i32
      %dma_start3A_439 = tpu.memref_slice %arg14[%dma_start3A_437, %dma_start3A_438] : memref<256x128xf32, #tpu.memory_space<vmem>> -> memref<16x128xf32, #tpu.memory_space<vmem>>
      %dma_start3A_440 = arith.constant 0 : i32
      %dma_start3A_441 = tpu.memref_slice %arg6[%dma_start3A_440, %multiple_of3A_418] : memref<16x1000000xf32, #tpu.memory_space<hbm>> -> memref<16x128xf32, #tpu.memory_space<hbm>>
      tpu.enqueue_dma source(%dma_start3A_441 : memref<16x128xf32, #tpu.memory_space<hbm>>) target(%dma_start3A_439 : memref<16x128xf32, #tpu.memory_space<vmem>>) target_semaphore(%arg19 : memref<!tpu.dma_semaphore, #tpu.memory_space<semaphore_mem>>)
      %dma_start3A_442 = arith.constant 160 : i32
      %dma_start3A_443 = arith.constant 0 : i32
      %dma_start3A_444 = tpu.memref_slice %arg15[%dma_start3A_442, %dma_start3A_443] : memref<256x128xf32, #tpu.memory_space<vmem>> -> memref<16x128xf32, #tpu.memory_space<vmem>>
      %dma_start3A_445 = arith.constant 0 : i32
      %dma_start3A_446 = tpu.memref_slice %arg6[%dma_start3A_445, %multiple_of3A_421] : memref<16x1000000xf32, #tpu.memory_space<hbm>> -> memref<16x128xf32, #tpu.memory_space<hbm>>
      %dma_start3A_447 = arith.constant 160 : i32
      %dma_start3A_448 = arith.constant 0 : i32
      %dma_start3A_449 = tpu.memref_slice %arg15[%dma_start3A_447, %dma_start3A_448] : memref<256x128xf32, #tpu.memory_space<vmem>> -> memref<16x128xf32, #tpu.memory_space<vmem>>
      %dma_start3A_450 = arith.constant 0 : i32
      %dma_start3A_451 = tpu.memref_slice %arg6[%dma_start3A_450, %multiple_of3A_421] : memref<16x1000000xf32, #tpu.memory_space<hbm>> -> memref<16x128xf32, #tpu.memory_space<hbm>>
      tpu.enqueue_dma source(%dma_start3A_451 : memref<16x128xf32, #tpu.memory_space<hbm>>) target(%dma_start3A_449 : memref<16x128xf32, #tpu.memory_space<vmem>>) target_semaphore(%arg19 : memref<!tpu.dma_semaphore, #tpu.memory_space<semaphore_mem>>)
      %slice3A_452 = vector.extract_strided_slice %and3A_20 {offsets = [11], sizes = [1], strides = [1]} : vector<16xi32> to vector<1xi32>
      %squeeze3A_453 = vector.extract %slice3A_452[0] : i32 from vector<1xi32>
      %multiple_of3A_454 = tpu.assume_multiple %squeeze3A_453, 128 : i32
      %slice3A_455 = vector.extract_strided_slice %and3A_23 {offsets = [11], sizes = [1], strides = [1]} : vector<16xi32> to vector<1xi32>
      %squeeze3A_456 = vector.extract %slice3A_455[0] : i32 from vector<1xi32>
      %multiple_of3A_457 = tpu.assume_multiple %squeeze3A_456, 128 : i32
      %slice3A_458 = vector.extract_strided_slice %and3A_26 {offsets = [11], sizes = [1], strides = [1]} : vector<16xi32> to vector<1xi32>
      %squeeze3A_459 = vector.extract %slice3A_458[0] : i32 from vector<1xi32>
      %multiple_of3A_460 = tpu.assume_multiple %squeeze3A_459, 128 : i32
      %dma_start3A_461 = arith.constant 176 : i32
      %dma_start3A_462 = arith.constant 0 : i32
      %dma_start3A_463 = tpu.memref_slice %arg13[%dma_start3A_461, %dma_start3A_462] : memref<256x128xf32, #tpu.memory_space<vmem>> -> memref<16x128xf32, #tpu.memory_space<vmem>>
      %dma_start3A_464 = arith.constant 0 : i32
      %dma_start3A_465 = tpu.memref_slice %arg5[%dma_start3A_464, %multiple_of3A_454] : memref<16x1000000xf32, #tpu.memory_space<hbm>> -> memref<16x128xf32, #tpu.memory_space<hbm>>
      %dma_start3A_466 = arith.constant 176 : i32
      %dma_start3A_467 = arith.constant 0 : i32
      %dma_start3A_468 = tpu.memref_slice %arg13[%dma_start3A_466, %dma_start3A_467] : memref<256x128xf32, #tpu.memory_space<vmem>> -> memref<16x128xf32, #tpu.memory_space<vmem>>
      %dma_start3A_469 = arith.constant 0 : i32
      %dma_start3A_470 = tpu.memref_slice %arg5[%dma_start3A_469, %multiple_of3A_454] : memref<16x1000000xf32, #tpu.memory_space<hbm>> -> memref<16x128xf32, #tpu.memory_space<hbm>>
      tpu.enqueue_dma source(%dma_start3A_470 : memref<16x128xf32, #tpu.memory_space<hbm>>) target(%dma_start3A_468 : memref<16x128xf32, #tpu.memory_space<vmem>>) target_semaphore(%arg19 : memref<!tpu.dma_semaphore, #tpu.memory_space<semaphore_mem>>)
      %dma_start3A_471 = arith.constant 176 : i32
      %dma_start3A_472 = arith.constant 0 : i32
      %dma_start3A_473 = tpu.memref_slice %arg14[%dma_start3A_471, %dma_start3A_472] : memref<256x128xf32, #tpu.memory_space<vmem>> -> memref<16x128xf32, #tpu.memory_space<vmem>>
      %dma_start3A_474 = arith.constant 0 : i32
      %dma_start3A_475 = tpu.memref_slice %arg6[%dma_start3A_474, %multiple_of3A_457] : memref<16x1000000xf32, #tpu.memory_space<hbm>> -> memref<16x128xf32, #tpu.memory_space<hbm>>
      %dma_start3A_476 = arith.constant 176 : i32
      %dma_start3A_477 = arith.constant 0 : i32
      %dma_start3A_478 = tpu.memref_slice %arg14[%dma_start3A_476, %dma_start3A_477] : memref<256x128xf32, #tpu.memory_space<vmem>> -> memref<16x128xf32, #tpu.memory_space<vmem>>
      %dma_start3A_479 = arith.constant 0 : i32
      %dma_start3A_480 = tpu.memref_slice %arg6[%dma_start3A_479, %multiple_of3A_457] : memref<16x1000000xf32, #tpu.memory_space<hbm>> -> memref<16x128xf32, #tpu.memory_space<hbm>>
      tpu.enqueue_dma source(%dma_start3A_480 : memref<16x128xf32, #tpu.memory_space<hbm>>) target(%dma_start3A_478 : memref<16x128xf32, #tpu.memory_space<vmem>>) target_semaphore(%arg19 : memref<!tpu.dma_semaphore, #tpu.memory_space<semaphore_mem>>)
      %dma_start3A_481 = arith.constant 176 : i32
      %dma_start3A_482 = arith.constant 0 : i32
      %dma_start3A_483 = tpu.memref_slice %arg15[%dma_start3A_481, %dma_start3A_482] : memref<256x128xf32, #tpu.memory_space<vmem>> -> memref<16x128xf32, #tpu.memory_space<vmem>>
      %dma_start3A_484 = arith.constant 0 : i32
      %dma_start3A_485 = tpu.memref_slice %arg6[%dma_start3A_484, %multiple_of3A_460] : memref<16x1000000xf32, #tpu.memory_space<hbm>> -> memref<16x128xf32, #tpu.memory_space<hbm>>
      %dma_start3A_486 = arith.constant 176 : i32
      %dma_start3A_487 = arith.constant 0 : i32
      %dma_start3A_488 = tpu.memref_slice %arg15[%dma_start3A_486, %dma_start3A_487] : memref<256x128xf32, #tpu.memory_space<vmem>> -> memref<16x128xf32, #tpu.memory_space<vmem>>
      %dma_start3A_489 = arith.constant 0 : i32
      %dma_start3A_490 = tpu.memref_slice %arg6[%dma_start3A_489, %multiple_of3A_460] : memref<16x1000000xf32, #tpu.memory_space<hbm>> -> memref<16x128xf32, #tpu.memory_space<hbm>>
      tpu.enqueue_dma source(%dma_start3A_490 : memref<16x128xf32, #tpu.memory_space<hbm>>) target(%dma_start3A_488 : memref<16x128xf32, #tpu.memory_space<vmem>>) target_semaphore(%arg19 : memref<!tpu.dma_semaphore, #tpu.memory_space<semaphore_mem>>)
      %slice3A_491 = vector.extract_strided_slice %and3A_20 {offsets = [12], sizes = [1], strides = [1]} : vector<16xi32> to vector<1xi32>
      %squeeze3A_492 = vector.extract %slice3A_491[0] : i32 from vector<1xi32>
      %multiple_of3A_493 = tpu.assume_multiple %squeeze3A_492, 128 : i32
      %slice3A_494 = vector.extract_strided_slice %and3A_23 {offsets = [12], sizes = [1], strides = [1]} : vector<16xi32> to vector<1xi32>
      %squeeze3A_495 = vector.extract %slice3A_494[0] : i32 from vector<1xi32>
      %multiple_of3A_496 = tpu.assume_multiple %squeeze3A_495, 128 : i32
      %slice3A_497 = vector.extract_strided_slice %and3A_26 {offsets = [12], sizes = [1], strides = [1]} : vector<16xi32> to vector<1xi32>
      %squeeze3A_498 = vector.extract %slice3A_497[0] : i32 from vector<1xi32>
      %multiple_of3A_499 = tpu.assume_multiple %squeeze3A_498, 128 : i32
      %dma_start3A_500 = arith.constant 192 : i32
      %dma_start3A_501 = arith.constant 0 : i32
      %dma_start3A_502 = tpu.memref_slice %arg13[%dma_start3A_500, %dma_start3A_501] : memref<256x128xf32, #tpu.memory_space<vmem>> -> memref<16x128xf32, #tpu.memory_space<vmem>>
      %dma_start3A_503 = arith.constant 0 : i32
      %dma_start3A_504 = tpu.memref_slice %arg5[%dma_start3A_503, %multiple_of3A_493] : memref<16x1000000xf32, #tpu.memory_space<hbm>> -> memref<16x128xf32, #tpu.memory_space<hbm>>
      %dma_start3A_505 = arith.constant 192 : i32
      %dma_start3A_506 = arith.constant 0 : i32
      %dma_start3A_507 = tpu.memref_slice %arg13[%dma_start3A_505, %dma_start3A_506] : memref<256x128xf32, #tpu.memory_space<vmem>> -> memref<16x128xf32, #tpu.memory_space<vmem>>
      %dma_start3A_508 = arith.constant 0 : i32
      %dma_start3A_509 = tpu.memref_slice %arg5[%dma_start3A_508, %multiple_of3A_493] : memref<16x1000000xf32, #tpu.memory_space<hbm>> -> memref<16x128xf32, #tpu.memory_space<hbm>>
      tpu.enqueue_dma source(%dma_start3A_509 : memref<16x128xf32, #tpu.memory_space<hbm>>) target(%dma_start3A_507 : memref<16x128xf32, #tpu.memory_space<vmem>>) target_semaphore(%arg19 : memref<!tpu.dma_semaphore, #tpu.memory_space<semaphore_mem>>)
      %dma_start3A_510 = arith.constant 192 : i32
      %dma_start3A_511 = arith.constant 0 : i32
      %dma_start3A_512 = tpu.memref_slice %arg14[%dma_start3A_510, %dma_start3A_511] : memref<256x128xf32, #tpu.memory_space<vmem>> -> memref<16x128xf32, #tpu.memory_space<vmem>>
      %dma_start3A_513 = arith.constant 0 : i32
      %dma_start3A_514 = tpu.memref_slice %arg6[%dma_start3A_513, %multiple_of3A_496] : memref<16x1000000xf32, #tpu.memory_space<hbm>> -> memref<16x128xf32, #tpu.memory_space<hbm>>
      %dma_start3A_515 = arith.constant 192 : i32
      %dma_start3A_516 = arith.constant 0 : i32
      %dma_start3A_517 = tpu.memref_slice %arg14[%dma_start3A_515, %dma_start3A_516] : memref<256x128xf32, #tpu.memory_space<vmem>> -> memref<16x128xf32, #tpu.memory_space<vmem>>
      %dma_start3A_518 = arith.constant 0 : i32
      %dma_start3A_519 = tpu.memref_slice %arg6[%dma_start3A_518, %multiple_of3A_496] : memref<16x1000000xf32, #tpu.memory_space<hbm>> -> memref<16x128xf32, #tpu.memory_space<hbm>>
      tpu.enqueue_dma source(%dma_start3A_519 : memref<16x128xf32, #tpu.memory_space<hbm>>) target(%dma_start3A_517 : memref<16x128xf32, #tpu.memory_space<vmem>>) target_semaphore(%arg19 : memref<!tpu.dma_semaphore, #tpu.memory_space<semaphore_mem>>)
      %dma_start3A_520 = arith.constant 192 : i32
      %dma_start3A_521 = arith.constant 0 : i32
      %dma_start3A_522 = tpu.memref_slice %arg15[%dma_start3A_520, %dma_start3A_521] : memref<256x128xf32, #tpu.memory_space<vmem>> -> memref<16x128xf32, #tpu.memory_space<vmem>>
      %dma_start3A_523 = arith.constant 0 : i32
      %dma_start3A_524 = tpu.memref_slice %arg6[%dma_start3A_523, %multiple_of3A_499] : memref<16x1000000xf32, #tpu.memory_space<hbm>> -> memref<16x128xf32, #tpu.memory_space<hbm>>
      %dma_start3A_525 = arith.constant 192 : i32
      %dma_start3A_526 = arith.constant 0 : i32
      %dma_start3A_527 = tpu.memref_slice %arg15[%dma_start3A_525, %dma_start3A_526] : memref<256x128xf32, #tpu.memory_space<vmem>> -> memref<16x128xf32, #tpu.memory_space<vmem>>
      %dma_start3A_528 = arith.constant 0 : i32
      %dma_start3A_529 = tpu.memref_slice %arg6[%dma_start3A_528, %multiple_of3A_499] : memref<16x1000000xf32, #tpu.memory_space<hbm>> -> memref<16x128xf32, #tpu.memory_space<hbm>>
      tpu.enqueue_dma source(%dma_start3A_529 : memref<16x128xf32, #tpu.memory_space<hbm>>) target(%dma_start3A_527 : memref<16x128xf32, #tpu.memory_space<vmem>>) target_semaphore(%arg19 : memref<!tpu.dma_semaphore, #tpu.memory_space<semaphore_mem>>)
      %slice3A_530 = vector.extract_strided_slice %and3A_20 {offsets = [13], sizes = [1], strides = [1]} : vector<16xi32> to vector<1xi32>
      %squeeze3A_531 = vector.extract %slice3A_530[0] : i32 from vector<1xi32>
      %multiple_of3A_532 = tpu.assume_multiple %squeeze3A_531, 128 : i32
      %slice3A_533 = vector.extract_strided_slice %and3A_23 {offsets = [13], sizes = [1], strides = [1]} : vector<16xi32> to vector<1xi32>
      %squeeze3A_534 = vector.extract %slice3A_533[0] : i32 from vector<1xi32>
      %multiple_of3A_535 = tpu.assume_multiple %squeeze3A_534, 128 : i32
      %slice3A_536 = vector.extract_strided_slice %and3A_26 {offsets = [13], sizes = [1], strides = [1]} : vector<16xi32> to vector<1xi32>
      %squeeze3A_537 = vector.extract %slice3A_536[0] : i32 from vector<1xi32>
      %multiple_of3A_538 = tpu.assume_multiple %squeeze3A_537, 128 : i32
      %dma_start3A_539 = arith.constant 208 : i32
      %dma_start3A_540 = arith.constant 0 : i32
      %dma_start3A_541 = tpu.memref_slice %arg13[%dma_start3A_539, %dma_start3A_540] : memref<256x128xf32, #tpu.memory_space<vmem>> -> memref<16x128xf32, #tpu.memory_space<vmem>>
      %dma_start3A_542 = arith.constant 0 : i32
      %dma_start3A_543 = tpu.memref_slice %arg5[%dma_start3A_542, %multiple_of3A_532] : memref<16x1000000xf32, #tpu.memory_space<hbm>> -> memref<16x128xf32, #tpu.memory_space<hbm>>
      %dma_start3A_544 = arith.constant 208 : i32
      %dma_start3A_545 = arith.constant 0 : i32
      %dma_start3A_546 = tpu.memref_slice %arg13[%dma_start3A_544, %dma_start3A_545] : memref<256x128xf32, #tpu.memory_space<vmem>> -> memref<16x128xf32, #tpu.memory_space<vmem>>
      %dma_start3A_547 = arith.constant 0 : i32
      %dma_start3A_548 = tpu.memref_slice %arg5[%dma_start3A_547, %multiple_of3A_532] : memref<16x1000000xf32, #tpu.memory_space<hbm>> -> memref<16x128xf32, #tpu.memory_space<hbm>>
      tpu.enqueue_dma source(%dma_start3A_548 : memref<16x128xf32, #tpu.memory_space<hbm>>) target(%dma_start3A_546 : memref<16x128xf32, #tpu.memory_space<vmem>>) target_semaphore(%arg19 : memref<!tpu.dma_semaphore, #tpu.memory_space<semaphore_mem>>)
      %dma_start3A_549 = arith.constant 208 : i32
      %dma_start3A_550 = arith.constant 0 : i32
      %dma_start3A_551 = tpu.memref_slice %arg14[%dma_start3A_549, %dma_start3A_550] : memref<256x128xf32, #tpu.memory_space<vmem>> -> memref<16x128xf32, #tpu.memory_space<vmem>>
      %dma_start3A_552 = arith.constant 0 : i32
      %dma_start3A_553 = tpu.memref_slice %arg6[%dma_start3A_552, %multiple_of3A_535] : memref<16x1000000xf32, #tpu.memory_space<hbm>> -> memref<16x128xf32, #tpu.memory_space<hbm>>
      %dma_start3A_554 = arith.constant 208 : i32
      %dma_start3A_555 = arith.constant 0 : i32
      %dma_start3A_556 = tpu.memref_slice %arg14[%dma_start3A_554, %dma_start3A_555] : memref<256x128xf32, #tpu.memory_space<vmem>> -> memref<16x128xf32, #tpu.memory_space<vmem>>
      %dma_start3A_557 = arith.constant 0 : i32
      %dma_start3A_558 = tpu.memref_slice %arg6[%dma_start3A_557, %multiple_of3A_535] : memref<16x1000000xf32, #tpu.memory_space<hbm>> -> memref<16x128xf32, #tpu.memory_space<hbm>>
      tpu.enqueue_dma source(%dma_start3A_558 : memref<16x128xf32, #tpu.memory_space<hbm>>) target(%dma_start3A_556 : memref<16x128xf32, #tpu.memory_space<vmem>>) target_semaphore(%arg19 : memref<!tpu.dma_semaphore, #tpu.memory_space<semaphore_mem>>)
      %dma_start3A_559 = arith.constant 208 : i32
      %dma_start3A_560 = arith.constant 0 : i32
      %dma_start3A_561 = tpu.memref_slice %arg15[%dma_start3A_559, %dma_start3A_560] : memref<256x128xf32, #tpu.memory_space<vmem>> -> memref<16x128xf32, #tpu.memory_space<vmem>>
      %dma_start3A_562 = arith.constant 0 : i32
      %dma_start3A_563 = tpu.memref_slice %arg6[%dma_start3A_562, %multiple_of3A_538] : memref<16x1000000xf32, #tpu.memory_space<hbm>> -> memref<16x128xf32, #tpu.memory_space<hbm>>
      %dma_start3A_564 = arith.constant 208 : i32
      %dma_start3A_565 = arith.constant 0 : i32
      %dma_start3A_566 = tpu.memref_slice %arg15[%dma_start3A_564, %dma_start3A_565] : memref<256x128xf32, #tpu.memory_space<vmem>> -> memref<16x128xf32, #tpu.memory_space<vmem>>
      %dma_start3A_567 = arith.constant 0 : i32
      %dma_start3A_568 = tpu.memref_slice %arg6[%dma_start3A_567, %multiple_of3A_538] : memref<16x1000000xf32, #tpu.memory_space<hbm>> -> memref<16x128xf32, #tpu.memory_space<hbm>>
      tpu.enqueue_dma source(%dma_start3A_568 : memref<16x128xf32, #tpu.memory_space<hbm>>) target(%dma_start3A_566 : memref<16x128xf32, #tpu.memory_space<vmem>>) target_semaphore(%arg19 : memref<!tpu.dma_semaphore, #tpu.memory_space<semaphore_mem>>)
      %slice3A_569 = vector.extract_strided_slice %and3A_20 {offsets = [14], sizes = [1], strides = [1]} : vector<16xi32> to vector<1xi32>
      %squeeze3A_570 = vector.extract %slice3A_569[0] : i32 from vector<1xi32>
      %multiple_of3A_571 = tpu.assume_multiple %squeeze3A_570, 128 : i32
      %slice3A_572 = vector.extract_strided_slice %and3A_23 {offsets = [14], sizes = [1], strides = [1]} : vector<16xi32> to vector<1xi32>
      %squeeze3A_573 = vector.extract %slice3A_572[0] : i32 from vector<1xi32>
      %multiple_of3A_574 = tpu.assume_multiple %squeeze3A_573, 128 : i32
      %slice3A_575 = vector.extract_strided_slice %and3A_26 {offsets = [14], sizes = [1], strides = [1]} : vector<16xi32> to vector<1xi32>
      %squeeze3A_576 = vector.extract %slice3A_575[0] : i32 from vector<1xi32>
      %multiple_of3A_577 = tpu.assume_multiple %squeeze3A_576, 128 : i32
      %dma_start3A_578 = arith.constant 224 : i32
      %dma_start3A_579 = arith.constant 0 : i32
      %dma_start3A_580 = tpu.memref_slice %arg13[%dma_start3A_578, %dma_start3A_579] : memref<256x128xf32, #tpu.memory_space<vmem>> -> memref<16x128xf32, #tpu.memory_space<vmem>>
      %dma_start3A_581 = arith.constant 0 : i32
      %dma_start3A_582 = tpu.memref_slice %arg5[%dma_start3A_581, %multiple_of3A_571] : memref<16x1000000xf32, #tpu.memory_space<hbm>> -> memref<16x128xf32, #tpu.memory_space<hbm>>
      %dma_start3A_583 = arith.constant 224 : i32
      %dma_start3A_584 = arith.constant 0 : i32
      %dma_start3A_585 = tpu.memref_slice %arg13[%dma_start3A_583, %dma_start3A_584] : memref<256x128xf32, #tpu.memory_space<vmem>> -> memref<16x128xf32, #tpu.memory_space<vmem>>
      %dma_start3A_586 = arith.constant 0 : i32
      %dma_start3A_587 = tpu.memref_slice %arg5[%dma_start3A_586, %multiple_of3A_571] : memref<16x1000000xf32, #tpu.memory_space<hbm>> -> memref<16x128xf32, #tpu.memory_space<hbm>>
      tpu.enqueue_dma source(%dma_start3A_587 : memref<16x128xf32, #tpu.memory_space<hbm>>) target(%dma_start3A_585 : memref<16x128xf32, #tpu.memory_space<vmem>>) target_semaphore(%arg19 : memref<!tpu.dma_semaphore, #tpu.memory_space<semaphore_mem>>)
      %dma_start3A_588 = arith.constant 224 : i32
      %dma_start3A_589 = arith.constant 0 : i32
      %dma_start3A_590 = tpu.memref_slice %arg14[%dma_start3A_588, %dma_start3A_589] : memref<256x128xf32, #tpu.memory_space<vmem>> -> memref<16x128xf32, #tpu.memory_space<vmem>>
      %dma_start3A_591 = arith.constant 0 : i32
      %dma_start3A_592 = tpu.memref_slice %arg6[%dma_start3A_591, %multiple_of3A_574] : memref<16x1000000xf32, #tpu.memory_space<hbm>> -> memref<16x128xf32, #tpu.memory_space<hbm>>
      %dma_start3A_593 = arith.constant 224 : i32
      %dma_start3A_594 = arith.constant 0 : i32
      %dma_start3A_595 = tpu.memref_slice %arg14[%dma_start3A_593, %dma_start3A_594] : memref<256x128xf32, #tpu.memory_space<vmem>> -> memref<16x128xf32, #tpu.memory_space<vmem>>
      %dma_start3A_596 = arith.constant 0 : i32
      %dma_start3A_597 = tpu.memref_slice %arg6[%dma_start3A_596, %multiple_of3A_574] : memref<16x1000000xf32, #tpu.memory_space<hbm>> -> memref<16x128xf32, #tpu.memory_space<hbm>>
      tpu.enqueue_dma source(%dma_start3A_597 : memref<16x128xf32, #tpu.memory_space<hbm>>) target(%dma_start3A_595 : memref<16x128xf32, #tpu.memory_space<vmem>>) target_semaphore(%arg19 : memref<!tpu.dma_semaphore, #tpu.memory_space<semaphore_mem>>)
      %dma_start3A_598 = arith.constant 224 : i32
      %dma_start3A_599 = arith.constant 0 : i32
      %dma_start3A_600 = tpu.memref_slice %arg15[%dma_start3A_598, %dma_start3A_599] : memref<256x128xf32, #tpu.memory_space<vmem>> -> memref<16x128xf32, #tpu.memory_space<vmem>>
      %dma_start3A_601 = arith.constant 0 : i32
      %dma_start3A_602 = tpu.memref_slice %arg6[%dma_start3A_601, %multiple_of3A_577] : memref<16x1000000xf32, #tpu.memory_space<hbm>> -> memref<16x128xf32, #tpu.memory_space<hbm>>
      %dma_start3A_603 = arith.constant 224 : i32
      %dma_start3A_604 = arith.constant 0 : i32
      %dma_start3A_605 = tpu.memref_slice %arg15[%dma_start3A_603, %dma_start3A_604] : memref<256x128xf32, #tpu.memory_space<vmem>> -> memref<16x128xf32, #tpu.memory_space<vmem>>
      %dma_start3A_606 = arith.constant 0 : i32
      %dma_start3A_607 = tpu.memref_slice %arg6[%dma_start3A_606, %multiple_of3A_577] : memref<16x1000000xf32, #tpu.memory_space<hbm>> -> memref<16x128xf32, #tpu.memory_space<hbm>>
      tpu.enqueue_dma source(%dma_start3A_607 : memref<16x128xf32, #tpu.memory_space<hbm>>) target(%dma_start3A_605 : memref<16x128xf32, #tpu.memory_space<vmem>>) target_semaphore(%arg19 : memref<!tpu.dma_semaphore, #tpu.memory_space<semaphore_mem>>)
      %slice3A_608 = vector.extract_strided_slice %and3A_20 {offsets = [15], sizes = [1], strides = [1]} : vector<16xi32> to vector<1xi32>
      %squeeze3A_609 = vector.extract %slice3A_608[0] : i32 from vector<1xi32>
      %multiple_of3A_610 = tpu.assume_multiple %squeeze3A_609, 128 : i32
      %slice3A_611 = vector.extract_strided_slice %and3A_23 {offsets = [15], sizes = [1], strides = [1]} : vector<16xi32> to vector<1xi32>
      %squeeze3A_612 = vector.extract %slice3A_611[0] : i32 from vector<1xi32>
      %multiple_of3A_613 = tpu.assume_multiple %squeeze3A_612, 128 : i32
      %slice3A_614 = vector.extract_strided_slice %and3A_26 {offsets = [15], sizes = [1], strides = [1]} : vector<16xi32> to vector<1xi32>
      %squeeze3A_615 = vector.extract %slice3A_614[0] : i32 from vector<1xi32>
      %multiple_of3A_616 = tpu.assume_multiple %squeeze3A_615, 128 : i32
      %dma_start3A_617 = arith.constant 240 : i32
      %dma_start3A_618 = arith.constant 0 : i32
      %dma_start3A_619 = tpu.memref_slice %arg13[%dma_start3A_617, %dma_start3A_618] : memref<256x128xf32, #tpu.memory_space<vmem>> -> memref<16x128xf32, #tpu.memory_space<vmem>>
      %dma_start3A_620 = arith.constant 0 : i32
      %dma_start3A_621 = tpu.memref_slice %arg5[%dma_start3A_620, %multiple_of3A_610] : memref<16x1000000xf32, #tpu.memory_space<hbm>> -> memref<16x128xf32, #tpu.memory_space<hbm>>
      %dma_start3A_622 = arith.constant 240 : i32
      %dma_start3A_623 = arith.constant 0 : i32
      %dma_start3A_624 = tpu.memref_slice %arg13[%dma_start3A_622, %dma_start3A_623] : memref<256x128xf32, #tpu.memory_space<vmem>> -> memref<16x128xf32, #tpu.memory_space<vmem>>
      %dma_start3A_625 = arith.constant 0 : i32
      %dma_start3A_626 = tpu.memref_slice %arg5[%dma_start3A_625, %multiple_of3A_610] : memref<16x1000000xf32, #tpu.memory_space<hbm>> -> memref<16x128xf32, #tpu.memory_space<hbm>>
      tpu.enqueue_dma source(%dma_start3A_626 : memref<16x128xf32, #tpu.memory_space<hbm>>) target(%dma_start3A_624 : memref<16x128xf32, #tpu.memory_space<vmem>>) target_semaphore(%arg19 : memref<!tpu.dma_semaphore, #tpu.memory_space<semaphore_mem>>)
      %dma_start3A_627 = arith.constant 240 : i32
      %dma_start3A_628 = arith.constant 0 : i32
      %dma_start3A_629 = tpu.memref_slice %arg14[%dma_start3A_627, %dma_start3A_628] : memref<256x128xf32, #tpu.memory_space<vmem>> -> memref<16x128xf32, #tpu.memory_space<vmem>>
      %dma_start3A_630 = arith.constant 0 : i32
      %dma_start3A_631 = tpu.memref_slice %arg6[%dma_start3A_630, %multiple_of3A_613] : memref<16x1000000xf32, #tpu.memory_space<hbm>> -> memref<16x128xf32, #tpu.memory_space<hbm>>
      %dma_start3A_632 = arith.constant 240 : i32
      %dma_start3A_633 = arith.constant 0 : i32
      %dma_start3A_634 = tpu.memref_slice %arg14[%dma_start3A_632, %dma_start3A_633] : memref<256x128xf32, #tpu.memory_space<vmem>> -> memref<16x128xf32, #tpu.memory_space<vmem>>
      %dma_start3A_635 = arith.constant 0 : i32
      %dma_start3A_636 = tpu.memref_slice %arg6[%dma_start3A_635, %multiple_of3A_613] : memref<16x1000000xf32, #tpu.memory_space<hbm>> -> memref<16x128xf32, #tpu.memory_space<hbm>>
      tpu.enqueue_dma source(%dma_start3A_636 : memref<16x128xf32, #tpu.memory_space<hbm>>) target(%dma_start3A_634 : memref<16x128xf32, #tpu.memory_space<vmem>>) target_semaphore(%arg19 : memref<!tpu.dma_semaphore, #tpu.memory_space<semaphore_mem>>)
      %dma_start3A_637 = arith.constant 240 : i32
      %dma_start3A_638 = arith.constant 0 : i32
      %dma_start3A_639 = tpu.memref_slice %arg15[%dma_start3A_637, %dma_start3A_638] : memref<256x128xf32, #tpu.memory_space<vmem>> -> memref<16x128xf32, #tpu.memory_space<vmem>>
      %dma_start3A_640 = arith.constant 0 : i32
      %dma_start3A_641 = tpu.memref_slice %arg6[%dma_start3A_640, %multiple_of3A_616] : memref<16x1000000xf32, #tpu.memory_space<hbm>> -> memref<16x128xf32, #tpu.memory_space<hbm>>
      %dma_start3A_642 = arith.constant 240 : i32
      %dma_start3A_643 = arith.constant 0 : i32
      %dma_start3A_644 = tpu.memref_slice %arg15[%dma_start3A_642, %dma_start3A_643] : memref<256x128xf32, #tpu.memory_space<vmem>> -> memref<16x128xf32, #tpu.memory_space<vmem>>
      %dma_start3A_645 = arith.constant 0 : i32
      %dma_start3A_646 = tpu.memref_slice %arg6[%dma_start3A_645, %multiple_of3A_616] : memref<16x1000000xf32, #tpu.memory_space<hbm>> -> memref<16x128xf32, #tpu.memory_space<hbm>>
      tpu.enqueue_dma source(%dma_start3A_646 : memref<16x128xf32, #tpu.memory_space<hbm>>) target(%dma_start3A_644 : memref<16x128xf32, #tpu.memory_space<vmem>>) target_semaphore(%arg19 : memref<!tpu.dma_semaphore, #tpu.memory_space<semaphore_mem>>)
      %dma_wait3A = arith.constant 0 : i32
      %dma_wait3A_647 = arith.constant 0 : i32
      %dma_wait3A_648 = tpu.memref_slice %arg13[%dma_wait3A, %dma_wait3A_647] : memref<256x128xf32, #tpu.memory_space<vmem>> -> memref<16x128xf32, #tpu.memory_space<vmem>>
      %dma_wait3A_649 = arith.constant 0 : i32
      %dma_wait3A_650 = tpu.memref_slice %arg5[%dma_wait3A_649, %multiple_of3A] : memref<16x1000000xf32, #tpu.memory_space<hbm>> -> memref<16x128xf32, #tpu.memory_space<hbm>>
      %dma_wait3A_651 = arith.constant 0 : i32
      %dma_wait3A_652 = arith.constant 0 : i32
      %dma_wait3A_653 = tpu.memref_slice %arg13[%dma_wait3A_651, %dma_wait3A_652] : memref<256x128xf32, #tpu.memory_space<vmem>> -> memref<16x128xf32, #tpu.memory_space<vmem>>
      %dma_wait3A_654 = arith.constant 0 : i32
      %dma_wait3A_655 = tpu.memref_slice %arg5[%dma_wait3A_654, %multiple_of3A] : memref<16x1000000xf32, #tpu.memory_space<hbm>> -> memref<16x128xf32, #tpu.memory_space<hbm>>
      tpu.wait_dma2 semaphore(%arg19 : memref<!tpu.dma_semaphore, #tpu.memory_space<semaphore_mem>>) src(%dma_wait3A_655 : memref<16x128xf32, #tpu.memory_space<hbm>>) dst(%dma_wait3A_653 : memref<16x128xf32, #tpu.memory_space<vmem>>)
      %dma_wait3A_656 = arith.constant 0 : i32
      %dma_wait3A_657 = arith.constant 0 : i32
      %dma_wait3A_658 = tpu.memref_slice %arg14[%dma_wait3A_656, %dma_wait3A_657] : memref<256x128xf32, #tpu.memory_space<vmem>> -> memref<16x128xf32, #tpu.memory_space<vmem>>
      %dma_wait3A_659 = arith.constant 0 : i32
      %dma_wait3A_660 = tpu.memref_slice %arg6[%dma_wait3A_659, %multiple_of3A_29] : memref<16x1000000xf32, #tpu.memory_space<hbm>> -> memref<16x128xf32, #tpu.memory_space<hbm>>
      %dma_wait3A_661 = arith.constant 0 : i32
      %dma_wait3A_662 = arith.constant 0 : i32
      %dma_wait3A_663 = tpu.memref_slice %arg14[%dma_wait3A_661, %dma_wait3A_662] : memref<256x128xf32, #tpu.memory_space<vmem>> -> memref<16x128xf32, #tpu.memory_space<vmem>>
      %dma_wait3A_664 = arith.constant 0 : i32
      %dma_wait3A_665 = tpu.memref_slice %arg6[%dma_wait3A_664, %multiple_of3A_29] : memref<16x1000000xf32, #tpu.memory_space<hbm>> -> memref<16x128xf32, #tpu.memory_space<hbm>>
      tpu.wait_dma2 semaphore(%arg19 : memref<!tpu.dma_semaphore, #tpu.memory_space<semaphore_mem>>) src(%dma_wait3A_665 : memref<16x128xf32, #tpu.memory_space<hbm>>) dst(%dma_wait3A_663 : memref<16x128xf32, #tpu.memory_space<vmem>>)
      %dma_wait3A_666 = arith.constant 0 : i32
      %dma_wait3A_667 = arith.constant 0 : i32
      %dma_wait3A_668 = tpu.memref_slice %arg15[%dma_wait3A_666, %dma_wait3A_667] : memref<256x128xf32, #tpu.memory_space<vmem>> -> memref<16x128xf32, #tpu.memory_space<vmem>>
      %dma_wait3A_669 = arith.constant 0 : i32
      %dma_wait3A_670 = tpu.memref_slice %arg6[%dma_wait3A_669, %multiple_of3A_32] : memref<16x1000000xf32, #tpu.memory_space<hbm>> -> memref<16x128xf32, #tpu.memory_space<hbm>>
      %dma_wait3A_671 = arith.constant 0 : i32
      %dma_wait3A_672 = arith.constant 0 : i32
      %dma_wait3A_673 = tpu.memref_slice %arg15[%dma_wait3A_671, %dma_wait3A_672] : memref<256x128xf32, #tpu.memory_space<vmem>> -> memref<16x128xf32, #tpu.memory_space<vmem>>
      %dma_wait3A_674 = arith.constant 0 : i32
      %dma_wait3A_675 = tpu.memref_slice %arg6[%dma_wait3A_674, %multiple_of3A_32] : memref<16x1000000xf32, #tpu.memory_space<hbm>> -> memref<16x128xf32, #tpu.memory_space<hbm>>
      tpu.wait_dma2 semaphore(%arg19 : memref<!tpu.dma_semaphore, #tpu.memory_space<semaphore_mem>>) src(%dma_wait3A_675 : memref<16x128xf32, #tpu.memory_space<hbm>>) dst(%dma_wait3A_673 : memref<16x128xf32, #tpu.memory_space<vmem>>)
      %dma_wait3A_676 = arith.constant 16 : i32
      %dma_wait3A_677 = arith.constant 0 : i32
      %dma_wait3A_678 = tpu.memref_slice %arg13[%dma_wait3A_676, %dma_wait3A_677] : memref<256x128xf32, #tpu.memory_space<vmem>> -> memref<16x128xf32, #tpu.memory_space<vmem>>
      %dma_wait3A_679 = arith.constant 0 : i32
      %dma_wait3A_680 = tpu.memref_slice %arg5[%dma_wait3A_679, %multiple_of3A_64] : memref<16x1000000xf32, #tpu.memory_space<hbm>> -> memref<16x128xf32, #tpu.memory_space<hbm>>
      %dma_wait3A_681 = arith.constant 16 : i32
      %dma_wait3A_682 = arith.constant 0 : i32
      %dma_wait3A_683 = tpu.memref_slice %arg13[%dma_wait3A_681, %dma_wait3A_682] : memref<256x128xf32, #tpu.memory_space<vmem>> -> memref<16x128xf32, #tpu.memory_space<vmem>>
      %dma_wait3A_684 = arith.constant 0 : i32
      %dma_wait3A_685 = tpu.memref_slice %arg5[%dma_wait3A_684, %multiple_of3A_64] : memref<16x1000000xf32, #tpu.memory_space<hbm>> -> memref<16x128xf32, #tpu.memory_space<hbm>>
      tpu.wait_dma2 semaphore(%arg19 : memref<!tpu.dma_semaphore, #tpu.memory_space<semaphore_mem>>) src(%dma_wait3A_685 : memref<16x128xf32, #tpu.memory_space<hbm>>) dst(%dma_wait3A_683 : memref<16x128xf32, #tpu.memory_space<vmem>>)
      %dma_wait3A_686 = arith.constant 16 : i32
      %dma_wait3A_687 = arith.constant 0 : i32
      %dma_wait3A_688 = tpu.memref_slice %arg14[%dma_wait3A_686, %dma_wait3A_687] : memref<256x128xf32, #tpu.memory_space<vmem>> -> memref<16x128xf32, #tpu.memory_space<vmem>>
      %dma_wait3A_689 = arith.constant 0 : i32
      %dma_wait3A_690 = tpu.memref_slice %arg6[%dma_wait3A_689, %multiple_of3A_67] : memref<16x1000000xf32, #tpu.memory_space<hbm>> -> memref<16x128xf32, #tpu.memory_space<hbm>>
      %dma_wait3A_691 = arith.constant 16 : i32
      %dma_wait3A_692 = arith.constant 0 : i32
      %dma_wait3A_693 = tpu.memref_slice %arg14[%dma_wait3A_691, %dma_wait3A_692] : memref<256x128xf32, #tpu.memory_space<vmem>> -> memref<16x128xf32, #tpu.memory_space<vmem>>
      %dma_wait3A_694 = arith.constant 0 : i32
      %dma_wait3A_695 = tpu.memref_slice %arg6[%dma_wait3A_694, %multiple_of3A_67] : memref<16x1000000xf32, #tpu.memory_space<hbm>> -> memref<16x128xf32, #tpu.memory_space<hbm>>
      tpu.wait_dma2 semaphore(%arg19 : memref<!tpu.dma_semaphore, #tpu.memory_space<semaphore_mem>>) src(%dma_wait3A_695 : memref<16x128xf32, #tpu.memory_space<hbm>>) dst(%dma_wait3A_693 : memref<16x128xf32, #tpu.memory_space<vmem>>)
      %dma_wait3A_696 = arith.constant 16 : i32
      %dma_wait3A_697 = arith.constant 0 : i32
      %dma_wait3A_698 = tpu.memref_slice %arg15[%dma_wait3A_696, %dma_wait3A_697] : memref<256x128xf32, #tpu.memory_space<vmem>> -> memref<16x128xf32, #tpu.memory_space<vmem>>
      %dma_wait3A_699 = arith.constant 0 : i32
      %dma_wait3A_700 = tpu.memref_slice %arg6[%dma_wait3A_699, %multiple_of3A_70] : memref<16x1000000xf32, #tpu.memory_space<hbm>> -> memref<16x128xf32, #tpu.memory_space<hbm>>
      %dma_wait3A_701 = arith.constant 16 : i32
      %dma_wait3A_702 = arith.constant 0 : i32
      %dma_wait3A_703 = tpu.memref_slice %arg15[%dma_wait3A_701, %dma_wait3A_702] : memref<256x128xf32, #tpu.memory_space<vmem>> -> memref<16x128xf32, #tpu.memory_space<vmem>>
      %dma_wait3A_704 = arith.constant 0 : i32
      %dma_wait3A_705 = tpu.memref_slice %arg6[%dma_wait3A_704, %multiple_of3A_70] : memref<16x1000000xf32, #tpu.memory_space<hbm>> -> memref<16x128xf32, #tpu.memory_space<hbm>>
      tpu.wait_dma2 semaphore(%arg19 : memref<!tpu.dma_semaphore, #tpu.memory_space<semaphore_mem>>) src(%dma_wait3A_705 : memref<16x128xf32, #tpu.memory_space<hbm>>) dst(%dma_wait3A_703 : memref<16x128xf32, #tpu.memory_space<vmem>>)
      %dma_wait3A_706 = arith.constant 32 : i32
      %dma_wait3A_707 = arith.constant 0 : i32
      %dma_wait3A_708 = tpu.memref_slice %arg13[%dma_wait3A_706, %dma_wait3A_707] : memref<256x128xf32, #tpu.memory_space<vmem>> -> memref<16x128xf32, #tpu.memory_space<vmem>>
      %dma_wait3A_709 = arith.constant 0 : i32
      %dma_wait3A_710 = tpu.memref_slice %arg5[%dma_wait3A_709, %multiple_of3A_103] : memref<16x1000000xf32, #tpu.memory_space<hbm>> -> memref<16x128xf32, #tpu.memory_space<hbm>>
      %dma_wait3A_711 = arith.constant 32 : i32
      %dma_wait3A_712 = arith.constant 0 : i32
      %dma_wait3A_713 = tpu.memref_slice %arg13[%dma_wait3A_711, %dma_wait3A_712] : memref<256x128xf32, #tpu.memory_space<vmem>> -> memref<16x128xf32, #tpu.memory_space<vmem>>
      %dma_wait3A_714 = arith.constant 0 : i32
      %dma_wait3A_715 = tpu.memref_slice %arg5[%dma_wait3A_714, %multiple_of3A_103] : memref<16x1000000xf32, #tpu.memory_space<hbm>> -> memref<16x128xf32, #tpu.memory_space<hbm>>
      tpu.wait_dma2 semaphore(%arg19 : memref<!tpu.dma_semaphore, #tpu.memory_space<semaphore_mem>>) src(%dma_wait3A_715 : memref<16x128xf32, #tpu.memory_space<hbm>>) dst(%dma_wait3A_713 : memref<16x128xf32, #tpu.memory_space<vmem>>)
      %dma_wait3A_716 = arith.constant 32 : i32
      %dma_wait3A_717 = arith.constant 0 : i32
      %dma_wait3A_718 = tpu.memref_slice %arg14[%dma_wait3A_716, %dma_wait3A_717] : memref<256x128xf32, #tpu.memory_space<vmem>> -> memref<16x128xf32, #tpu.memory_space<vmem>>
      %dma_wait3A_719 = arith.constant 0 : i32
      %dma_wait3A_720 = tpu.memref_slice %arg6[%dma_wait3A_719, %multiple_of3A_106] : memref<16x1000000xf32, #tpu.memory_space<hbm>> -> memref<16x128xf32, #tpu.memory_space<hbm>>
      %dma_wait3A_721 = arith.constant 32 : i32
      %dma_wait3A_722 = arith.constant 0 : i32
      %dma_wait3A_723 = tpu.memref_slice %arg14[%dma_wait3A_721, %dma_wait3A_722] : memref<256x128xf32, #tpu.memory_space<vmem>> -> memref<16x128xf32, #tpu.memory_space<vmem>>
      %dma_wait3A_724 = arith.constant 0 : i32
      %dma_wait3A_725 = tpu.memref_slice %arg6[%dma_wait3A_724, %multiple_of3A_106] : memref<16x1000000xf32, #tpu.memory_space<hbm>> -> memref<16x128xf32, #tpu.memory_space<hbm>>
      tpu.wait_dma2 semaphore(%arg19 : memref<!tpu.dma_semaphore, #tpu.memory_space<semaphore_mem>>) src(%dma_wait3A_725 : memref<16x128xf32, #tpu.memory_space<hbm>>) dst(%dma_wait3A_723 : memref<16x128xf32, #tpu.memory_space<vmem>>)
      %dma_wait3A_726 = arith.constant 32 : i32
      %dma_wait3A_727 = arith.constant 0 : i32
      %dma_wait3A_728 = tpu.memref_slice %arg15[%dma_wait3A_726, %dma_wait3A_727] : memref<256x128xf32, #tpu.memory_space<vmem>> -> memref<16x128xf32, #tpu.memory_space<vmem>>
      %dma_wait3A_729 = arith.constant 0 : i32
      %dma_wait3A_730 = tpu.memref_slice %arg6[%dma_wait3A_729, %multiple_of3A_109] : memref<16x1000000xf32, #tpu.memory_space<hbm>> -> memref<16x128xf32, #tpu.memory_space<hbm>>
      %dma_wait3A_731 = arith.constant 32 : i32
      %dma_wait3A_732 = arith.constant 0 : i32
      %dma_wait3A_733 = tpu.memref_slice %arg15[%dma_wait3A_731, %dma_wait3A_732] : memref<256x128xf32, #tpu.memory_space<vmem>> -> memref<16x128xf32, #tpu.memory_space<vmem>>
      %dma_wait3A_734 = arith.constant 0 : i32
      %dma_wait3A_735 = tpu.memref_slice %arg6[%dma_wait3A_734, %multiple_of3A_109] : memref<16x1000000xf32, #tpu.memory_space<hbm>> -> memref<16x128xf32, #tpu.memory_space<hbm>>
      tpu.wait_dma2 semaphore(%arg19 : memref<!tpu.dma_semaphore, #tpu.memory_space<semaphore_mem>>) src(%dma_wait3A_735 : memref<16x128xf32, #tpu.memory_space<hbm>>) dst(%dma_wait3A_733 : memref<16x128xf32, #tpu.memory_space<vmem>>)
      %dma_wait3A_736 = arith.constant 48 : i32
      %dma_wait3A_737 = arith.constant 0 : i32
      %dma_wait3A_738 = tpu.memref_slice %arg13[%dma_wait3A_736, %dma_wait3A_737] : memref<256x128xf32, #tpu.memory_space<vmem>> -> memref<16x128xf32, #tpu.memory_space<vmem>>
      %dma_wait3A_739 = arith.constant 0 : i32
      %dma_wait3A_740 = tpu.memref_slice %arg5[%dma_wait3A_739, %multiple_of3A_142] : memref<16x1000000xf32, #tpu.memory_space<hbm>> -> memref<16x128xf32, #tpu.memory_space<hbm>>
      %dma_wait3A_741 = arith.constant 48 : i32
      %dma_wait3A_742 = arith.constant 0 : i32
      %dma_wait3A_743 = tpu.memref_slice %arg13[%dma_wait3A_741, %dma_wait3A_742] : memref<256x128xf32, #tpu.memory_space<vmem>> -> memref<16x128xf32, #tpu.memory_space<vmem>>
      %dma_wait3A_744 = arith.constant 0 : i32
      %dma_wait3A_745 = tpu.memref_slice %arg5[%dma_wait3A_744, %multiple_of3A_142] : memref<16x1000000xf32, #tpu.memory_space<hbm>> -> memref<16x128xf32, #tpu.memory_space<hbm>>
      tpu.wait_dma2 semaphore(%arg19 : memref<!tpu.dma_semaphore, #tpu.memory_space<semaphore_mem>>) src(%dma_wait3A_745 : memref<16x128xf32, #tpu.memory_space<hbm>>) dst(%dma_wait3A_743 : memref<16x128xf32, #tpu.memory_space<vmem>>)
      %dma_wait3A_746 = arith.constant 48 : i32
      %dma_wait3A_747 = arith.constant 0 : i32
      %dma_wait3A_748 = tpu.memref_slice %arg14[%dma_wait3A_746, %dma_wait3A_747] : memref<256x128xf32, #tpu.memory_space<vmem>> -> memref<16x128xf32, #tpu.memory_space<vmem>>
      %dma_wait3A_749 = arith.constant 0 : i32
      %dma_wait3A_750 = tpu.memref_slice %arg6[%dma_wait3A_749, %multiple_of3A_145] : memref<16x1000000xf32, #tpu.memory_space<hbm>> -> memref<16x128xf32, #tpu.memory_space<hbm>>
      %dma_wait3A_751 = arith.constant 48 : i32
      %dma_wait3A_752 = arith.constant 0 : i32
      %dma_wait3A_753 = tpu.memref_slice %arg14[%dma_wait3A_751, %dma_wait3A_752] : memref<256x128xf32, #tpu.memory_space<vmem>> -> memref<16x128xf32, #tpu.memory_space<vmem>>
      %dma_wait3A_754 = arith.constant 0 : i32
      %dma_wait3A_755 = tpu.memref_slice %arg6[%dma_wait3A_754, %multiple_of3A_145] : memref<16x1000000xf32, #tpu.memory_space<hbm>> -> memref<16x128xf32, #tpu.memory_space<hbm>>
      tpu.wait_dma2 semaphore(%arg19 : memref<!tpu.dma_semaphore, #tpu.memory_space<semaphore_mem>>) src(%dma_wait3A_755 : memref<16x128xf32, #tpu.memory_space<hbm>>) dst(%dma_wait3A_753 : memref<16x128xf32, #tpu.memory_space<vmem>>)
      %dma_wait3A_756 = arith.constant 48 : i32
      %dma_wait3A_757 = arith.constant 0 : i32
      %dma_wait3A_758 = tpu.memref_slice %arg15[%dma_wait3A_756, %dma_wait3A_757] : memref<256x128xf32, #tpu.memory_space<vmem>> -> memref<16x128xf32, #tpu.memory_space<vmem>>
      %dma_wait3A_759 = arith.constant 0 : i32
      %dma_wait3A_760 = tpu.memref_slice %arg6[%dma_wait3A_759, %multiple_of3A_148] : memref<16x1000000xf32, #tpu.memory_space<hbm>> -> memref<16x128xf32, #tpu.memory_space<hbm>>
      %dma_wait3A_761 = arith.constant 48 : i32
      %dma_wait3A_762 = arith.constant 0 : i32
      %dma_wait3A_763 = tpu.memref_slice %arg15[%dma_wait3A_761, %dma_wait3A_762] : memref<256x128xf32, #tpu.memory_space<vmem>> -> memref<16x128xf32, #tpu.memory_space<vmem>>
      %dma_wait3A_764 = arith.constant 0 : i32
      %dma_wait3A_765 = tpu.memref_slice %arg6[%dma_wait3A_764, %multiple_of3A_148] : memref<16x1000000xf32, #tpu.memory_space<hbm>> -> memref<16x128xf32, #tpu.memory_space<hbm>>
      tpu.wait_dma2 semaphore(%arg19 : memref<!tpu.dma_semaphore, #tpu.memory_space<semaphore_mem>>) src(%dma_wait3A_765 : memref<16x128xf32, #tpu.memory_space<hbm>>) dst(%dma_wait3A_763 : memref<16x128xf32, #tpu.memory_space<vmem>>)
      %dma_wait3A_766 = arith.constant 64 : i32
      %dma_wait3A_767 = arith.constant 0 : i32
      %dma_wait3A_768 = tpu.memref_slice %arg13[%dma_wait3A_766, %dma_wait3A_767] : memref<256x128xf32, #tpu.memory_space<vmem>> -> memref<16x128xf32, #tpu.memory_space<vmem>>
      %dma_wait3A_769 = arith.constant 0 : i32
      %dma_wait3A_770 = tpu.memref_slice %arg5[%dma_wait3A_769, %multiple_of3A_181] : memref<16x1000000xf32, #tpu.memory_space<hbm>> -> memref<16x128xf32, #tpu.memory_space<hbm>>
      %dma_wait3A_771 = arith.constant 64 : i32
      %dma_wait3A_772 = arith.constant 0 : i32
      %dma_wait3A_773 = tpu.memref_slice %arg13[%dma_wait3A_771, %dma_wait3A_772] : memref<256x128xf32, #tpu.memory_space<vmem>> -> memref<16x128xf32, #tpu.memory_space<vmem>>
      %dma_wait3A_774 = arith.constant 0 : i32
      %dma_wait3A_775 = tpu.memref_slice %arg5[%dma_wait3A_774, %multiple_of3A_181] : memref<16x1000000xf32, #tpu.memory_space<hbm>> -> memref<16x128xf32, #tpu.memory_space<hbm>>
      tpu.wait_dma2 semaphore(%arg19 : memref<!tpu.dma_semaphore, #tpu.memory_space<semaphore_mem>>) src(%dma_wait3A_775 : memref<16x128xf32, #tpu.memory_space<hbm>>) dst(%dma_wait3A_773 : memref<16x128xf32, #tpu.memory_space<vmem>>)
      %dma_wait3A_776 = arith.constant 64 : i32
      %dma_wait3A_777 = arith.constant 0 : i32
      %dma_wait3A_778 = tpu.memref_slice %arg14[%dma_wait3A_776, %dma_wait3A_777] : memref<256x128xf32, #tpu.memory_space<vmem>> -> memref<16x128xf32, #tpu.memory_space<vmem>>
      %dma_wait3A_779 = arith.constant 0 : i32
      %dma_wait3A_780 = tpu.memref_slice %arg6[%dma_wait3A_779, %multiple_of3A_184] : memref<16x1000000xf32, #tpu.memory_space<hbm>> -> memref<16x128xf32, #tpu.memory_space<hbm>>
      %dma_wait3A_781 = arith.constant 64 : i32
      %dma_wait3A_782 = arith.constant 0 : i32
      %dma_wait3A_783 = tpu.memref_slice %arg14[%dma_wait3A_781, %dma_wait3A_782] : memref<256x128xf32, #tpu.memory_space<vmem>> -> memref<16x128xf32, #tpu.memory_space<vmem>>
      %dma_wait3A_784 = arith.constant 0 : i32
      %dma_wait3A_785 = tpu.memref_slice %arg6[%dma_wait3A_784, %multiple_of3A_184] : memref<16x1000000xf32, #tpu.memory_space<hbm>> -> memref<16x128xf32, #tpu.memory_space<hbm>>
      tpu.wait_dma2 semaphore(%arg19 : memref<!tpu.dma_semaphore, #tpu.memory_space<semaphore_mem>>) src(%dma_wait3A_785 : memref<16x128xf32, #tpu.memory_space<hbm>>) dst(%dma_wait3A_783 : memref<16x128xf32, #tpu.memory_space<vmem>>)
      %dma_wait3A_786 = arith.constant 64 : i32
      %dma_wait3A_787 = arith.constant 0 : i32
      %dma_wait3A_788 = tpu.memref_slice %arg15[%dma_wait3A_786, %dma_wait3A_787] : memref<256x128xf32, #tpu.memory_space<vmem>> -> memref<16x128xf32, #tpu.memory_space<vmem>>
      %dma_wait3A_789 = arith.constant 0 : i32
      %dma_wait3A_790 = tpu.memref_slice %arg6[%dma_wait3A_789, %multiple_of3A_187] : memref<16x1000000xf32, #tpu.memory_space<hbm>> -> memref<16x128xf32, #tpu.memory_space<hbm>>
      %dma_wait3A_791 = arith.constant 64 : i32
      %dma_wait3A_792 = arith.constant 0 : i32
      %dma_wait3A_793 = tpu.memref_slice %arg15[%dma_wait3A_791, %dma_wait3A_792] : memref<256x128xf32, #tpu.memory_space<vmem>> -> memref<16x128xf32, #tpu.memory_space<vmem>>
      %dma_wait3A_794 = arith.constant 0 : i32
      %dma_wait3A_795 = tpu.memref_slice %arg6[%dma_wait3A_794, %multiple_of3A_187] : memref<16x1000000xf32, #tpu.memory_space<hbm>> -> memref<16x128xf32, #tpu.memory_space<hbm>>
      tpu.wait_dma2 semaphore(%arg19 : memref<!tpu.dma_semaphore, #tpu.memory_space<semaphore_mem>>) src(%dma_wait3A_795 : memref<16x128xf32, #tpu.memory_space<hbm>>) dst(%dma_wait3A_793 : memref<16x128xf32, #tpu.memory_space<vmem>>)
      %dma_wait3A_796 = arith.constant 80 : i32
      %dma_wait3A_797 = arith.constant 0 : i32
      %dma_wait3A_798 = tpu.memref_slice %arg13[%dma_wait3A_796, %dma_wait3A_797] : memref<256x128xf32, #tpu.memory_space<vmem>> -> memref<16x128xf32, #tpu.memory_space<vmem>>
      %dma_wait3A_799 = arith.constant 0 : i32
      %dma_wait3A_800 = tpu.memref_slice %arg5[%dma_wait3A_799, %multiple_of3A_220] : memref<16x1000000xf32, #tpu.memory_space<hbm>> -> memref<16x128xf32, #tpu.memory_space<hbm>>
      %dma_wait3A_801 = arith.constant 80 : i32
      %dma_wait3A_802 = arith.constant 0 : i32
      %dma_wait3A_803 = tpu.memref_slice %arg13[%dma_wait3A_801, %dma_wait3A_802] : memref<256x128xf32, #tpu.memory_space<vmem>> -> memref<16x128xf32, #tpu.memory_space<vmem>>
      %dma_wait3A_804 = arith.constant 0 : i32
      %dma_wait3A_805 = tpu.memref_slice %arg5[%dma_wait3A_804, %multiple_of3A_220] : memref<16x1000000xf32, #tpu.memory_space<hbm>> -> memref<16x128xf32, #tpu.memory_space<hbm>>
      tpu.wait_dma2 semaphore(%arg19 : memref<!tpu.dma_semaphore, #tpu.memory_space<semaphore_mem>>) src(%dma_wait3A_805 : memref<16x128xf32, #tpu.memory_space<hbm>>) dst(%dma_wait3A_803 : memref<16x128xf32, #tpu.memory_space<vmem>>)
      %dma_wait3A_806 = arith.constant 80 : i32
      %dma_wait3A_807 = arith.constant 0 : i32
      %dma_wait3A_808 = tpu.memref_slice %arg14[%dma_wait3A_806, %dma_wait3A_807] : memref<256x128xf32, #tpu.memory_space<vmem>> -> memref<16x128xf32, #tpu.memory_space<vmem>>
      %dma_wait3A_809 = arith.constant 0 : i32
      %dma_wait3A_810 = tpu.memref_slice %arg6[%dma_wait3A_809, %multiple_of3A_223] : memref<16x1000000xf32, #tpu.memory_space<hbm>> -> memref<16x128xf32, #tpu.memory_space<hbm>>
      %dma_wait3A_811 = arith.constant 80 : i32
      %dma_wait3A_812 = arith.constant 0 : i32
      %dma_wait3A_813 = tpu.memref_slice %arg14[%dma_wait3A_811, %dma_wait3A_812] : memref<256x128xf32, #tpu.memory_space<vmem>> -> memref<16x128xf32, #tpu.memory_space<vmem>>
      %dma_wait3A_814 = arith.constant 0 : i32
      %dma_wait3A_815 = tpu.memref_slice %arg6[%dma_wait3A_814, %multiple_of3A_223] : memref<16x1000000xf32, #tpu.memory_space<hbm>> -> memref<16x128xf32, #tpu.memory_space<hbm>>
      tpu.wait_dma2 semaphore(%arg19 : memref<!tpu.dma_semaphore, #tpu.memory_space<semaphore_mem>>) src(%dma_wait3A_815 : memref<16x128xf32, #tpu.memory_space<hbm>>) dst(%dma_wait3A_813 : memref<16x128xf32, #tpu.memory_space<vmem>>)
      %dma_wait3A_816 = arith.constant 80 : i32
      %dma_wait3A_817 = arith.constant 0 : i32
      %dma_wait3A_818 = tpu.memref_slice %arg15[%dma_wait3A_816, %dma_wait3A_817] : memref<256x128xf32, #tpu.memory_space<vmem>> -> memref<16x128xf32, #tpu.memory_space<vmem>>
      %dma_wait3A_819 = arith.constant 0 : i32
      %dma_wait3A_820 = tpu.memref_slice %arg6[%dma_wait3A_819, %multiple_of3A_226] : memref<16x1000000xf32, #tpu.memory_space<hbm>> -> memref<16x128xf32, #tpu.memory_space<hbm>>
      %dma_wait3A_821 = arith.constant 80 : i32
      %dma_wait3A_822 = arith.constant 0 : i32
      %dma_wait3A_823 = tpu.memref_slice %arg15[%dma_wait3A_821, %dma_wait3A_822] : memref<256x128xf32, #tpu.memory_space<vmem>> -> memref<16x128xf32, #tpu.memory_space<vmem>>
      %dma_wait3A_824 = arith.constant 0 : i32
      %dma_wait3A_825 = tpu.memref_slice %arg6[%dma_wait3A_824, %multiple_of3A_226] : memref<16x1000000xf32, #tpu.memory_space<hbm>> -> memref<16x128xf32, #tpu.memory_space<hbm>>
      tpu.wait_dma2 semaphore(%arg19 : memref<!tpu.dma_semaphore, #tpu.memory_space<semaphore_mem>>) src(%dma_wait3A_825 : memref<16x128xf32, #tpu.memory_space<hbm>>) dst(%dma_wait3A_823 : memref<16x128xf32, #tpu.memory_space<vmem>>)
      %dma_wait3A_826 = arith.constant 96 : i32
      %dma_wait3A_827 = arith.constant 0 : i32
      %dma_wait3A_828 = tpu.memref_slice %arg13[%dma_wait3A_826, %dma_wait3A_827] : memref<256x128xf32, #tpu.memory_space<vmem>> -> memref<16x128xf32, #tpu.memory_space<vmem>>
      %dma_wait3A_829 = arith.constant 0 : i32
      %dma_wait3A_830 = tpu.memref_slice %arg5[%dma_wait3A_829, %multiple_of3A_259] : memref<16x1000000xf32, #tpu.memory_space<hbm>> -> memref<16x128xf32, #tpu.memory_space<hbm>>
      %dma_wait3A_831 = arith.constant 96 : i32
      %dma_wait3A_832 = arith.constant 0 : i32
      %dma_wait3A_833 = tpu.memref_slice %arg13[%dma_wait3A_831, %dma_wait3A_832] : memref<256x128xf32, #tpu.memory_space<vmem>> -> memref<16x128xf32, #tpu.memory_space<vmem>>
      %dma_wait3A_834 = arith.constant 0 : i32
      %dma_wait3A_835 = tpu.memref_slice %arg5[%dma_wait3A_834, %multiple_of3A_259] : memref<16x1000000xf32, #tpu.memory_space<hbm>> -> memref<16x128xf32, #tpu.memory_space<hbm>>
      tpu.wait_dma2 semaphore(%arg19 : memref<!tpu.dma_semaphore, #tpu.memory_space<semaphore_mem>>) src(%dma_wait3A_835 : memref<16x128xf32, #tpu.memory_space<hbm>>) dst(%dma_wait3A_833 : memref<16x128xf32, #tpu.memory_space<vmem>>)
      %dma_wait3A_836 = arith.constant 96 : i32
      %dma_wait3A_837 = arith.constant 0 : i32
      %dma_wait3A_838 = tpu.memref_slice %arg14[%dma_wait3A_836, %dma_wait3A_837] : memref<256x128xf32, #tpu.memory_space<vmem>> -> memref<16x128xf32, #tpu.memory_space<vmem>>
      %dma_wait3A_839 = arith.constant 0 : i32
      %dma_wait3A_840 = tpu.memref_slice %arg6[%dma_wait3A_839, %multiple_of3A_262] : memref<16x1000000xf32, #tpu.memory_space<hbm>> -> memref<16x128xf32, #tpu.memory_space<hbm>>
      %dma_wait3A_841 = arith.constant 96 : i32
      %dma_wait3A_842 = arith.constant 0 : i32
      %dma_wait3A_843 = tpu.memref_slice %arg14[%dma_wait3A_841, %dma_wait3A_842] : memref<256x128xf32, #tpu.memory_space<vmem>> -> memref<16x128xf32, #tpu.memory_space<vmem>>
      %dma_wait3A_844 = arith.constant 0 : i32
      %dma_wait3A_845 = tpu.memref_slice %arg6[%dma_wait3A_844, %multiple_of3A_262] : memref<16x1000000xf32, #tpu.memory_space<hbm>> -> memref<16x128xf32, #tpu.memory_space<hbm>>
      tpu.wait_dma2 semaphore(%arg19 : memref<!tpu.dma_semaphore, #tpu.memory_space<semaphore_mem>>) src(%dma_wait3A_845 : memref<16x128xf32, #tpu.memory_space<hbm>>) dst(%dma_wait3A_843 : memref<16x128xf32, #tpu.memory_space<vmem>>)
      %dma_wait3A_846 = arith.constant 96 : i32
      %dma_wait3A_847 = arith.constant 0 : i32
      %dma_wait3A_848 = tpu.memref_slice %arg15[%dma_wait3A_846, %dma_wait3A_847] : memref<256x128xf32, #tpu.memory_space<vmem>> -> memref<16x128xf32, #tpu.memory_space<vmem>>
      %dma_wait3A_849 = arith.constant 0 : i32
      %dma_wait3A_850 = tpu.memref_slice %arg6[%dma_wait3A_849, %multiple_of3A_265] : memref<16x1000000xf32, #tpu.memory_space<hbm>> -> memref<16x128xf32, #tpu.memory_space<hbm>>
      %dma_wait3A_851 = arith.constant 96 : i32
      %dma_wait3A_852 = arith.constant 0 : i32
      %dma_wait3A_853 = tpu.memref_slice %arg15[%dma_wait3A_851, %dma_wait3A_852] : memref<256x128xf32, #tpu.memory_space<vmem>> -> memref<16x128xf32, #tpu.memory_space<vmem>>
      %dma_wait3A_854 = arith.constant 0 : i32
      %dma_wait3A_855 = tpu.memref_slice %arg6[%dma_wait3A_854, %multiple_of3A_265] : memref<16x1000000xf32, #tpu.memory_space<hbm>> -> memref<16x128xf32, #tpu.memory_space<hbm>>
      tpu.wait_dma2 semaphore(%arg19 : memref<!tpu.dma_semaphore, #tpu.memory_space<semaphore_mem>>) src(%dma_wait3A_855 : memref<16x128xf32, #tpu.memory_space<hbm>>) dst(%dma_wait3A_853 : memref<16x128xf32, #tpu.memory_space<vmem>>)
      %dma_wait3A_856 = arith.constant 112 : i32
      %dma_wait3A_857 = arith.constant 0 : i32
      %dma_wait3A_858 = tpu.memref_slice %arg13[%dma_wait3A_856, %dma_wait3A_857] : memref<256x128xf32, #tpu.memory_space<vmem>> -> memref<16x128xf32, #tpu.memory_space<vmem>>
      %dma_wait3A_859 = arith.constant 0 : i32
      %dma_wait3A_860 = tpu.memref_slice %arg5[%dma_wait3A_859, %multiple_of3A_298] : memref<16x1000000xf32, #tpu.memory_space<hbm>> -> memref<16x128xf32, #tpu.memory_space<hbm>>
      %dma_wait3A_861 = arith.constant 112 : i32
      %dma_wait3A_862 = arith.constant 0 : i32
      %dma_wait3A_863 = tpu.memref_slice %arg13[%dma_wait3A_861, %dma_wait3A_862] : memref<256x128xf32, #tpu.memory_space<vmem>> -> memref<16x128xf32, #tpu.memory_space<vmem>>
      %dma_wait3A_864 = arith.constant 0 : i32
      %dma_wait3A_865 = tpu.memref_slice %arg5[%dma_wait3A_864, %multiple_of3A_298] : memref<16x1000000xf32, #tpu.memory_space<hbm>> -> memref<16x128xf32, #tpu.memory_space<hbm>>
      tpu.wait_dma2 semaphore(%arg19 : memref<!tpu.dma_semaphore, #tpu.memory_space<semaphore_mem>>) src(%dma_wait3A_865 : memref<16x128xf32, #tpu.memory_space<hbm>>) dst(%dma_wait3A_863 : memref<16x128xf32, #tpu.memory_space<vmem>>)
      %dma_wait3A_866 = arith.constant 112 : i32
      %dma_wait3A_867 = arith.constant 0 : i32
      %dma_wait3A_868 = tpu.memref_slice %arg14[%dma_wait3A_866, %dma_wait3A_867] : memref<256x128xf32, #tpu.memory_space<vmem>> -> memref<16x128xf32, #tpu.memory_space<vmem>>
      %dma_wait3A_869 = arith.constant 0 : i32
      %dma_wait3A_870 = tpu.memref_slice %arg6[%dma_wait3A_869, %multiple_of3A_301] : memref<16x1000000xf32, #tpu.memory_space<hbm>> -> memref<16x128xf32, #tpu.memory_space<hbm>>
      %dma_wait3A_871 = arith.constant 112 : i32
      %dma_wait3A_872 = arith.constant 0 : i32
      %dma_wait3A_873 = tpu.memref_slice %arg14[%dma_wait3A_871, %dma_wait3A_872] : memref<256x128xf32, #tpu.memory_space<vmem>> -> memref<16x128xf32, #tpu.memory_space<vmem>>
      %dma_wait3A_874 = arith.constant 0 : i32
      %dma_wait3A_875 = tpu.memref_slice %arg6[%dma_wait3A_874, %multiple_of3A_301] : memref<16x1000000xf32, #tpu.memory_space<hbm>> -> memref<16x128xf32, #tpu.memory_space<hbm>>
      tpu.wait_dma2 semaphore(%arg19 : memref<!tpu.dma_semaphore, #tpu.memory_space<semaphore_mem>>) src(%dma_wait3A_875 : memref<16x128xf32, #tpu.memory_space<hbm>>) dst(%dma_wait3A_873 : memref<16x128xf32, #tpu.memory_space<vmem>>)
      %dma_wait3A_876 = arith.constant 112 : i32
      %dma_wait3A_877 = arith.constant 0 : i32
      %dma_wait3A_878 = tpu.memref_slice %arg15[%dma_wait3A_876, %dma_wait3A_877] : memref<256x128xf32, #tpu.memory_space<vmem>> -> memref<16x128xf32, #tpu.memory_space<vmem>>
      %dma_wait3A_879 = arith.constant 0 : i32
      %dma_wait3A_880 = tpu.memref_slice %arg6[%dma_wait3A_879, %multiple_of3A_304] : memref<16x1000000xf32, #tpu.memory_space<hbm>> -> memref<16x128xf32, #tpu.memory_space<hbm>>
      %dma_wait3A_881 = arith.constant 112 : i32
      %dma_wait3A_882 = arith.constant 0 : i32
      %dma_wait3A_883 = tpu.memref_slice %arg15[%dma_wait3A_881, %dma_wait3A_882] : memref<256x128xf32, #tpu.memory_space<vmem>> -> memref<16x128xf32, #tpu.memory_space<vmem>>
      %dma_wait3A_884 = arith.constant 0 : i32
      %dma_wait3A_885 = tpu.memref_slice %arg6[%dma_wait3A_884, %multiple_of3A_304] : memref<16x1000000xf32, #tpu.memory_space<hbm>> -> memref<16x128xf32, #tpu.memory_space<hbm>>
      tpu.wait_dma2 semaphore(%arg19 : memref<!tpu.dma_semaphore, #tpu.memory_space<semaphore_mem>>) src(%dma_wait3A_885 : memref<16x128xf32, #tpu.memory_space<hbm>>) dst(%dma_wait3A_883 : memref<16x128xf32, #tpu.memory_space<vmem>>)
      %dma_wait3A_886 = arith.constant 128 : i32
      %dma_wait3A_887 = arith.constant 0 : i32
      %dma_wait3A_888 = tpu.memref_slice %arg13[%dma_wait3A_886, %dma_wait3A_887] : memref<256x128xf32, #tpu.memory_space<vmem>> -> memref<16x128xf32, #tpu.memory_space<vmem>>
      %dma_wait3A_889 = arith.constant 0 : i32
      %dma_wait3A_890 = tpu.memref_slice %arg5[%dma_wait3A_889, %multiple_of3A_337] : memref<16x1000000xf32, #tpu.memory_space<hbm>> -> memref<16x128xf32, #tpu.memory_space<hbm>>
      %dma_wait3A_891 = arith.constant 128 : i32
      %dma_wait3A_892 = arith.constant 0 : i32
      %dma_wait3A_893 = tpu.memref_slice %arg13[%dma_wait3A_891, %dma_wait3A_892] : memref<256x128xf32, #tpu.memory_space<vmem>> -> memref<16x128xf32, #tpu.memory_space<vmem>>
      %dma_wait3A_894 = arith.constant 0 : i32
      %dma_wait3A_895 = tpu.memref_slice %arg5[%dma_wait3A_894, %multiple_of3A_337] : memref<16x1000000xf32, #tpu.memory_space<hbm>> -> memref<16x128xf32, #tpu.memory_space<hbm>>
      tpu.wait_dma2 semaphore(%arg19 : memref<!tpu.dma_semaphore, #tpu.memory_space<semaphore_mem>>) src(%dma_wait3A_895 : memref<16x128xf32, #tpu.memory_space<hbm>>) dst(%dma_wait3A_893 : memref<16x128xf32, #tpu.memory_space<vmem>>)
      %dma_wait3A_896 = arith.constant 128 : i32
      %dma_wait3A_897 = arith.constant 0 : i32
      %dma_wait3A_898 = tpu.memref_slice %arg14[%dma_wait3A_896, %dma_wait3A_897] : memref<256x128xf32, #tpu.memory_space<vmem>> -> memref<16x128xf32, #tpu.memory_space<vmem>>
      %dma_wait3A_899 = arith.constant 0 : i32
      %dma_wait3A_900 = tpu.memref_slice %arg6[%dma_wait3A_899, %multiple_of3A_340] : memref<16x1000000xf32, #tpu.memory_space<hbm>> -> memref<16x128xf32, #tpu.memory_space<hbm>>
      %dma_wait3A_901 = arith.constant 128 : i32
      %dma_wait3A_902 = arith.constant 0 : i32
      %dma_wait3A_903 = tpu.memref_slice %arg14[%dma_wait3A_901, %dma_wait3A_902] : memref<256x128xf32, #tpu.memory_space<vmem>> -> memref<16x128xf32, #tpu.memory_space<vmem>>
      %dma_wait3A_904 = arith.constant 0 : i32
      %dma_wait3A_905 = tpu.memref_slice %arg6[%dma_wait3A_904, %multiple_of3A_340] : memref<16x1000000xf32, #tpu.memory_space<hbm>> -> memref<16x128xf32, #tpu.memory_space<hbm>>
      tpu.wait_dma2 semaphore(%arg19 : memref<!tpu.dma_semaphore, #tpu.memory_space<semaphore_mem>>) src(%dma_wait3A_905 : memref<16x128xf32, #tpu.memory_space<hbm>>) dst(%dma_wait3A_903 : memref<16x128xf32, #tpu.memory_space<vmem>>)
      %dma_wait3A_906 = arith.constant 128 : i32
      %dma_wait3A_907 = arith.constant 0 : i32
      %dma_wait3A_908 = tpu.memref_slice %arg15[%dma_wait3A_906, %dma_wait3A_907] : memref<256x128xf32, #tpu.memory_space<vmem>> -> memref<16x128xf32, #tpu.memory_space<vmem>>
      %dma_wait3A_909 = arith.constant 0 : i32
      %dma_wait3A_910 = tpu.memref_slice %arg6[%dma_wait3A_909, %multiple_of3A_343] : memref<16x1000000xf32, #tpu.memory_space<hbm>> -> memref<16x128xf32, #tpu.memory_space<hbm>>
      %dma_wait3A_911 = arith.constant 128 : i32
      %dma_wait3A_912 = arith.constant 0 : i32
      %dma_wait3A_913 = tpu.memref_slice %arg15[%dma_wait3A_911, %dma_wait3A_912] : memref<256x128xf32, #tpu.memory_space<vmem>> -> memref<16x128xf32, #tpu.memory_space<vmem>>
      %dma_wait3A_914 = arith.constant 0 : i32
      %dma_wait3A_915 = tpu.memref_slice %arg6[%dma_wait3A_914, %multiple_of3A_343] : memref<16x1000000xf32, #tpu.memory_space<hbm>> -> memref<16x128xf32, #tpu.memory_space<hbm>>
      tpu.wait_dma2 semaphore(%arg19 : memref<!tpu.dma_semaphore, #tpu.memory_space<semaphore_mem>>) src(%dma_wait3A_915 : memref<16x128xf32, #tpu.memory_space<hbm>>) dst(%dma_wait3A_913 : memref<16x128xf32, #tpu.memory_space<vmem>>)
      %dma_wait3A_916 = arith.constant 144 : i32
      %dma_wait3A_917 = arith.constant 0 : i32
      %dma_wait3A_918 = tpu.memref_slice %arg13[%dma_wait3A_916, %dma_wait3A_917] : memref<256x128xf32, #tpu.memory_space<vmem>> -> memref<16x128xf32, #tpu.memory_space<vmem>>
      %dma_wait3A_919 = arith.constant 0 : i32
      %dma_wait3A_920 = tpu.memref_slice %arg5[%dma_wait3A_919, %multiple_of3A_376] : memref<16x1000000xf32, #tpu.memory_space<hbm>> -> memref<16x128xf32, #tpu.memory_space<hbm>>
      %dma_wait3A_921 = arith.constant 144 : i32
      %dma_wait3A_922 = arith.constant 0 : i32
      %dma_wait3A_923 = tpu.memref_slice %arg13[%dma_wait3A_921, %dma_wait3A_922] : memref<256x128xf32, #tpu.memory_space<vmem>> -> memref<16x128xf32, #tpu.memory_space<vmem>>
      %dma_wait3A_924 = arith.constant 0 : i32
      %dma_wait3A_925 = tpu.memref_slice %arg5[%dma_wait3A_924, %multiple_of3A_376] : memref<16x1000000xf32, #tpu.memory_space<hbm>> -> memref<16x128xf32, #tpu.memory_space<hbm>>
      tpu.wait_dma2 semaphore(%arg19 : memref<!tpu.dma_semaphore, #tpu.memory_space<semaphore_mem>>) src(%dma_wait3A_925 : memref<16x128xf32, #tpu.memory_space<hbm>>) dst(%dma_wait3A_923 : memref<16x128xf32, #tpu.memory_space<vmem>>)
      %dma_wait3A_926 = arith.constant 144 : i32
      %dma_wait3A_927 = arith.constant 0 : i32
      %dma_wait3A_928 = tpu.memref_slice %arg14[%dma_wait3A_926, %dma_wait3A_927] : memref<256x128xf32, #tpu.memory_space<vmem>> -> memref<16x128xf32, #tpu.memory_space<vmem>>
      %dma_wait3A_929 = arith.constant 0 : i32
      %dma_wait3A_930 = tpu.memref_slice %arg6[%dma_wait3A_929, %multiple_of3A_379] : memref<16x1000000xf32, #tpu.memory_space<hbm>> -> memref<16x128xf32, #tpu.memory_space<hbm>>
      %dma_wait3A_931 = arith.constant 144 : i32
      %dma_wait3A_932 = arith.constant 0 : i32
      %dma_wait3A_933 = tpu.memref_slice %arg14[%dma_wait3A_931, %dma_wait3A_932] : memref<256x128xf32, #tpu.memory_space<vmem>> -> memref<16x128xf32, #tpu.memory_space<vmem>>
      %dma_wait3A_934 = arith.constant 0 : i32
      %dma_wait3A_935 = tpu.memref_slice %arg6[%dma_wait3A_934, %multiple_of3A_379] : memref<16x1000000xf32, #tpu.memory_space<hbm>> -> memref<16x128xf32, #tpu.memory_space<hbm>>
      tpu.wait_dma2 semaphore(%arg19 : memref<!tpu.dma_semaphore, #tpu.memory_space<semaphore_mem>>) src(%dma_wait3A_935 : memref<16x128xf32, #tpu.memory_space<hbm>>) dst(%dma_wait3A_933 : memref<16x128xf32, #tpu.memory_space<vmem>>)
      %dma_wait3A_936 = arith.constant 144 : i32
      %dma_wait3A_937 = arith.constant 0 : i32
      %dma_wait3A_938 = tpu.memref_slice %arg15[%dma_wait3A_936, %dma_wait3A_937] : memref<256x128xf32, #tpu.memory_space<vmem>> -> memref<16x128xf32, #tpu.memory_space<vmem>>
      %dma_wait3A_939 = arith.constant 0 : i32
      %dma_wait3A_940 = tpu.memref_slice %arg6[%dma_wait3A_939, %multiple_of3A_382] : memref<16x1000000xf32, #tpu.memory_space<hbm>> -> memref<16x128xf32, #tpu.memory_space<hbm>>
      %dma_wait3A_941 = arith.constant 144 : i32
      %dma_wait3A_942 = arith.constant 0 : i32
      %dma_wait3A_943 = tpu.memref_slice %arg15[%dma_wait3A_941, %dma_wait3A_942] : memref<256x128xf32, #tpu.memory_space<vmem>> -> memref<16x128xf32, #tpu.memory_space<vmem>>
      %dma_wait3A_944 = arith.constant 0 : i32
      %dma_wait3A_945 = tpu.memref_slice %arg6[%dma_wait3A_944, %multiple_of3A_382] : memref<16x1000000xf32, #tpu.memory_space<hbm>> -> memref<16x128xf32, #tpu.memory_space<hbm>>
      tpu.wait_dma2 semaphore(%arg19 : memref<!tpu.dma_semaphore, #tpu.memory_space<semaphore_mem>>) src(%dma_wait3A_945 : memref<16x128xf32, #tpu.memory_space<hbm>>) dst(%dma_wait3A_943 : memref<16x128xf32, #tpu.memory_space<vmem>>)
      %dma_wait3A_946 = arith.constant 160 : i32
      %dma_wait3A_947 = arith.constant 0 : i32
      %dma_wait3A_948 = tpu.memref_slice %arg13[%dma_wait3A_946, %dma_wait3A_947] : memref<256x128xf32, #tpu.memory_space<vmem>> -> memref<16x128xf32, #tpu.memory_space<vmem>>
      %dma_wait3A_949 = arith.constant 0 : i32
      %dma_wait3A_950 = tpu.memref_slice %arg5[%dma_wait3A_949, %multiple_of3A_415] : memref<16x1000000xf32, #tpu.memory_space<hbm>> -> memref<16x128xf32, #tpu.memory_space<hbm>>
      %dma_wait3A_951 = arith.constant 160 : i32
      %dma_wait3A_952 = arith.constant 0 : i32
      %dma_wait3A_953 = tpu.memref_slice %arg13[%dma_wait3A_951, %dma_wait3A_952] : memref<256x128xf32, #tpu.memory_space<vmem>> -> memref<16x128xf32, #tpu.memory_space<vmem>>
      %dma_wait3A_954 = arith.constant 0 : i32
      %dma_wait3A_955 = tpu.memref_slice %arg5[%dma_wait3A_954, %multiple_of3A_415] : memref<16x1000000xf32, #tpu.memory_space<hbm>> -> memref<16x128xf32, #tpu.memory_space<hbm>>
      tpu.wait_dma2 semaphore(%arg19 : memref<!tpu.dma_semaphore, #tpu.memory_space<semaphore_mem>>) src(%dma_wait3A_955 : memref<16x128xf32, #tpu.memory_space<hbm>>) dst(%dma_wait3A_953 : memref<16x128xf32, #tpu.memory_space<vmem>>)
      %dma_wait3A_956 = arith.constant 160 : i32
      %dma_wait3A_957 = arith.constant 0 : i32
      %dma_wait3A_958 = tpu.memref_slice %arg14[%dma_wait3A_956, %dma_wait3A_957] : memref<256x128xf32, #tpu.memory_space<vmem>> -> memref<16x128xf32, #tpu.memory_space<vmem>>
      %dma_wait3A_959 = arith.constant 0 : i32
      %dma_wait3A_960 = tpu.memref_slice %arg6[%dma_wait3A_959, %multiple_of3A_418] : memref<16x1000000xf32, #tpu.memory_space<hbm>> -> memref<16x128xf32, #tpu.memory_space<hbm>>
      %dma_wait3A_961 = arith.constant 160 : i32
      %dma_wait3A_962 = arith.constant 0 : i32
      %dma_wait3A_963 = tpu.memref_slice %arg14[%dma_wait3A_961, %dma_wait3A_962] : memref<256x128xf32, #tpu.memory_space<vmem>> -> memref<16x128xf32, #tpu.memory_space<vmem>>
      %dma_wait3A_964 = arith.constant 0 : i32
      %dma_wait3A_965 = tpu.memref_slice %arg6[%dma_wait3A_964, %multiple_of3A_418] : memref<16x1000000xf32, #tpu.memory_space<hbm>> -> memref<16x128xf32, #tpu.memory_space<hbm>>
      tpu.wait_dma2 semaphore(%arg19 : memref<!tpu.dma_semaphore, #tpu.memory_space<semaphore_mem>>) src(%dma_wait3A_965 : memref<16x128xf32, #tpu.memory_space<hbm>>) dst(%dma_wait3A_963 : memref<16x128xf32, #tpu.memory_space<vmem>>)
      %dma_wait3A_966 = arith.constant 160 : i32
      %dma_wait3A_967 = arith.constant 0 : i32
      %dma_wait3A_968 = tpu.memref_slice %arg15[%dma_wait3A_966, %dma_wait3A_967] : memref<256x128xf32, #tpu.memory_space<vmem>> -> memref<16x128xf32, #tpu.memory_space<vmem>>
      %dma_wait3A_969 = arith.constant 0 : i32
      %dma_wait3A_970 = tpu.memref_slice %arg6[%dma_wait3A_969, %multiple_of3A_421] : memref<16x1000000xf32, #tpu.memory_space<hbm>> -> memref<16x128xf32, #tpu.memory_space<hbm>>
      %dma_wait3A_971 = arith.constant 160 : i32
      %dma_wait3A_972 = arith.constant 0 : i32
      %dma_wait3A_973 = tpu.memref_slice %arg15[%dma_wait3A_971, %dma_wait3A_972] : memref<256x128xf32, #tpu.memory_space<vmem>> -> memref<16x128xf32, #tpu.memory_space<vmem>>
      %dma_wait3A_974 = arith.constant 0 : i32
      %dma_wait3A_975 = tpu.memref_slice %arg6[%dma_wait3A_974, %multiple_of3A_421] : memref<16x1000000xf32, #tpu.memory_space<hbm>> -> memref<16x128xf32, #tpu.memory_space<hbm>>
      tpu.wait_dma2 semaphore(%arg19 : memref<!tpu.dma_semaphore, #tpu.memory_space<semaphore_mem>>) src(%dma_wait3A_975 : memref<16x128xf32, #tpu.memory_space<hbm>>) dst(%dma_wait3A_973 : memref<16x128xf32, #tpu.memory_space<vmem>>)
      %dma_wait3A_976 = arith.constant 176 : i32
      %dma_wait3A_977 = arith.constant 0 : i32
      %dma_wait3A_978 = tpu.memref_slice %arg13[%dma_wait3A_976, %dma_wait3A_977] : memref<256x128xf32, #tpu.memory_space<vmem>> -> memref<16x128xf32, #tpu.memory_space<vmem>>
      %dma_wait3A_979 = arith.constant 0 : i32
      %dma_wait3A_980 = tpu.memref_slice %arg5[%dma_wait3A_979, %multiple_of3A_454] : memref<16x1000000xf32, #tpu.memory_space<hbm>> -> memref<16x128xf32, #tpu.memory_space<hbm>>
      %dma_wait3A_981 = arith.constant 176 : i32
      %dma_wait3A_982 = arith.constant 0 : i32
      %dma_wait3A_983 = tpu.memref_slice %arg13[%dma_wait3A_981, %dma_wait3A_982] : memref<256x128xf32, #tpu.memory_space<vmem>> -> memref<16x128xf32, #tpu.memory_space<vmem>>
      %dma_wait3A_984 = arith.constant 0 : i32
      %dma_wait3A_985 = tpu.memref_slice %arg5[%dma_wait3A_984, %multiple_of3A_454] : memref<16x1000000xf32, #tpu.memory_space<hbm>> -> memref<16x128xf32, #tpu.memory_space<hbm>>
      tpu.wait_dma2 semaphore(%arg19 : memref<!tpu.dma_semaphore, #tpu.memory_space<semaphore_mem>>) src(%dma_wait3A_985 : memref<16x128xf32, #tpu.memory_space<hbm>>) dst(%dma_wait3A_983 : memref<16x128xf32, #tpu.memory_space<vmem>>)
      %dma_wait3A_986 = arith.constant 176 : i32
      %dma_wait3A_987 = arith.constant 0 : i32
      %dma_wait3A_988 = tpu.memref_slice %arg14[%dma_wait3A_986, %dma_wait3A_987] : memref<256x128xf32, #tpu.memory_space<vmem>> -> memref<16x128xf32, #tpu.memory_space<vmem>>
      %dma_wait3A_989 = arith.constant 0 : i32
      %dma_wait3A_990 = tpu.memref_slice %arg6[%dma_wait3A_989, %multiple_of3A_457] : memref<16x1000000xf32, #tpu.memory_space<hbm>> -> memref<16x128xf32, #tpu.memory_space<hbm>>
      %dma_wait3A_991 = arith.constant 176 : i32
      %dma_wait3A_992 = arith.constant 0 : i32
      %dma_wait3A_993 = tpu.memref_slice %arg14[%dma_wait3A_991, %dma_wait3A_992] : memref<256x128xf32, #tpu.memory_space<vmem>> -> memref<16x128xf32, #tpu.memory_space<vmem>>
      %dma_wait3A_994 = arith.constant 0 : i32
      %dma_wait3A_995 = tpu.memref_slice %arg6[%dma_wait3A_994, %multiple_of3A_457] : memref<16x1000000xf32, #tpu.memory_space<hbm>> -> memref<16x128xf32, #tpu.memory_space<hbm>>
      tpu.wait_dma2 semaphore(%arg19 : memref<!tpu.dma_semaphore, #tpu.memory_space<semaphore_mem>>) src(%dma_wait3A_995 : memref<16x128xf32, #tpu.memory_space<hbm>>) dst(%dma_wait3A_993 : memref<16x128xf32, #tpu.memory_space<vmem>>)
      %dma_wait3A_996 = arith.constant 176 : i32
      %dma_wait3A_997 = arith.constant 0 : i32
      %dma_wait3A_998 = tpu.memref_slice %arg15[%dma_wait3A_996, %dma_wait3A_997] : memref<256x128xf32, #tpu.memory_space<vmem>> -> memref<16x128xf32, #tpu.memory_space<vmem>>
      %dma_wait3A_999 = arith.constant 0 : i32
      %dma_wait3A_1000 = tpu.memref_slice %arg6[%dma_wait3A_999, %multiple_of3A_460] : memref<16x1000000xf32, #tpu.memory_space<hbm>> -> memref<16x128xf32, #tpu.memory_space<hbm>>
      %dma_wait3A_1001 = arith.constant 176 : i32
      %dma_wait3A_1002 = arith.constant 0 : i32
      %dma_wait3A_1003 = tpu.memref_slice %arg15[%dma_wait3A_1001, %dma_wait3A_1002] : memref<256x128xf32, #tpu.memory_space<vmem>> -> memref<16x128xf32, #tpu.memory_space<vmem>>
      %dma_wait3A_1004 = arith.constant 0 : i32
      %dma_wait3A_1005 = tpu.memref_slice %arg6[%dma_wait3A_1004, %multiple_of3A_460] : memref<16x1000000xf32, #tpu.memory_space<hbm>> -> memref<16x128xf32, #tpu.memory_space<hbm>>
      tpu.wait_dma2 semaphore(%arg19 : memref<!tpu.dma_semaphore, #tpu.memory_space<semaphore_mem>>) src(%dma_wait3A_1005 : memref<16x128xf32, #tpu.memory_space<hbm>>) dst(%dma_wait3A_1003 : memref<16x128xf32, #tpu.memory_space<vmem>>)
      %dma_wait3A_1006 = arith.constant 192 : i32
      %dma_wait3A_1007 = arith.constant 0 : i32
      %dma_wait3A_1008 = tpu.memref_slice %arg13[%dma_wait3A_1006, %dma_wait3A_1007] : memref<256x128xf32, #tpu.memory_space<vmem>> -> memref<16x128xf32, #tpu.memory_space<vmem>>
      %dma_wait3A_1009 = arith.constant 0 : i32
      %dma_wait3A_1010 = tpu.memref_slice %arg5[%dma_wait3A_1009, %multiple_of3A_493] : memref<16x1000000xf32, #tpu.memory_space<hbm>> -> memref<16x128xf32, #tpu.memory_space<hbm>>
      %dma_wait3A_1011 = arith.constant 192 : i32
      %dma_wait3A_1012 = arith.constant 0 : i32
      %dma_wait3A_1013 = tpu.memref_slice %arg13[%dma_wait3A_1011, %dma_wait3A_1012] : memref<256x128xf32, #tpu.memory_space<vmem>> -> memref<16x128xf32, #tpu.memory_space<vmem>>
      %dma_wait3A_1014 = arith.constant 0 : i32
      %dma_wait3A_1015 = tpu.memref_slice %arg5[%dma_wait3A_1014, %multiple_of3A_493] : memref<16x1000000xf32, #tpu.memory_space<hbm>> -> memref<16x128xf32, #tpu.memory_space<hbm>>
      tpu.wait_dma2 semaphore(%arg19 : memref<!tpu.dma_semaphore, #tpu.memory_space<semaphore_mem>>) src(%dma_wait3A_1015 : memref<16x128xf32, #tpu.memory_space<hbm>>) dst(%dma_wait3A_1013 : memref<16x128xf32, #tpu.memory_space<vmem>>)
      %dma_wait3A_1016 = arith.constant 192 : i32
      %dma_wait3A_1017 = arith.constant 0 : i32
      %dma_wait3A_1018 = tpu.memref_slice %arg14[%dma_wait3A_1016, %dma_wait3A_1017] : memref<256x128xf32, #tpu.memory_space<vmem>> -> memref<16x128xf32, #tpu.memory_space<vmem>>
      %dma_wait3A_1019 = arith.constant 0 : i32
      %dma_wait3A_1020 = tpu.memref_slice %arg6[%dma_wait3A_1019, %multiple_of3A_496] : memref<16x1000000xf32, #tpu.memory_space<hbm>> -> memref<16x128xf32, #tpu.memory_space<hbm>>
      %dma_wait3A_1021 = arith.constant 192 : i32
      %dma_wait3A_1022 = arith.constant 0 : i32
      %dma_wait3A_1023 = tpu.memref_slice %arg14[%dma_wait3A_1021, %dma_wait3A_1022] : memref<256x128xf32, #tpu.memory_space<vmem>> -> memref<16x128xf32, #tpu.memory_space<vmem>>
      %dma_wait3A_1024 = arith.constant 0 : i32
      %dma_wait3A_1025 = tpu.memref_slice %arg6[%dma_wait3A_1024, %multiple_of3A_496] : memref<16x1000000xf32, #tpu.memory_space<hbm>> -> memref<16x128xf32, #tpu.memory_space<hbm>>
      tpu.wait_dma2 semaphore(%arg19 : memref<!tpu.dma_semaphore, #tpu.memory_space<semaphore_mem>>) src(%dma_wait3A_1025 : memref<16x128xf32, #tpu.memory_space<hbm>>) dst(%dma_wait3A_1023 : memref<16x128xf32, #tpu.memory_space<vmem>>)
      %dma_wait3A_1026 = arith.constant 192 : i32
      %dma_wait3A_1027 = arith.constant 0 : i32
      %dma_wait3A_1028 = tpu.memref_slice %arg15[%dma_wait3A_1026, %dma_wait3A_1027] : memref<256x128xf32, #tpu.memory_space<vmem>> -> memref<16x128xf32, #tpu.memory_space<vmem>>
      %dma_wait3A_1029 = arith.constant 0 : i32
      %dma_wait3A_1030 = tpu.memref_slice %arg6[%dma_wait3A_1029, %multiple_of3A_499] : memref<16x1000000xf32, #tpu.memory_space<hbm>> -> memref<16x128xf32, #tpu.memory_space<hbm>>
      %dma_wait3A_1031 = arith.constant 192 : i32
      %dma_wait3A_1032 = arith.constant 0 : i32
      %dma_wait3A_1033 = tpu.memref_slice %arg15[%dma_wait3A_1031, %dma_wait3A_1032] : memref<256x128xf32, #tpu.memory_space<vmem>> -> memref<16x128xf32, #tpu.memory_space<vmem>>
      %dma_wait3A_1034 = arith.constant 0 : i32
      %dma_wait3A_1035 = tpu.memref_slice %arg6[%dma_wait3A_1034, %multiple_of3A_499] : memref<16x1000000xf32, #tpu.memory_space<hbm>> -> memref<16x128xf32, #tpu.memory_space<hbm>>
      tpu.wait_dma2 semaphore(%arg19 : memref<!tpu.dma_semaphore, #tpu.memory_space<semaphore_mem>>) src(%dma_wait3A_1035 : memref<16x128xf32, #tpu.memory_space<hbm>>) dst(%dma_wait3A_1033 : memref<16x128xf32, #tpu.memory_space<vmem>>)
      %dma_wait3A_1036 = arith.constant 208 : i32
      %dma_wait3A_1037 = arith.constant 0 : i32
      %dma_wait3A_1038 = tpu.memref_slice %arg13[%dma_wait3A_1036, %dma_wait3A_1037] : memref<256x128xf32, #tpu.memory_space<vmem>> -> memref<16x128xf32, #tpu.memory_space<vmem>>
      %dma_wait3A_1039 = arith.constant 0 : i32
      %dma_wait3A_1040 = tpu.memref_slice %arg5[%dma_wait3A_1039, %multiple_of3A_532] : memref<16x1000000xf32, #tpu.memory_space<hbm>> -> memref<16x128xf32, #tpu.memory_space<hbm>>
      %dma_wait3A_1041 = arith.constant 208 : i32
      %dma_wait3A_1042 = arith.constant 0 : i32
      %dma_wait3A_1043 = tpu.memref_slice %arg13[%dma_wait3A_1041, %dma_wait3A_1042] : memref<256x128xf32, #tpu.memory_space<vmem>> -> memref<16x128xf32, #tpu.memory_space<vmem>>
      %dma_wait3A_1044 = arith.constant 0 : i32
      %dma_wait3A_1045 = tpu.memref_slice %arg5[%dma_wait3A_1044, %multiple_of3A_532] : memref<16x1000000xf32, #tpu.memory_space<hbm>> -> memref<16x128xf32, #tpu.memory_space<hbm>>
      tpu.wait_dma2 semaphore(%arg19 : memref<!tpu.dma_semaphore, #tpu.memory_space<semaphore_mem>>) src(%dma_wait3A_1045 : memref<16x128xf32, #tpu.memory_space<hbm>>) dst(%dma_wait3A_1043 : memref<16x128xf32, #tpu.memory_space<vmem>>)
      %dma_wait3A_1046 = arith.constant 208 : i32
      %dma_wait3A_1047 = arith.constant 0 : i32
      %dma_wait3A_1048 = tpu.memref_slice %arg14[%dma_wait3A_1046, %dma_wait3A_1047] : memref<256x128xf32, #tpu.memory_space<vmem>> -> memref<16x128xf32, #tpu.memory_space<vmem>>
      %dma_wait3A_1049 = arith.constant 0 : i32
      %dma_wait3A_1050 = tpu.memref_slice %arg6[%dma_wait3A_1049, %multiple_of3A_535] : memref<16x1000000xf32, #tpu.memory_space<hbm>> -> memref<16x128xf32, #tpu.memory_space<hbm>>
      %dma_wait3A_1051 = arith.constant 208 : i32
      %dma_wait3A_1052 = arith.constant 0 : i32
      %dma_wait3A_1053 = tpu.memref_slice %arg14[%dma_wait3A_1051, %dma_wait3A_1052] : memref<256x128xf32, #tpu.memory_space<vmem>> -> memref<16x128xf32, #tpu.memory_space<vmem>>
      %dma_wait3A_1054 = arith.constant 0 : i32
      %dma_wait3A_1055 = tpu.memref_slice %arg6[%dma_wait3A_1054, %multiple_of3A_535] : memref<16x1000000xf32, #tpu.memory_space<hbm>> -> memref<16x128xf32, #tpu.memory_space<hbm>>
      tpu.wait_dma2 semaphore(%arg19 : memref<!tpu.dma_semaphore, #tpu.memory_space<semaphore_mem>>) src(%dma_wait3A_1055 : memref<16x128xf32, #tpu.memory_space<hbm>>) dst(%dma_wait3A_1053 : memref<16x128xf32, #tpu.memory_space<vmem>>)
      %dma_wait3A_1056 = arith.constant 208 : i32
      %dma_wait3A_1057 = arith.constant 0 : i32
      %dma_wait3A_1058 = tpu.memref_slice %arg15[%dma_wait3A_1056, %dma_wait3A_1057] : memref<256x128xf32, #tpu.memory_space<vmem>> -> memref<16x128xf32, #tpu.memory_space<vmem>>
      %dma_wait3A_1059 = arith.constant 0 : i32
      %dma_wait3A_1060 = tpu.memref_slice %arg6[%dma_wait3A_1059, %multiple_of3A_538] : memref<16x1000000xf32, #tpu.memory_space<hbm>> -> memref<16x128xf32, #tpu.memory_space<hbm>>
      %dma_wait3A_1061 = arith.constant 208 : i32
      %dma_wait3A_1062 = arith.constant 0 : i32
      %dma_wait3A_1063 = tpu.memref_slice %arg15[%dma_wait3A_1061, %dma_wait3A_1062] : memref<256x128xf32, #tpu.memory_space<vmem>> -> memref<16x128xf32, #tpu.memory_space<vmem>>
      %dma_wait3A_1064 = arith.constant 0 : i32
      %dma_wait3A_1065 = tpu.memref_slice %arg6[%dma_wait3A_1064, %multiple_of3A_538] : memref<16x1000000xf32, #tpu.memory_space<hbm>> -> memref<16x128xf32, #tpu.memory_space<hbm>>
      tpu.wait_dma2 semaphore(%arg19 : memref<!tpu.dma_semaphore, #tpu.memory_space<semaphore_mem>>) src(%dma_wait3A_1065 : memref<16x128xf32, #tpu.memory_space<hbm>>) dst(%dma_wait3A_1063 : memref<16x128xf32, #tpu.memory_space<vmem>>)
      %dma_wait3A_1066 = arith.constant 224 : i32
      %dma_wait3A_1067 = arith.constant 0 : i32
      %dma_wait3A_1068 = tpu.memref_slice %arg13[%dma_wait3A_1066, %dma_wait3A_1067] : memref<256x128xf32, #tpu.memory_space<vmem>> -> memref<16x128xf32, #tpu.memory_space<vmem>>
      %dma_wait3A_1069 = arith.constant 0 : i32
      %dma_wait3A_1070 = tpu.memref_slice %arg5[%dma_wait3A_1069, %multiple_of3A_571] : memref<16x1000000xf32, #tpu.memory_space<hbm>> -> memref<16x128xf32, #tpu.memory_space<hbm>>
      %dma_wait3A_1071 = arith.constant 224 : i32
      %dma_wait3A_1072 = arith.constant 0 : i32
      %dma_wait3A_1073 = tpu.memref_slice %arg13[%dma_wait3A_1071, %dma_wait3A_1072] : memref<256x128xf32, #tpu.memory_space<vmem>> -> memref<16x128xf32, #tpu.memory_space<vmem>>
      %dma_wait3A_1074 = arith.constant 0 : i32
      %dma_wait3A_1075 = tpu.memref_slice %arg5[%dma_wait3A_1074, %multiple_of3A_571] : memref<16x1000000xf32, #tpu.memory_space<hbm>> -> memref<16x128xf32, #tpu.memory_space<hbm>>
      tpu.wait_dma2 semaphore(%arg19 : memref<!tpu.dma_semaphore, #tpu.memory_space<semaphore_mem>>) src(%dma_wait3A_1075 : memref<16x128xf32, #tpu.memory_space<hbm>>) dst(%dma_wait3A_1073 : memref<16x128xf32, #tpu.memory_space<vmem>>)
      %dma_wait3A_1076 = arith.constant 224 : i32
      %dma_wait3A_1077 = arith.constant 0 : i32
      %dma_wait3A_1078 = tpu.memref_slice %arg14[%dma_wait3A_1076, %dma_wait3A_1077] : memref<256x128xf32, #tpu.memory_space<vmem>> -> memref<16x128xf32, #tpu.memory_space<vmem>>
      %dma_wait3A_1079 = arith.constant 0 : i32
      %dma_wait3A_1080 = tpu.memref_slice %arg6[%dma_wait3A_1079, %multiple_of3A_574] : memref<16x1000000xf32, #tpu.memory_space<hbm>> -> memref<16x128xf32, #tpu.memory_space<hbm>>
      %dma_wait3A_1081 = arith.constant 224 : i32
      %dma_wait3A_1082 = arith.constant 0 : i32
      %dma_wait3A_1083 = tpu.memref_slice %arg14[%dma_wait3A_1081, %dma_wait3A_1082] : memref<256x128xf32, #tpu.memory_space<vmem>> -> memref<16x128xf32, #tpu.memory_space<vmem>>
      %dma_wait3A_1084 = arith.constant 0 : i32
      %dma_wait3A_1085 = tpu.memref_slice %arg6[%dma_wait3A_1084, %multiple_of3A_574] : memref<16x1000000xf32, #tpu.memory_space<hbm>> -> memref<16x128xf32, #tpu.memory_space<hbm>>
      tpu.wait_dma2 semaphore(%arg19 : memref<!tpu.dma_semaphore, #tpu.memory_space<semaphore_mem>>) src(%dma_wait3A_1085 : memref<16x128xf32, #tpu.memory_space<hbm>>) dst(%dma_wait3A_1083 : memref<16x128xf32, #tpu.memory_space<vmem>>)
      %dma_wait3A_1086 = arith.constant 224 : i32
      %dma_wait3A_1087 = arith.constant 0 : i32
      %dma_wait3A_1088 = tpu.memref_slice %arg15[%dma_wait3A_1086, %dma_wait3A_1087] : memref<256x128xf32, #tpu.memory_space<vmem>> -> memref<16x128xf32, #tpu.memory_space<vmem>>
      %dma_wait3A_1089 = arith.constant 0 : i32
      %dma_wait3A_1090 = tpu.memref_slice %arg6[%dma_wait3A_1089, %multiple_of3A_577] : memref<16x1000000xf32, #tpu.memory_space<hbm>> -> memref<16x128xf32, #tpu.memory_space<hbm>>
      %dma_wait3A_1091 = arith.constant 224 : i32
      %dma_wait3A_1092 = arith.constant 0 : i32
      %dma_wait3A_1093 = tpu.memref_slice %arg15[%dma_wait3A_1091, %dma_wait3A_1092] : memref<256x128xf32, #tpu.memory_space<vmem>> -> memref<16x128xf32, #tpu.memory_space<vmem>>
      %dma_wait3A_1094 = arith.constant 0 : i32
      %dma_wait3A_1095 = tpu.memref_slice %arg6[%dma_wait3A_1094, %multiple_of3A_577] : memref<16x1000000xf32, #tpu.memory_space<hbm>> -> memref<16x128xf32, #tpu.memory_space<hbm>>
      tpu.wait_dma2 semaphore(%arg19 : memref<!tpu.dma_semaphore, #tpu.memory_space<semaphore_mem>>) src(%dma_wait3A_1095 : memref<16x128xf32, #tpu.memory_space<hbm>>) dst(%dma_wait3A_1093 : memref<16x128xf32, #tpu.memory_space<vmem>>)
      %dma_wait3A_1096 = arith.constant 240 : i32
      %dma_wait3A_1097 = arith.constant 0 : i32
      %dma_wait3A_1098 = tpu.memref_slice %arg13[%dma_wait3A_1096, %dma_wait3A_1097] : memref<256x128xf32, #tpu.memory_space<vmem>> -> memref<16x128xf32, #tpu.memory_space<vmem>>
      %dma_wait3A_1099 = arith.constant 0 : i32
      %dma_wait3A_1100 = tpu.memref_slice %arg5[%dma_wait3A_1099, %multiple_of3A_610] : memref<16x1000000xf32, #tpu.memory_space<hbm>> -> memref<16x128xf32, #tpu.memory_space<hbm>>
      %dma_wait3A_1101 = arith.constant 240 : i32
      %dma_wait3A_1102 = arith.constant 0 : i32
      %dma_wait3A_1103 = tpu.memref_slice %arg13[%dma_wait3A_1101, %dma_wait3A_1102] : memref<256x128xf32, #tpu.memory_space<vmem>> -> memref<16x128xf32, #tpu.memory_space<vmem>>
      %dma_wait3A_1104 = arith.constant 0 : i32
      %dma_wait3A_1105 = tpu.memref_slice %arg5[%dma_wait3A_1104, %multiple_of3A_610] : memref<16x1000000xf32, #tpu.memory_space<hbm>> -> memref<16x128xf32, #tpu.memory_space<hbm>>
      tpu.wait_dma2 semaphore(%arg19 : memref<!tpu.dma_semaphore, #tpu.memory_space<semaphore_mem>>) src(%dma_wait3A_1105 : memref<16x128xf32, #tpu.memory_space<hbm>>) dst(%dma_wait3A_1103 : memref<16x128xf32, #tpu.memory_space<vmem>>)
      %dma_wait3A_1106 = arith.constant 240 : i32
      %dma_wait3A_1107 = arith.constant 0 : i32
      %dma_wait3A_1108 = tpu.memref_slice %arg14[%dma_wait3A_1106, %dma_wait3A_1107] : memref<256x128xf32, #tpu.memory_space<vmem>> -> memref<16x128xf32, #tpu.memory_space<vmem>>
      %dma_wait3A_1109 = arith.constant 0 : i32
      %dma_wait3A_1110 = tpu.memref_slice %arg6[%dma_wait3A_1109, %multiple_of3A_613] : memref<16x1000000xf32, #tpu.memory_space<hbm>> -> memref<16x128xf32, #tpu.memory_space<hbm>>
      %dma_wait3A_1111 = arith.constant 240 : i32
      %dma_wait3A_1112 = arith.constant 0 : i32
      %dma_wait3A_1113 = tpu.memref_slice %arg14[%dma_wait3A_1111, %dma_wait3A_1112] : memref<256x128xf32, #tpu.memory_space<vmem>> -> memref<16x128xf32, #tpu.memory_space<vmem>>
      %dma_wait3A_1114 = arith.constant 0 : i32
      %dma_wait3A_1115 = tpu.memref_slice %arg6[%dma_wait3A_1114, %multiple_of3A_613] : memref<16x1000000xf32, #tpu.memory_space<hbm>> -> memref<16x128xf32, #tpu.memory_space<hbm>>
      tpu.wait_dma2 semaphore(%arg19 : memref<!tpu.dma_semaphore, #tpu.memory_space<semaphore_mem>>) src(%dma_wait3A_1115 : memref<16x128xf32, #tpu.memory_space<hbm>>) dst(%dma_wait3A_1113 : memref<16x128xf32, #tpu.memory_space<vmem>>)
      %dma_wait3A_1116 = arith.constant 240 : i32
      %dma_wait3A_1117 = arith.constant 0 : i32
      %dma_wait3A_1118 = tpu.memref_slice %arg15[%dma_wait3A_1116, %dma_wait3A_1117] : memref<256x128xf32, #tpu.memory_space<vmem>> -> memref<16x128xf32, #tpu.memory_space<vmem>>
      %dma_wait3A_1119 = arith.constant 0 : i32
      %dma_wait3A_1120 = tpu.memref_slice %arg6[%dma_wait3A_1119, %multiple_of3A_616] : memref<16x1000000xf32, #tpu.memory_space<hbm>> -> memref<16x128xf32, #tpu.memory_space<hbm>>
      %dma_wait3A_1121 = arith.constant 240 : i32
      %dma_wait3A_1122 = arith.constant 0 : i32
      %dma_wait3A_1123 = tpu.memref_slice %arg15[%dma_wait3A_1121, %dma_wait3A_1122] : memref<256x128xf32, #tpu.memory_space<vmem>> -> memref<16x128xf32, #tpu.memory_space<vmem>>
      %dma_wait3A_1124 = arith.constant 0 : i32
      %dma_wait3A_1125 = tpu.memref_slice %arg6[%dma_wait3A_1124, %multiple_of3A_616] : memref<16x1000000xf32, #tpu.memory_space<hbm>> -> memref<16x128xf32, #tpu.memory_space<hbm>>
      tpu.wait_dma2 semaphore(%arg19 : memref<!tpu.dma_semaphore, #tpu.memory_space<semaphore_mem>>) src(%dma_wait3A_1125 : memref<16x128xf32, #tpu.memory_space<hbm>>) dst(%dma_wait3A_1123 : memref<16x128xf32, #tpu.memory_space<vmem>>)
      %iota3A = tpu.iota {dimensions = array<i32: 0>} : vector<16xi32>
      %mul3A_1126 = arith.constant 16 : i32
      %mul3A_1127 = vector.broadcast %mul3A_1126 : i32 to vector<16xi32>
      %mul3A_1128 = arith.muli %iota3A, %mul3A_1127 : vector<16xi32>
      %and3A_1129 = arith.constant 127 : i32
      %and3A_1130 = vector.broadcast %and3A_1129 : i32 to vector<16xi32>
      %and3A_1131 = arith.andi %get3A_14, %and3A_1130 : vector<16xi32>
      %and3A_1132 = arith.constant 127 : i32
      %and3A_1133 = vector.broadcast %and3A_1132 : i32 to vector<16xi32>
      %and3A_1134 = arith.andi %get3A_16, %and3A_1133 : vector<16xi32>
      %and3A_1135 = arith.constant 127 : i32
      %and3A_1136 = vector.broadcast %and3A_1135 : i32 to vector<16xi32>
      %and3A_1137 = arith.andi %get3A_18, %and3A_1136 : vector<16xi32>
      %broadcast_in_dim3A_1138 = arith.constant 0.000000e+00 : f32
      %broadcast_in_dim3A_1139 = vector.broadcast %broadcast_in_dim3A_1138 : f32 to vector<16xf32>
      %broadcast_in_dim3A_1140 = arith.constant 0.000000e+00 : f32
      %broadcast_in_dim3A_1141 = vector.broadcast %broadcast_in_dim3A_1140 : f32 to vector<16xf32>
      %add3A_1142 = arith.constant 0 : i32
      %add3A_1143 = vector.broadcast %add3A_1142 : i32 to vector<16xi32>
      %add3A_1144 = arith.addi %mul3A_1128, %add3A_1143 : vector<16xi32>
      %gather3A = tpu.vector_load_idx %arg13[%add3A_1144, %and3A_1131] : memref<256x128xf32, #tpu.memory_space<vmem>>[vector<16xi32>, vector<16xi32>], vector<16xf32>,
      %gather3A_1145 = tpu.vector_load_idx %arg14[%add3A_1144, %and3A_1134] : memref<256x128xf32, #tpu.memory_space<vmem>>[vector<16xi32>, vector<16xi32>], vector<16xf32>,
      %gather3A_1146 = tpu.vector_load_idx %arg15[%add3A_1144, %and3A_1137] : memref<256x128xf32, #tpu.memory_space<vmem>>[vector<16xi32>, vector<16xi32>], vector<16xf32>,
      %mul3A_1147 = arith.mulf %gather3A, %gather3A_1145 : vector<16xf32>
      %add3A_1148 = arith.addf %broadcast_in_dim3A_1139, %mul3A_1147 : vector<16xf32>
      %mul3A_1149 = arith.mulf %gather3A, %gather3A_1146 : vector<16xf32>
      %add3A_1150 = arith.addf %broadcast_in_dim3A_1141, %mul3A_1149 : vector<16xf32>
      %mul3A_1151 = arith.mulf %gather3A, %gather3A : vector<16xf32>
      %mul3A_1152 = arith.mulf %gather3A_1145, %gather3A_1145 : vector<16xf32>
      %add3A_1153 = arith.addf %mul3A_1151, %mul3A_1152 : vector<16xf32>
      %mul3A_1154 = arith.mulf %gather3A_1146, %gather3A_1146 : vector<16xf32>
      %add3A_1155 = arith.addf %add3A_1153, %mul3A_1154 : vector<16xf32>
      %add3A_1156 = arith.addf %scan3A_11, %add3A_1155 : vector<16xf32>
      %add3A_1157 = arith.constant 1 : i32
      %add3A_1158 = vector.broadcast %add3A_1157 : i32 to vector<16xi32>
      %add3A_1159 = arith.addi %mul3A_1128, %add3A_1158 : vector<16xi32>
      %gather3A_1160 = tpu.vector_load_idx %arg13[%add3A_1159, %and3A_1131] : memref<256x128xf32, #tpu.memory_space<vmem>>[vector<16xi32>, vector<16xi32>], vector<16xf32>,
      %gather3A_1161 = tpu.vector_load_idx %arg14[%add3A_1159, %and3A_1134] : memref<256x128xf32, #tpu.memory_space<vmem>>[vector<16xi32>, vector<16xi32>], vector<16xf32>,
      %gather3A_1162 = tpu.vector_load_idx %arg15[%add3A_1159, %and3A_1137] : memref<256x128xf32, #tpu.memory_space<vmem>>[vector<16xi32>, vector<16xi32>], vector<16xf32>,
      %mul3A_1163 = arith.mulf %gather3A_1160, %gather3A_1161 : vector<16xf32>
      %add3A_1164 = arith.addf %add3A_1148, %mul3A_1163 : vector<16xf32>
      %mul3A_1165 = arith.mulf %gather3A_1160, %gather3A_1162 : vector<16xf32>
      %add3A_1166 = arith.addf %add3A_1150, %mul3A_1165 : vector<16xf32>
      %mul3A_1167 = arith.mulf %gather3A_1160, %gather3A_1160 : vector<16xf32>
      %mul3A_1168 = arith.mulf %gather3A_1161, %gather3A_1161 : vector<16xf32>
      %add3A_1169 = arith.addf %mul3A_1167, %mul3A_1168 : vector<16xf32>
      %mul3A_1170 = arith.mulf %gather3A_1162, %gather3A_1162 : vector<16xf32>
      %add3A_1171 = arith.addf %add3A_1169, %mul3A_1170 : vector<16xf32>
      %add3A_1172 = arith.addf %add3A_1156, %add3A_1171 : vector<16xf32>
      %add3A_1173 = arith.constant 2 : i32
      %add3A_1174 = vector.broadcast %add3A_1173 : i32 to vector<16xi32>
      %add3A_1175 = arith.addi %mul3A_1128, %add3A_1174 : vector<16xi32>
      %gather3A_1176 = tpu.vector_load_idx %arg13[%add3A_1175, %and3A_1131] : memref<256x128xf32, #tpu.memory_space<vmem>>[vector<16xi32>, vector<16xi32>], vector<16xf32>,
      %gather3A_1177 = tpu.vector_load_idx %arg14[%add3A_1175, %and3A_1134] : memref<256x128xf32, #tpu.memory_space<vmem>>[vector<16xi32>, vector<16xi32>], vector<16xf32>,
      %gather3A_1178 = tpu.vector_load_idx %arg15[%add3A_1175, %and3A_1137] : memref<256x128xf32, #tpu.memory_space<vmem>>[vector<16xi32>, vector<16xi32>], vector<16xf32>,
      %mul3A_1179 = arith.mulf %gather3A_1176, %gather3A_1177 : vector<16xf32>
      %add3A_1180 = arith.addf %add3A_1164, %mul3A_1179 : vector<16xf32>
      %mul3A_1181 = arith.mulf %gather3A_1176, %gather3A_1178 : vector<16xf32>
      %add3A_1182 = arith.addf %add3A_1166, %mul3A_1181 : vector<16xf32>
      %mul3A_1183 = arith.mulf %gather3A_1176, %gather3A_1176 : vector<16xf32>
      %mul3A_1184 = arith.mulf %gather3A_1177, %gather3A_1177 : vector<16xf32>
      %add3A_1185 = arith.addf %mul3A_1183, %mul3A_1184 : vector<16xf32>
      %mul3A_1186 = arith.mulf %gather3A_1178, %gather3A_1178 : vector<16xf32>
      %add3A_1187 = arith.addf %add3A_1185, %mul3A_1186 : vector<16xf32>
      %add3A_1188 = arith.addf %add3A_1172, %add3A_1187 : vector<16xf32>
      %add3A_1189 = arith.constant 3 : i32
      %add3A_1190 = vector.broadcast %add3A_1189 : i32 to vector<16xi32>
      %add3A_1191 = arith.addi %mul3A_1128, %add3A_1190 : vector<16xi32>
      %gather3A_1192 = tpu.vector_load_idx %arg13[%add3A_1191, %and3A_1131] : memref<256x128xf32, #tpu.memory_space<vmem>>[vector<16xi32>, vector<16xi32>], vector<16xf32>,
      %gather3A_1193 = tpu.vector_load_idx %arg14[%add3A_1191, %and3A_1134] : memref<256x128xf32, #tpu.memory_space<vmem>>[vector<16xi32>, vector<16xi32>], vector<16xf32>,
      %gather3A_1194 = tpu.vector_load_idx %arg15[%add3A_1191, %and3A_1137] : memref<256x128xf32, #tpu.memory_space<vmem>>[vector<16xi32>, vector<16xi32>], vector<16xf32>,
      %mul3A_1195 = arith.mulf %gather3A_1192, %gather3A_1193 : vector<16xf32>
      %add3A_1196 = arith.addf %add3A_1180, %mul3A_1195 : vector<16xf32>
      %mul3A_1197 = arith.mulf %gather3A_1192, %gather3A_1194 : vector<16xf32>
      %add3A_1198 = arith.addf %add3A_1182, %mul3A_1197 : vector<16xf32>
      %mul3A_1199 = arith.mulf %gather3A_1192, %gather3A_1192 : vector<16xf32>
      %mul3A_1200 = arith.mulf %gather3A_1193, %gather3A_1193 : vector<16xf32>
      %add3A_1201 = arith.addf %mul3A_1199, %mul3A_1200 : vector<16xf32>
      %mul3A_1202 = arith.mulf %gather3A_1194, %gather3A_1194 : vector<16xf32>
      %add3A_1203 = arith.addf %add3A_1201, %mul3A_1202 : vector<16xf32>
      %add3A_1204 = arith.addf %add3A_1188, %add3A_1203 : vector<16xf32>
      %add3A_1205 = arith.constant 4 : i32
      %add3A_1206 = vector.broadcast %add3A_1205 : i32 to vector<16xi32>
      %add3A_1207 = arith.addi %mul3A_1128, %add3A_1206 : vector<16xi32>
      %gather3A_1208 = tpu.vector_load_idx %arg13[%add3A_1207, %and3A_1131] : memref<256x128xf32, #tpu.memory_space<vmem>>[vector<16xi32>, vector<16xi32>], vector<16xf32>,
      %gather3A_1209 = tpu.vector_load_idx %arg14[%add3A_1207, %and3A_1134] : memref<256x128xf32, #tpu.memory_space<vmem>>[vector<16xi32>, vector<16xi32>], vector<16xf32>,
      %gather3A_1210 = tpu.vector_load_idx %arg15[%add3A_1207, %and3A_1137] : memref<256x128xf32, #tpu.memory_space<vmem>>[vector<16xi32>, vector<16xi32>], vector<16xf32>,
      %mul3A_1211 = arith.mulf %gather3A_1208, %gather3A_1209 : vector<16xf32>
      %add3A_1212 = arith.addf %add3A_1196, %mul3A_1211 : vector<16xf32>
      %mul3A_1213 = arith.mulf %gather3A_1208, %gather3A_1210 : vector<16xf32>
      %add3A_1214 = arith.addf %add3A_1198, %mul3A_1213 : vector<16xf32>
      %mul3A_1215 = arith.mulf %gather3A_1208, %gather3A_1208 : vector<16xf32>
      %mul3A_1216 = arith.mulf %gather3A_1209, %gather3A_1209 : vector<16xf32>
      %add3A_1217 = arith.addf %mul3A_1215, %mul3A_1216 : vector<16xf32>
      %mul3A_1218 = arith.mulf %gather3A_1210, %gather3A_1210 : vector<16xf32>
      %add3A_1219 = arith.addf %add3A_1217, %mul3A_1218 : vector<16xf32>
      %add3A_1220 = arith.addf %add3A_1204, %add3A_1219 : vector<16xf32>
      %add3A_1221 = arith.constant 5 : i32
      %add3A_1222 = vector.broadcast %add3A_1221 : i32 to vector<16xi32>
      %add3A_1223 = arith.addi %mul3A_1128, %add3A_1222 : vector<16xi32>
      %gather3A_1224 = tpu.vector_load_idx %arg13[%add3A_1223, %and3A_1131] : memref<256x128xf32, #tpu.memory_space<vmem>>[vector<16xi32>, vector<16xi32>], vector<16xf32>,
      %gather3A_1225 = tpu.vector_load_idx %arg14[%add3A_1223, %and3A_1134] : memref<256x128xf32, #tpu.memory_space<vmem>>[vector<16xi32>, vector<16xi32>], vector<16xf32>,
      %gather3A_1226 = tpu.vector_load_idx %arg15[%add3A_1223, %and3A_1137] : memref<256x128xf32, #tpu.memory_space<vmem>>[vector<16xi32>, vector<16xi32>], vector<16xf32>,
      %mul3A_1227 = arith.mulf %gather3A_1224, %gather3A_1225 : vector<16xf32>
      %add3A_1228 = arith.addf %add3A_1212, %mul3A_1227 : vector<16xf32>
      %mul3A_1229 = arith.mulf %gather3A_1224, %gather3A_1226 : vector<16xf32>
      %add3A_1230 = arith.addf %add3A_1214, %mul3A_1229 : vector<16xf32>
      %mul3A_1231 = arith.mulf %gather3A_1224, %gather3A_1224 : vector<16xf32>
      %mul3A_1232 = arith.mulf %gather3A_1225, %gather3A_1225 : vector<16xf32>
      %add3A_1233 = arith.addf %mul3A_1231, %mul3A_1232 : vector<16xf32>
      %mul3A_1234 = arith.mulf %gather3A_1226, %gather3A_1226 : vector<16xf32>
      %add3A_1235 = arith.addf %add3A_1233, %mul3A_1234 : vector<16xf32>
      %add3A_1236 = arith.addf %add3A_1220, %add3A_1235 : vector<16xf32>
      %add3A_1237 = arith.constant 6 : i32
      %add3A_1238 = vector.broadcast %add3A_1237 : i32 to vector<16xi32>
      %add3A_1239 = arith.addi %mul3A_1128, %add3A_1238 : vector<16xi32>
      %gather3A_1240 = tpu.vector_load_idx %arg13[%add3A_1239, %and3A_1131] : memref<256x128xf32, #tpu.memory_space<vmem>>[vector<16xi32>, vector<16xi32>], vector<16xf32>,
      %gather3A_1241 = tpu.vector_load_idx %arg14[%add3A_1239, %and3A_1134] : memref<256x128xf32, #tpu.memory_space<vmem>>[vector<16xi32>, vector<16xi32>], vector<16xf32>,
      %gather3A_1242 = tpu.vector_load_idx %arg15[%add3A_1239, %and3A_1137] : memref<256x128xf32, #tpu.memory_space<vmem>>[vector<16xi32>, vector<16xi32>], vector<16xf32>,
      %mul3A_1243 = arith.mulf %gather3A_1240, %gather3A_1241 : vector<16xf32>
      %add3A_1244 = arith.addf %add3A_1228, %mul3A_1243 : vector<16xf32>
      %mul3A_1245 = arith.mulf %gather3A_1240, %gather3A_1242 : vector<16xf32>
      %add3A_1246 = arith.addf %add3A_1230, %mul3A_1245 : vector<16xf32>
      %mul3A_1247 = arith.mulf %gather3A_1240, %gather3A_1240 : vector<16xf32>
      %mul3A_1248 = arith.mulf %gather3A_1241, %gather3A_1241 : vector<16xf32>
      %add3A_1249 = arith.addf %mul3A_1247, %mul3A_1248 : vector<16xf32>
      %mul3A_1250 = arith.mulf %gather3A_1242, %gather3A_1242 : vector<16xf32>
      %add3A_1251 = arith.addf %add3A_1249, %mul3A_1250 : vector<16xf32>
      %add3A_1252 = arith.addf %add3A_1236, %add3A_1251 : vector<16xf32>
      %add3A_1253 = arith.constant 7 : i32
      %add3A_1254 = vector.broadcast %add3A_1253 : i32 to vector<16xi32>
      %add3A_1255 = arith.addi %mul3A_1128, %add3A_1254 : vector<16xi32>
      %gather3A_1256 = tpu.vector_load_idx %arg13[%add3A_1255, %and3A_1131] : memref<256x128xf32, #tpu.memory_space<vmem>>[vector<16xi32>, vector<16xi32>], vector<16xf32>,
      %gather3A_1257 = tpu.vector_load_idx %arg14[%add3A_1255, %and3A_1134] : memref<256x128xf32, #tpu.memory_space<vmem>>[vector<16xi32>, vector<16xi32>], vector<16xf32>,
      %gather3A_1258 = tpu.vector_load_idx %arg15[%add3A_1255, %and3A_1137] : memref<256x128xf32, #tpu.memory_space<vmem>>[vector<16xi32>, vector<16xi32>], vector<16xf32>,
      %mul3A_1259 = arith.mulf %gather3A_1256, %gather3A_1257 : vector<16xf32>
      %add3A_1260 = arith.addf %add3A_1244, %mul3A_1259 : vector<16xf32>
      %mul3A_1261 = arith.mulf %gather3A_1256, %gather3A_1258 : vector<16xf32>
      %add3A_1262 = arith.addf %add3A_1246, %mul3A_1261 : vector<16xf32>
      %mul3A_1263 = arith.mulf %gather3A_1256, %gather3A_1256 : vector<16xf32>
      %mul3A_1264 = arith.mulf %gather3A_1257, %gather3A_1257 : vector<16xf32>
      %add3A_1265 = arith.addf %mul3A_1263, %mul3A_1264 : vector<16xf32>
      %mul3A_1266 = arith.mulf %gather3A_1258, %gather3A_1258 : vector<16xf32>
      %add3A_1267 = arith.addf %add3A_1265, %mul3A_1266 : vector<16xf32>
      %add3A_1268 = arith.addf %add3A_1252, %add3A_1267 : vector<16xf32>
      %add3A_1269 = arith.constant 8 : i32
      %add3A_1270 = vector.broadcast %add3A_1269 : i32 to vector<16xi32>
      %add3A_1271 = arith.addi %mul3A_1128, %add3A_1270 : vector<16xi32>
      %gather3A_1272 = tpu.vector_load_idx %arg13[%add3A_1271, %and3A_1131] : memref<256x128xf32, #tpu.memory_space<vmem>>[vector<16xi32>, vector<16xi32>], vector<16xf32>,
      %gather3A_1273 = tpu.vector_load_idx %arg14[%add3A_1271, %and3A_1134] : memref<256x128xf32, #tpu.memory_space<vmem>>[vector<16xi32>, vector<16xi32>], vector<16xf32>,
      %gather3A_1274 = tpu.vector_load_idx %arg15[%add3A_1271, %and3A_1137] : memref<256x128xf32, #tpu.memory_space<vmem>>[vector<16xi32>, vector<16xi32>], vector<16xf32>,
      %mul3A_1275 = arith.mulf %gather3A_1272, %gather3A_1273 : vector<16xf32>
      %add3A_1276 = arith.addf %add3A_1260, %mul3A_1275 : vector<16xf32>
      %mul3A_1277 = arith.mulf %gather3A_1272, %gather3A_1274 : vector<16xf32>
      %add3A_1278 = arith.addf %add3A_1262, %mul3A_1277 : vector<16xf32>
      %mul3A_1279 = arith.mulf %gather3A_1272, %gather3A_1272 : vector<16xf32>
      %mul3A_1280 = arith.mulf %gather3A_1273, %gather3A_1273 : vector<16xf32>
      %add3A_1281 = arith.addf %mul3A_1279, %mul3A_1280 : vector<16xf32>
      %mul3A_1282 = arith.mulf %gather3A_1274, %gather3A_1274 : vector<16xf32>
      %add3A_1283 = arith.addf %add3A_1281, %mul3A_1282 : vector<16xf32>
      %add3A_1284 = arith.addf %add3A_1268, %add3A_1283 : vector<16xf32>
      %add3A_1285 = arith.constant 9 : i32
      %add3A_1286 = vector.broadcast %add3A_1285 : i32 to vector<16xi32>
      %add3A_1287 = arith.addi %mul3A_1128, %add3A_1286 : vector<16xi32>
      %gather3A_1288 = tpu.vector_load_idx %arg13[%add3A_1287, %and3A_1131] : memref<256x128xf32, #tpu.memory_space<vmem>>[vector<16xi32>, vector<16xi32>], vector<16xf32>,
      %gather3A_1289 = tpu.vector_load_idx %arg14[%add3A_1287, %and3A_1134] : memref<256x128xf32, #tpu.memory_space<vmem>>[vector<16xi32>, vector<16xi32>], vector<16xf32>,
      %gather3A_1290 = tpu.vector_load_idx %arg15[%add3A_1287, %and3A_1137] : memref<256x128xf32, #tpu.memory_space<vmem>>[vector<16xi32>, vector<16xi32>], vector<16xf32>,
      %mul3A_1291 = arith.mulf %gather3A_1288, %gather3A_1289 : vector<16xf32>
      %add3A_1292 = arith.addf %add3A_1276, %mul3A_1291 : vector<16xf32>
      %mul3A_1293 = arith.mulf %gather3A_1288, %gather3A_1290 : vector<16xf32>
      %add3A_1294 = arith.addf %add3A_1278, %mul3A_1293 : vector<16xf32>
      %mul3A_1295 = arith.mulf %gather3A_1288, %gather3A_1288 : vector<16xf32>
      %mul3A_1296 = arith.mulf %gather3A_1289, %gather3A_1289 : vector<16xf32>
      %add3A_1297 = arith.addf %mul3A_1295, %mul3A_1296 : vector<16xf32>
      %mul3A_1298 = arith.mulf %gather3A_1290, %gather3A_1290 : vector<16xf32>
      %add3A_1299 = arith.addf %add3A_1297, %mul3A_1298 : vector<16xf32>
      %add3A_1300 = arith.addf %add3A_1284, %add3A_1299 : vector<16xf32>
      %add3A_1301 = arith.constant 10 : i32
      %add3A_1302 = vector.broadcast %add3A_1301 : i32 to vector<16xi32>
      %add3A_1303 = arith.addi %mul3A_1128, %add3A_1302 : vector<16xi32>
      %gather3A_1304 = tpu.vector_load_idx %arg13[%add3A_1303, %and3A_1131] : memref<256x128xf32, #tpu.memory_space<vmem>>[vector<16xi32>, vector<16xi32>], vector<16xf32>,
      %gather3A_1305 = tpu.vector_load_idx %arg14[%add3A_1303, %and3A_1134] : memref<256x128xf32, #tpu.memory_space<vmem>>[vector<16xi32>, vector<16xi32>], vector<16xf32>,
      %gather3A_1306 = tpu.vector_load_idx %arg15[%add3A_1303, %and3A_1137] : memref<256x128xf32, #tpu.memory_space<vmem>>[vector<16xi32>, vector<16xi32>], vector<16xf32>,
      %mul3A_1307 = arith.mulf %gather3A_1304, %gather3A_1305 : vector<16xf32>
      %add3A_1308 = arith.addf %add3A_1292, %mul3A_1307 : vector<16xf32>
      %mul3A_1309 = arith.mulf %gather3A_1304, %gather3A_1306 : vector<16xf32>
      %add3A_1310 = arith.addf %add3A_1294, %mul3A_1309 : vector<16xf32>
      %mul3A_1311 = arith.mulf %gather3A_1304, %gather3A_1304 : vector<16xf32>
      %mul3A_1312 = arith.mulf %gather3A_1305, %gather3A_1305 : vector<16xf32>
      %add3A_1313 = arith.addf %mul3A_1311, %mul3A_1312 : vector<16xf32>
      %mul3A_1314 = arith.mulf %gather3A_1306, %gather3A_1306 : vector<16xf32>
      %add3A_1315 = arith.addf %add3A_1313, %mul3A_1314 : vector<16xf32>
      %add3A_1316 = arith.addf %add3A_1300, %add3A_1315 : vector<16xf32>
      %add3A_1317 = arith.constant 11 : i32
      %add3A_1318 = vector.broadcast %add3A_1317 : i32 to vector<16xi32>
      %add3A_1319 = arith.addi %mul3A_1128, %add3A_1318 : vector<16xi32>
      %gather3A_1320 = tpu.vector_load_idx %arg13[%add3A_1319, %and3A_1131] : memref<256x128xf32, #tpu.memory_space<vmem>>[vector<16xi32>, vector<16xi32>], vector<16xf32>,
      %gather3A_1321 = tpu.vector_load_idx %arg14[%add3A_1319, %and3A_1134] : memref<256x128xf32, #tpu.memory_space<vmem>>[vector<16xi32>, vector<16xi32>], vector<16xf32>,
      %gather3A_1322 = tpu.vector_load_idx %arg15[%add3A_1319, %and3A_1137] : memref<256x128xf32, #tpu.memory_space<vmem>>[vector<16xi32>, vector<16xi32>], vector<16xf32>,
      %mul3A_1323 = arith.mulf %gather3A_1320, %gather3A_1321 : vector<16xf32>
      %add3A_1324 = arith.addf %add3A_1308, %mul3A_1323 : vector<16xf32>
      %mul3A_1325 = arith.mulf %gather3A_1320, %gather3A_1322 : vector<16xf32>
      %add3A_1326 = arith.addf %add3A_1310, %mul3A_1325 : vector<16xf32>
      %mul3A_1327 = arith.mulf %gather3A_1320, %gather3A_1320 : vector<16xf32>
      %mul3A_1328 = arith.mulf %gather3A_1321, %gather3A_1321 : vector<16xf32>
      %add3A_1329 = arith.addf %mul3A_1327, %mul3A_1328 : vector<16xf32>
      %mul3A_1330 = arith.mulf %gather3A_1322, %gather3A_1322 : vector<16xf32>
      %add3A_1331 = arith.addf %add3A_1329, %mul3A_1330 : vector<16xf32>
      %add3A_1332 = arith.addf %add3A_1316, %add3A_1331 : vector<16xf32>
      %add3A_1333 = arith.constant 12 : i32
      %add3A_1334 = vector.broadcast %add3A_1333 : i32 to vector<16xi32>
      %add3A_1335 = arith.addi %mul3A_1128, %add3A_1334 : vector<16xi32>
      %gather3A_1336 = tpu.vector_load_idx %arg13[%add3A_1335, %and3A_1131] : memref<256x128xf32, #tpu.memory_space<vmem>>[vector<16xi32>, vector<16xi32>], vector<16xf32>,
      %gather3A_1337 = tpu.vector_load_idx %arg14[%add3A_1335, %and3A_1134] : memref<256x128xf32, #tpu.memory_space<vmem>>[vector<16xi32>, vector<16xi32>], vector<16xf32>,
      %gather3A_1338 = tpu.vector_load_idx %arg15[%add3A_1335, %and3A_1137] : memref<256x128xf32, #tpu.memory_space<vmem>>[vector<16xi32>, vector<16xi32>], vector<16xf32>,
      %mul3A_1339 = arith.mulf %gather3A_1336, %gather3A_1337 : vector<16xf32>
      %add3A_1340 = arith.addf %add3A_1324, %mul3A_1339 : vector<16xf32>
      %mul3A_1341 = arith.mulf %gather3A_1336, %gather3A_1338 : vector<16xf32>
      %add3A_1342 = arith.addf %add3A_1326, %mul3A_1341 : vector<16xf32>
      %mul3A_1343 = arith.mulf %gather3A_1336, %gather3A_1336 : vector<16xf32>
      %mul3A_1344 = arith.mulf %gather3A_1337, %gather3A_1337 : vector<16xf32>
      %add3A_1345 = arith.addf %mul3A_1343, %mul3A_1344 : vector<16xf32>
      %mul3A_1346 = arith.mulf %gather3A_1338, %gather3A_1338 : vector<16xf32>
      %add3A_1347 = arith.addf %add3A_1345, %mul3A_1346 : vector<16xf32>
      %add3A_1348 = arith.addf %add3A_1332, %add3A_1347 : vector<16xf32>
      %add3A_1349 = arith.constant 13 : i32
      %add3A_1350 = vector.broadcast %add3A_1349 : i32 to vector<16xi32>
      %add3A_1351 = arith.addi %mul3A_1128, %add3A_1350 : vector<16xi32>
      %gather3A_1352 = tpu.vector_load_idx %arg13[%add3A_1351, %and3A_1131] : memref<256x128xf32, #tpu.memory_space<vmem>>[vector<16xi32>, vector<16xi32>], vector<16xf32>,
      %gather3A_1353 = tpu.vector_load_idx %arg14[%add3A_1351, %and3A_1134] : memref<256x128xf32, #tpu.memory_space<vmem>>[vector<16xi32>, vector<16xi32>], vector<16xf32>,
      %gather3A_1354 = tpu.vector_load_idx %arg15[%add3A_1351, %and3A_1137] : memref<256x128xf32, #tpu.memory_space<vmem>>[vector<16xi32>, vector<16xi32>], vector<16xf32>,
      %mul3A_1355 = arith.mulf %gather3A_1352, %gather3A_1353 : vector<16xf32>
      %add3A_1356 = arith.addf %add3A_1340, %mul3A_1355 : vector<16xf32>
      %mul3A_1357 = arith.mulf %gather3A_1352, %gather3A_1354 : vector<16xf32>
      %add3A_1358 = arith.addf %add3A_1342, %mul3A_1357 : vector<16xf32>
      %mul3A_1359 = arith.mulf %gather3A_1352, %gather3A_1352 : vector<16xf32>
      %mul3A_1360 = arith.mulf %gather3A_1353, %gather3A_1353 : vector<16xf32>
      %add3A_1361 = arith.addf %mul3A_1359, %mul3A_1360 : vector<16xf32>
      %mul3A_1362 = arith.mulf %gather3A_1354, %gather3A_1354 : vector<16xf32>
      %add3A_1363 = arith.addf %add3A_1361, %mul3A_1362 : vector<16xf32>
      %add3A_1364 = arith.addf %add3A_1348, %add3A_1363 : vector<16xf32>
      %add3A_1365 = arith.constant 14 : i32
      %add3A_1366 = vector.broadcast %add3A_1365 : i32 to vector<16xi32>
      %add3A_1367 = arith.addi %mul3A_1128, %add3A_1366 : vector<16xi32>
      %gather3A_1368 = tpu.vector_load_idx %arg13[%add3A_1367, %and3A_1131] : memref<256x128xf32, #tpu.memory_space<vmem>>[vector<16xi32>, vector<16xi32>], vector<16xf32>,
      %gather3A_1369 = tpu.vector_load_idx %arg14[%add3A_1367, %and3A_1134] : memref<256x128xf32, #tpu.memory_space<vmem>>[vector<16xi32>, vector<16xi32>], vector<16xf32>,
      %gather3A_1370 = tpu.vector_load_idx %arg15[%add3A_1367, %and3A_1137] : memref<256x128xf32, #tpu.memory_space<vmem>>[vector<16xi32>, vector<16xi32>], vector<16xf32>,
      %mul3A_1371 = arith.mulf %gather3A_1368, %gather3A_1369 : vector<16xf32>
      %add3A_1372 = arith.addf %add3A_1356, %mul3A_1371 : vector<16xf32>
      %mul3A_1373 = arith.mulf %gather3A_1368, %gather3A_1370 : vector<16xf32>
      %add3A_1374 = arith.addf %add3A_1358, %mul3A_1373 : vector<16xf32>
      %mul3A_1375 = arith.mulf %gather3A_1368, %gather3A_1368 : vector<16xf32>
      %mul3A_1376 = arith.mulf %gather3A_1369, %gather3A_1369 : vector<16xf32>
      %add3A_1377 = arith.addf %mul3A_1375, %mul3A_1376 : vector<16xf32>
      %mul3A_1378 = arith.mulf %gather3A_1370, %gather3A_1370 : vector<16xf32>
      %add3A_1379 = arith.addf %add3A_1377, %mul3A_1378 : vector<16xf32>
      %add3A_1380 = arith.addf %add3A_1364, %add3A_1379 : vector<16xf32>
      %add3A_1381 = arith.constant 15 : i32
      %add3A_1382 = vector.broadcast %add3A_1381 : i32 to vector<16xi32>
      %add3A_1383 = arith.addi %mul3A_1128, %add3A_1382 : vector<16xi32>
      %gather3A_1384 = tpu.vector_load_idx %arg13[%add3A_1383, %and3A_1131] : memref<256x128xf32, #tpu.memory_space<vmem>>[vector<16xi32>, vector<16xi32>], vector<16xf32>,
      %gather3A_1385 = tpu.vector_load_idx %arg14[%add3A_1383, %and3A_1134] : memref<256x128xf32, #tpu.memory_space<vmem>>[vector<16xi32>, vector<16xi32>], vector<16xf32>,
      %gather3A_1386 = tpu.vector_load_idx %arg15[%add3A_1383, %and3A_1137] : memref<256x128xf32, #tpu.memory_space<vmem>>[vector<16xi32>, vector<16xi32>], vector<16xf32>,
      %mul3A_1387 = arith.mulf %gather3A_1384, %gather3A_1385 : vector<16xf32>
      %add3A_1388 = arith.addf %add3A_1372, %mul3A_1387 : vector<16xf32>
      %mul3A_1389 = arith.mulf %gather3A_1384, %gather3A_1386 : vector<16xf32>
      %add3A_1390 = arith.addf %add3A_1374, %mul3A_1389 : vector<16xf32>
      %mul3A_1391 = arith.mulf %gather3A_1384, %gather3A_1384 : vector<16xf32>
      %mul3A_1392 = arith.mulf %gather3A_1385, %gather3A_1385 : vector<16xf32>
      %add3A_1393 = arith.addf %mul3A_1391, %mul3A_1392 : vector<16xf32>
      %mul3A_1394 = arith.mulf %gather3A_1386, %gather3A_1386 : vector<16xf32>
      %add3A_1395 = arith.addf %add3A_1393, %mul3A_1394 : vector<16xf32>
      %add3A_1396 = arith.addf %add3A_1380, %add3A_1395 : vector<16xf32>
      %swap3A_1397 = arith.index_cast %mul3A_13 : i32 to index
      %swap3A_1398 = tpu.vector_load %arg16[%swap3A_1397] {strides = array<i32>} : memref<512xf32, #tpu.memory_space<vmem>>, vector<16xf32>,
      tpu.vector_store %arg16[%swap3A_1397], %add3A_1388 {strides = array<i32>} : memref<512xf32, #tpu.memory_space<vmem>>, vector<16xf32>,
      %swap3A_1399 = arith.index_cast %mul3A_13 : i32 to index
      %swap3A_1400 = tpu.vector_load %arg17[%swap3A_1399] {strides = array<i32>} : memref<512xf32, #tpu.memory_space<vmem>>, vector<16xf32>,
      tpu.vector_store %arg17[%swap3A_1399], %add3A_1390 {strides = array<i32>} : memref<512xf32, #tpu.memory_space<vmem>>, vector<16xf32>,
      scf.yield %add3A_1396 : vector<16xf32>
    }
    %scan3A_8 = arith.constant 32 : i32
    %swap3A = arith.constant 0 : index
    %swap3A_9 = tpu.vector_load %arg18[%swap3A] {strides = array<i32>} : memref<16xf32, #tpu.memory_space<vmem>>, vector<16xf32>,
    tpu.vector_store %arg18[%swap3A], %scan3A_7 {strides = array<i32>} : memref<16xf32, #tpu.memory_space<vmem>>, vector<16xf32>,
    "tpu.region"() ({
      %run_scoped3A = tpu.sem_alloc : memref<!tpu.dma_semaphore, #tpu.memory_space<semaphore_mem>>
      %dma_start3A = tpu.memref_slice %arg7[%mul3A_2] : memref<16384xf32, #tpu.memory_space<hbm>> -> memref<512xf32, #tpu.memory_space<hbm>>
      %dma_start3A_10 = tpu.memref_slice %arg7[%mul3A_2] : memref<16384xf32, #tpu.memory_space<hbm>> -> memref<512xf32, #tpu.memory_space<hbm>>
      tpu.enqueue_dma source(%arg16 : memref<512xf32, #tpu.memory_space<vmem>>) target(%dma_start3A_10 : memref<512xf32, #tpu.memory_space<hbm>>) target_semaphore(%run_scoped3A : memref<!tpu.dma_semaphore, #tpu.memory_space<semaphore_mem>>)
      %dma_wait3A = tpu.memref_slice %arg7[%mul3A_2] : memref<16384xf32, #tpu.memory_space<hbm>> -> memref<512xf32, #tpu.memory_space<hbm>>
      %dma_wait3A_11 = tpu.memref_slice %arg7[%mul3A_2] : memref<16384xf32, #tpu.memory_space<hbm>> -> memref<512xf32, #tpu.memory_space<hbm>>
      tpu.wait_dma2 semaphore(%run_scoped3A : memref<!tpu.dma_semaphore, #tpu.memory_space<semaphore_mem>>) src(%arg16 : memref<512xf32, #tpu.memory_space<vmem>>) dst(%dma_wait3A_11 : memref<512xf32, #tpu.memory_space<hbm>>)
      tpu.yield
    }) : () -> ()
    "tpu.region"() ({
      %run_scoped3A = tpu.sem_alloc : memref<!tpu.dma_semaphore, #tpu.memory_space<semaphore_mem>>
      %dma_start3A = tpu.memref_slice %arg8[%mul3A_2] : memref<16384xf32, #tpu.memory_space<hbm>> -> memref<512xf32, #tpu.memory_space<hbm>>
      %dma_start3A_10 = tpu.memref_slice %arg8[%mul3A_2] : memref<16384xf32, #tpu.memory_space<hbm>> -> memref<512xf32, #tpu.memory_space<hbm>>
      tpu.enqueue_dma source(%arg17 : memref<512xf32, #tpu.memory_space<vmem>>) target(%dma_start3A_10 : memref<512xf32, #tpu.memory_space<hbm>>) target_semaphore(%run_scoped3A : memref<!tpu.dma_semaphore, #tpu.memory_space<semaphore_mem>>)
      %dma_wait3A = tpu.memref_slice %arg8[%mul3A_2] : memref<16384xf32, #tpu.memory_space<hbm>> -> memref<512xf32, #tpu.memory_space<hbm>>
      %dma_wait3A_11 = tpu.memref_slice %arg8[%mul3A_2] : memref<16384xf32, #tpu.memory_space<hbm>> -> memref<512xf32, #tpu.memory_space<hbm>>
      tpu.wait_dma2 semaphore(%run_scoped3A : memref<!tpu.dma_semaphore, #tpu.memory_space<semaphore_mem>>) src(%arg17 : memref<512xf32, #tpu.memory_space<vmem>>) dst(%dma_wait3A_11 : memref<512xf32, #tpu.memory_space<hbm>>)
      tpu.yield
    }) : () -> ()
    "tpu.region"() ({
      %run_scoped3A = tpu.sem_alloc : memref<!tpu.dma_semaphore, #tpu.memory_space<semaphore_mem>>
      %dma_start3A = arith.constant 0 : i32
      %dma_start3A_10 = tpu.memref_slice %arg9[%add3A, %dma_start3A] : memref<32x16xf32, #tpu.memory_space<hbm>> -> memref<1x16xf32, #tpu.memory_space<hbm>>
      %dma_start3A_11 = tpu.memref_squeeze %dma_start3A_10 : memref<1x16xf32, #tpu.memory_space<hbm>> -> memref<16xf32, #tpu.memory_space<hbm>>
      %dma_start3A_12 = arith.constant 0 : i32
      %dma_start3A_13 = tpu.memref_slice %arg9[%add3A, %dma_start3A_12] : memref<32x16xf32, #tpu.memory_space<hbm>> -> memref<1x16xf32, #tpu.memory_space<hbm>>
      %dma_start3A_14 = tpu.memref_squeeze %dma_start3A_13 : memref<1x16xf32, #tpu.memory_space<hbm>> -> memref<16xf32, #tpu.memory_space<hbm>>
      tpu.enqueue_dma source(%arg18 : memref<16xf32, #tpu.memory_space<vmem>>) target(%dma_start3A_14 : memref<16xf32, #tpu.memory_space<hbm>>) target_semaphore(%run_scoped3A : memref<!tpu.dma_semaphore, #tpu.memory_space<semaphore_mem>>)
      %dma_wait3A = arith.constant 0 : i32
      %dma_wait3A_15 = tpu.memref_slice %arg9[%add3A, %dma_wait3A] : memref<32x16xf32, #tpu.memory_space<hbm>> -> memref<1x16xf32, #tpu.memory_space<hbm>>
      %dma_wait3A_16 = tpu.memref_squeeze %dma_wait3A_15 : memref<1x16xf32, #tpu.memory_space<hbm>> -> memref<16xf32, #tpu.memory_space<hbm>>
      %dma_wait3A_17 = arith.constant 0 : i32
      %dma_wait3A_18 = tpu.memref_slice %arg9[%add3A, %dma_wait3A_17] : memref<32x16xf32, #tpu.memory_space<hbm>> -> memref<1x16xf32, #tpu.memory_space<hbm>>
      %dma_wait3A_19 = tpu.memref_squeeze %dma_wait3A_18 : memref<1x16xf32, #tpu.memory_space<hbm>> -> memref<16xf32, #tpu.memory_space<hbm>>
      tpu.wait_dma2 semaphore(%run_scoped3A : memref<!tpu.dma_semaphore, #tpu.memory_space<semaphore_mem>>) src(%arg18 : memref<16xf32, #tpu.memory_space<vmem>>) dst(%dma_wait3A_19 : memref<16xf32, #tpu.memory_space<hbm>>)
      tpu.yield
    }) : () -> ()
    return
  }
}

</mosaic_0001>

<sc_bundles>
// kernel: _bpr_sc.3.cloned.1.call-start
scs
__scs_entry_jumppad:
0x0: {  	(pc) =	sbr.rel $0x88, $3  }
0x1: {  	(tag) =	ssettag $0x0;
	lr =	simm.s32 $0x1  }
0x2: {  	[smem:$0x3F9C] =	sst lr;
	_ =	strace $0xD0000000  }
0x3: {  	_ = 	snop  }
0x4: {  	_ = 	snop  }
0x5: {  	_ = 	snop  }
0x6: {  	_ = 	snop  }
0x7: {  	_ = 	snop  }
__scs_overlays_trampoline_lowered:
0x8: {  	[smem:$0x3FAB] =	sst s0  }
0x9: {  	[smem:$0x3FAC] =	sst s1  }
0xa: {  	[smem:$0x3FAD] =	sst s2  }
0xb: {  	[smem:$0x3FAE] =	sst s3  }
0xc: {  	[smem:$0x3FAF] =	sst s4  }
0xd: {  	[smem:$0x3FB0] =	sst s5  }
0xe: {  	[smem:$0x3FB1] =	sst s6  }
0xf: {  	[smem:$0x3FB2] =	sst s7  }
0x10: {  	[smem:$0x3FB3] =	sst s8  }
0x11: {  	[smem:$0x3FB4] =	sst s9;
	s0 =	simm.s32 @!p0 $0x0  }
0x12: {  	s1 =	sld [smem:$0x3F9A];
	s0 =	simm.s32 @p0 $0x1  }
0x13: {  	[smem:$0x3FB5] =	sst s0;
	s0 =	simm.s32 @!p1 $0x0  }
0x14: {  	s2 =	sld [smem:$0x3F99];
	s0 =	simm.s32 @p1 $0x1  }
0x15: {  	[smem:$0x3FB6] =	sst s0;
	s0 =	simm.s32 @!p2 $0x0  }
0x16: {  	s3 =	sld [smem:$0x3FDB];
	s0 =	simm.s32 @p2 $0x1  }
0x17: {  	s4 =	simm.s32 $0x1BF5;
	[smem:$0x3FB8] =	sst s0  }
0x18: {  	s0 =	sld [smem:$0x3F9B];
	_ =	swait.ge [sflag:s4], $0x0  }
0x19: {  	s7 =	sld [smem:$0x3F9C]  }
0x1a: {  	s8 =	sadd.s32 $0xFFFFE003, lr  }
0x1b: {  	s9 =	sadd.s32 $0xFFFFFEF7, lr;
	s5 =	simm.s32 $0xFFFFFFFF;
	p2 =	slt.u32 s8, $0xFFFFF086  }
0x1c: {  	p1 =	slt.u32 s9, $0xF7A;
	s5 =	simm.s32 @!p2 $0x0  }
0x1d: {  	s5 =	simm.s32 @p1 $0x1;
	p0 =	seq.s32 s7, s2  }
0x1e: {  	s7 =	smul.u32 @!p0 $0xF7A, s2;
	p2 =	seq.s32 @!p0 s5, $0x0  }
0x1f: {  	s9 =	smul.u32 $0xF7A, s1;
	s8 =	simm.s32 @!p0 $0x1BF5;
	p2 =	por !p2, p0  }
0x20: {  	[sflag:s8] =	ssyncset.s32 @!p0 $0xFFFFF086;
	s6 =	sadd.s32 @!p0 s3, s7;
	s7 =	simm.s32 @!p0 $0x108  }
0x21: {  	s3 =	sadd.s32 s3, s9;
	s6 =	sadd.s32 @!p0 $0x88, s6;
	s7 =	simm.s32 @p2 $0x1082  }
0x22: {  	[simem:s7], [sflag:s8] =	dma.local @!p0 [hbm:s6], $0xF7A  }
0x23: {  	s9 =	sor.u32 $0xD0000000, s2;
	s6 =	simm.s32 $0x108;
	_ =	swait.ge @!p0 [sflag:s8], $0x0  }
0x24: {  	s3 =	sadd.s32 $0x88, s3;
	s6 =	simm.s32 @!p1 $0x1082;
	[sflag:s4] =	ssyncset.s32 $0xFFFFF086  }
0x25: {  	[simem:s6], [sflag:s4] =	dma.local [hbm:s3], $0xF7A  }
0x26: {  	[smem:$0x3F9C] =	sst s1;
	(tag) =	ssettag s2;
	_ =	strace s9  }
0x27: {  	s1 =	sld [smem:$0x3FAC]  }
0x28: {  	s2 =	sld [smem:$0x3FAD]  }
0x29: {  	s4 =	sld [smem:$0x3FAF]  }
0x2a: {  	p0 =	seq.s32 s5, $0x0;
	s5 =	sld [smem:$0x3FB0]  }
0x2b: {  	s6 =	sld [smem:$0x3FB1]  }
0x2c: {  	s7 =	sld [smem:$0x3FB2]  }
0x2d: {  	s3 =	simm.s32 $0x108;
	s8 =	sld [smem:$0x3FB3]  }
0x2e: {  	s3 =	simm.s32 @!p0 $0x1082;
	s9 =	sld [smem:$0x3FB4]  }
0x2f: {  	lr =	sadd.s32 s0, s3;
	s0 =	sld [smem:$0x3FAB]  }
0x30: {  	s3 =	sld [smem:$0x3FAE]  }
0x31: {  	[smem:$0x3FB7] =	sst s10  }
0x32: {  	s10 =	sld [smem:$0x3FB5];
	_ =	sdelay $0x3  }
0x33: {  	p0 =	seq.s32 s10, $0x1;
	s10 =	sld [smem:$0x3FB7];
	_ =	sdelay $0x3  }
0x34: {  	[smem:$0x3FB7] =	sst s10  }
0x35: {  	s10 =	sld [smem:$0x3FB6];
	_ =	sdelay $0x3  }
0x36: {  	p1 =	seq.s32 s10, $0x1;
	s10 =	sld [smem:$0x3FB7];
	_ =	sdelay $0x3  }
0x37: {  	[smem:$0x3FB7] =	sst s10  }
0x38: {  	s10 =	sld [smem:$0x3FB8]  }
0x39: {  	_ = 	snop;
	(pc) =	sbr.ind lr, $3  }
0x3a: {  	_ = 	snop  }
0x3b: {  	_ = 	snop  }
0x3c: {  	p2 =	seq.s32 s10, $0x1;
	s10 =	sld [smem:$0x3FB7]  }
0x3d: {  	_ =	shalt  }
0x3e: {  	_ =	shalt  }
0x3f: {  	_ =	shalt  }
0x40: {  	_ =	shalt  }
0x41: {  	_ =	shalt  }
0x42: {  	_ =	shalt  }
0x43: {  	_ =	shalt  }
0x44: {  	_ =	shalt  }
0x45: {  	_ =	shalt  }
0x46: {  	_ =	shalt  }
0x47: {  	_ =	shalt  }
0x48: {  	_ =	shalt  }
0x49: {  	_ =	shalt  }
0x4a: {  	_ =	shalt  }
0x4b: {  	_ =	shalt  }
0x4c: {  	_ =	shalt  }
0x4d: {  	_ =	shalt  }
0x4e: {  	_ =	shalt  }
0x4f: {  	_ =	shalt  }
0x50: {  	_ =	shalt  }
0x51: {  	_ =	shalt  }
0x52: {  	_ =	shalt  }
0x53: {  	_ =	shalt  }
0x54: {  	_ =	shalt  }
0x55: {  	_ =	shalt  }
0x56: {  	_ =	shalt  }
0x57: {  	_ =	shalt  }
0x58: {  	_ =	shalt  }
0x59: {  	_ =	shalt  }
0x5a: {  	_ =	shalt  }
0x5b: {  	_ =	shalt  }
0x5c: {  	_ =	shalt  }
0x5d: {  	_ =	shalt  }
0x5e: {  	_ =	shalt  }
0x5f: {  	_ =	shalt  }
0x60: {  	_ =	shalt  }
0x61: {  	_ =	shalt  }
0x62: {  	_ =	shalt  }
0x63: {  	_ =	shalt  }
0x64: {  	_ =	shalt  }
0x65: {  	_ =	shalt  }
0x66: {  	_ =	shalt  }
0x67: {  	_ =	shalt  }
0x68: {  	_ =	shalt  }
0x69: {  	_ =	shalt  }
0x6a: {  	_ =	shalt  }
0x6b: {  	_ =	shalt  }
0x6c: {  	_ =	shalt  }
0x6d: {  	_ =	shalt  }
0x6e: {  	_ =	shalt  }
0x6f: {  	_ =	shalt  }
0x70: {  	_ =	shalt  }
0x71: {  	_ =	shalt  }
0x72: {  	_ =	shalt  }
0x73: {  	_ =	shalt  }
0x74: {  	_ =	shalt  }
0x75: {  	_ =	shalt  }
0x76: {  	_ =	shalt  }
0x77: {  	_ =	shalt  }
0x78: {  	_ =	shalt  }
0x79: {  	_ =	shalt  }
0x7a: {  	_ =	shalt  }
0x7b: {  	_ =	shalt  }
0x7c: {  	_ =	shalt  }
0x7d: {  	_ =	shalt  }
0x7e: {  	_ =	shalt  }
0x7f: {  	_ =	shalt  }
0x80: {  	_ =	shalt  }
0x81: {  	_ =	shalt  }
0x82: {  	_ =	shalt  }
0x83: {  	_ =	shalt  }
0x84: {  	_ =	shalt  }
0x85: {  	_ =	shalt  }
0x86: {  	_ =	shalt  }
0x87: {  	_ =	shalt  }
.Lfunc_end0:
.L_simem_size_0:
called_computation_lowered:
.L_overlay_start_0:
0x88: {  	s2 =	sld [smem:$0x3FD9]  }
0x89: {  	s3 =	sld [smem:$0x3FFE];
	_ =	sdelay $0x1  }
0x8a: {  	s1 =	srdreg.scid  }
0x8b: {  	s0 =	sand.u32 $0x1, s1  }
0x8c: {  	s14 =	sshll.u32 s0, $0xA;
	s2 =	sadd.s32 s3, s2  }
0x8d: {  	s2 =	sadd.s32 s2, s14  }
0x8e: {  	[smem:$0x3FC3] =	sst s2  }
0x8f: {  	_ = 	snop  }
0x90: {  	s2 =	sld [smem:$0x3FC9]  }
0x91: {  	s15 =	sld [smem:$0x3FC8]  }
0x92: {  	s4 =	sld [smem:$0x3FD0]  }
0x93: {  	s5 =	sld [smem:$0x3FC7]  }
0x94: {  	s6 =	sld [smem:$0x3FC6]  }
0x95: {  	s8 =	simm.s32 $0xA;
	s9 =	simm.s32 $0x10;
	s7 =	sld [smem:$0x3FC5]  }
0x96: {  	[smem:s9], [sflag:s8] =	dma.local [hbm:s4], $0x1  }
0x97: {  	_ =	swait.eq [sflag:s8], $0x1  }
0x98: {  	[sflag:s8] =	ssyncset.done $0x0  }
0x99: {  	s16 =	sld [smem:$0x10];
	[sflag:s8] =	ssyncadd.s32 $0xFFFFFFFF  }
0x9a: {  	s17 =	sld [smem:$0x11];
	(tm) =	ssettm $0x1  }
0x9b: {  	s18 =	sld [smem:$0x3FFB];
	_ =	sdelay $0x3  }
0x9c: {  	_ =	strace s18  }
0x9d: {  	s9 =	sld [smem:$0x3FFC];
	_ =	sdelay $0x3  }
0x9e: {  	_ =	strace s9  }
0x9f: {  	s9 =	sld [smem:$0x3FFD];
	_ =	sdelay $0x3  }
0xa0: {  	_ =	strace s9  }
0xa1: {  	_ =	strace $0x8FFFFFFF  }
0xa2: {  	s19 =	sld [smem:$0x3FDB];
	_ =	sdelay $0x1  }
0xa3: {  	s10 =	simm.s32 $_scs_section_size  }
0xa4: {  	s11 =	simm.s32 $_size__tile_overlayer_lowered;
	s12 =	simm.s32 $_tile_overlayer_lowered  }
0xa5: {  	s22 =	simm.s32 $0x1BFF;
	s21 =	sshll.u32 s12, $0x1;
	s9 =	sadd.s32 s10, s19  }
0xa6: {  	s13 =	simm.s32 $0x0;
	s20 =	sshll.u32 s11, $0x1;
	s11 =	sadd.s32 s21, s9  }
0xa7: {  	[timem:s13], [sflag:s22] =	dma.local [hbm:s11], s20  }
0xa8: {  	_ =	swait.ge [sflag:s22], s20  }
0xa9: {  	s10 =	ssub.s32 $0x0, s20;
	[sflag:s22] =	ssyncset.done $0x0  }
0xaa: {  	[sflag:s22] =	ssyncadd.s32 s10;
	_ =	sdelay $0x1  }
0xab: {  	s23 =	simm.s32 $0x1B8B  }
0xac: {  	_ =	swait.ge [sflag:s23], $0x1  }
0xad: {  	[sflag:s23] =	ssyncset.done $0x0  }
0xae: {  	s25 =	simm.s32 $0x1B8E;
	s24 =	sld [smem:$0x3FFE];
	[sflag:s23] =	ssyncadd.s32 $0xFFFFFFFF  }
0xaf: {  	s26 =	simm.s32 $execute0_lowered;
	[smem:$0x3FD2] =	sst s25  }
0xb0: {  	s11 =	sshll.u32 s26, $0x1;
	_ =	strace $0x80000046;
	[dreg:$0x1] =	wrdreg $0xFFFFFFFF  }
0xb1: {  	s28 =	simm.s32 $_size_execute0_lowered;
	s9 =	sadd.s32 s9, s11;
	[dreg:$0x0] =	wrdreg $0x0  }
0xb2: {  	s11 =	sshll.u32 s28, $0x1;
	[dreg:$0x2] =	wrdreg s9  }
0xb3: {  	[dreg:$0x3] =	wrdreg s11  }
0xb4: {  	[dreg:$0x4] =	wrdreg $0xC0  }
0xb5: {  	_ =	task [dreg:s13], $0x5FFFF  }
0xb6: {  	[dreg:$0x1] =	wrdreg $0xFFFFFFFF  }
0xb7: {  	[dreg:$0x0] =	wrdreg $0x60  }
0xb8: {  	[dreg:$0x2] =	wrdreg s2  }
0xb9: {  	[dreg:$0x3] =	wrdreg s15  }
0xba: {  	[dreg:$0x4] =	wrdreg s5  }
0xbb: {  	[dreg:$0x5] =	wrdreg s6  }
0xbc: {  	[dreg:$0x6] =	wrdreg s7  }
0xbd: {  	[dreg:$0x7] =	wrdreg s16  }
0xbe: {  	[dreg:$0x8] =	wrdreg s17  }
0xbf: {  	[dreg:$0x9] =	wrdreg s24  }
0xc0: {  	[dreg:$0xa] =	wrdreg $0x9  }
0xc1: {  	_ =	task.clear_ibuf [dreg:s13], $0xBFFFF;
	_ =	strace $0x90000046  }
0xc2: {  	s29 =	simm.s32 $0x9;
	_ =	strace $0x80000048  }
0xc3: {  	_ =	swait.ge [sflag:s29], $0x1  }
0xc4: {  	[sflag:s29] =	ssyncadd.s32 $0xFFFFFFFF  }
0xc5: {  	_ =	strace $0x90000048  }
0xc6: {  	_ =	sfence  }
0xc7: {  	s30 =	sld [smem:$0x0];
	_ =	sdelay $0x2  }
0xc8: {  	s31 =	sshll.u32 s1, $0xD;
	s1 =	sshrl.u32 s1, $0x2  }
0xc9: {  	s3 =	sand.u32 $0x4000, s31;
	s1 =	sadd.s32 s1, s30  }
0xca: {  	s0 =	sor.u32 s3, s0;
	s1 =	sshll.u32 s1, $0x11  }
0xcb: {  	s0 =	sor.u32 s1, s0  }
0xcc: {  	s0 =	sadd.s32 $0x8F2B, s0  }
0xcd: {  	[sflag:s0] =	ssyncadd.remote.s32 $0x1  }
0xce: {  	_ =	sfence.sel $0xFFFF  }
0xcf: {  	[dreg:$0x0] =	wrdreg $0xFFFFFFFF;
	(pc) =	sbr.abs _section_cstart, $3  }
0xd0: {  	[dreg:$0x1] =	wrdreg $0xFFFFFFFF  }
0xd1: {  	_ =	task.clear_ibuf [dreg:s13], $0x2FFFF;
	_ =	strace $0x9FFFFFFF  }
0xd2: {  	(tm) =	ssettm $0x7FFFFFFF  }
0xd3: {  	_ =	shalt  }
tec
execute0_lowered:
.L_overlay_start_1:
0x0: {  	(tag) =	ssettag $0x1  }
0x1: {  	s4 =	rddreg [dreg:$0x0]  }
0x2: {  	s5 =	rddreg [dreg:$0x1]  }
0x3: {  	s6 =	rddreg [dreg:$0x2]  }
0x4: {  	s0 =	rddreg [dreg:$0x3]  }
0x5: {  	s1 =	rddreg [dreg:$0x4]  }
0x6: {  	s7 =	rddreg [dreg:$0x5]  }
0x7: {  	s8 =	rddreg [dreg:$0x6]  }
0x8: {  	s9 =	rddreg [dreg:$0x7]  }
0x9: {  	[dreg:$0x9] =	wrdreg s0  }
0xa: {  	s2 =	simm.s32 $0x0;
	s0 =	rddreg [dreg:$0x8]  }
0xb: {  	s3 =	simm.s32 $0xE00;
	[smem:$0x7FF] =	sst s2  }
0xc: {  	s10 =	simm.s32 $0x8E00;
	_ =	strace $0x80000047;
	[dreg:$0xa] =	wrdreg s3  }
0xd: {  	s11 =	simm.s32 $0x10E00;
	[dreg:$0xb] =	wrdreg s10  }
0xe: {  	s12 =	simm.s32 $0x1600;
	[dreg:$0xc] =	wrdreg s11  }
0xf: {  	s13 =	simm.s32 $0x9600;
	[dreg:$0xd] =	wrdreg s12  }
0x10: {  	s14 =	simm.s32 $0x11600;
	[dreg:$0xe] =	wrdreg s13  }
0x11: {  	s15 =	simm.s32 $0x1E00;
	[dreg:$0xf] =	wrdreg s14  }
0x12: {  	s16 =	simm.s32 $0x9E00;
	[dreg:$0x10] =	wrdreg s15  }
0x13: {  	s17 =	simm.s32 $0x11E00;
	[dreg:$0x11] =	wrdreg s16  }
0x14: {  	s18 =	simm.s32 $0x2600;
	[dreg:$0x12] =	wrdreg s17  }
0x15: {  	s19 =	simm.s32 $0xA600;
	[dreg:$0x13] =	wrdreg s18  }
0x16: {  	s20 =	simm.s32 $0x12600;
	[dreg:$0x14] =	wrdreg s19  }
0x17: {  	s21 =	simm.s32 $0x2E00;
	[dreg:$0x15] =	wrdreg s20  }
0x18: {  	s22 =	simm.s32 $0xAE00;
	[dreg:$0x16] =	wrdreg s21  }
0x19: {  	s23 =	simm.s32 $0x12E00;
	[dreg:$0x17] =	wrdreg s22  }
0x1a: {  	s24 =	simm.s32 $0x3600;
	[dreg:$0x18] =	wrdreg s23  }
0x1b: {  	s25 =	simm.s32 $0xB600;
	[dreg:$0x19] =	wrdreg s24  }
0x1c: {  	s26 =	simm.s32 $0x13600;
	[dreg:$0x1a] =	wrdreg s25  }
0x1d: {  	s28 =	simm.s32 $0x3E00;
	[dreg:$0x1b] =	wrdreg s26  }
0x1e: {  	s29 =	simm.s32 $0xBE00;
	[dreg:$0x1c] =	wrdreg s28  }
0x1f: {  	s30 =	simm.s32 $0x4600;
	[dreg:$0x1d] =	wrdreg s29  }
0x20: {  	s31 =	simm.s32 $0xC600;
	[dreg:$0x1f] =	wrdreg s30  }
0x21: {  	s11 =	simm.s32 $0x13E00;
	[smem:$0x7E7] =	sst s31  }
0x22: {  	s13 =	simm.s32 $0x14600;
	[dreg:$0x1e] =	wrdreg s11  }
0x23: {  	s14 =	simm.s32 $0x4E00;
	[smem:$0x7E8] =	sst s13  }
0x24: {  	s15 =	simm.s32 $0xCE00;
	[smem:$0x7E9] =	sst s14  }
0x25: {  	s16 =	simm.s32 $0x14E00;
	[smem:$0x7EA] =	sst s15  }
0x26: {  	s17 =	simm.s32 $0x5600;
	[smem:$0x7EB] =	sst s16  }
0x27: {  	s19 =	simm.s32 $0xD600;
	[smem:$0x7EC] =	sst s17  }
0x28: {  	s20 =	simm.s32 $0x15600;
	[smem:$0x7ED] =	sst s19  }
0x29: {  	s21 =	simm.s32 $0x5E00;
	[smem:$0x7EE] =	sst s20  }
0x2a: {  	s22 =	simm.s32 $0xDE00;
	[smem:$0x7EF] =	sst s21  }
0x2b: {  	s23 =	simm.s32 $0x15E00;
	[smem:$0x7F0] =	sst s22  }
0x2c: {  	s24 =	simm.s32 $0x6600;
	[smem:$0x7F1] =	sst s23  }
0x2d: {  	s25 =	simm.s32 $0xE600;
	[smem:$0x7F2] =	sst s24  }
0x2e: {  	s10 =	srdreg.scid;
	s26 =	simm.s32 $0x16600;
	[smem:$0x7F3] =	sst s25  }
0x2f: {  	s3 =	stileid.u32;
	s28 =	simm.s32 $0x6E00;
	[smem:$0x7F4] =	sst s26  }
0x30: {  	s29 =	simm.s32 $0xEE00;
	s30 =	simm.s32 $0x16E00;
	[smem:$0x7F5] =	sst s28  }
0x31: {  	s31 =	simm.s32 $0x17E00;
	s10 =	sand.u32 $0x1, s10;
	[smem:$0x7F6] =	sst s29  }
0x32: {  	s12 =	sshll.u32 s3, $0x1;
	s11 =	simm.s32 $0x2;
	[smem:$0x7F7] =	sst s30  }
0x33: {  	s14 =	simm.s32 $0x7600;
	s15 =	simm.s32 $0xF600;
	s16 =	simm.s32 $0x17600  }
0x34: {  	s17 =	simm.s32 $0x7E00;
	[smem:$0x7FD] =	sst s31;
	s19 =	simm.s32 $0x18600  }
0x35: {  	s20 =	simm.s32 $0x18800;
	s21 =	simm.s32 $0x18A00;
	[smem:$0x7F8] =	sst s14  }
0x36: {  	s22 =	simm.s32 $0x0;
	s12 =	sor.u32 s10, s12;
	[smem:$0x7F9] =	sst s15  }
0x37: {  	v0 =	vlaneseq.u32;
	s10 =	ssub.s32 $0x2, s10;
	s14 =	simm.s32 $0x7A1400;
	[smem:$0x7FA] =	sst s16  }
0x38: {  	v0 =	vmul.u32 $0x800, v0;
	s15 =	simm.s32 $0x600;
	s16 =	simm.s32 $0x8600;
	[smem:$0x7FB] =	sst s17  }
0x39: {  	s17 =	simm.s32 $0x10600;
	s13 =	sshll.u32 s12, $0x4;
	s18 =	sshrl.u32 s10, $0x1  }
0x3a: {  	v1 =	vor.u32 $0x80, v0;
	v2 =	vor.u32 $0x100, v0;
	v3 =	vor.u32 $0x180, v0;
	s12 =	sshll.u32 s12, $0x6;
	s9 =	sadd.s32 s13, s9;
	s10 =	ssub.s32 s10, s18  }
0x3b: {  	v4 =	vor.u32 $0x200, v0;
	v5 =	vor.u32 $0x280, v0;
	v6 =	vor.u32 $0x300, v0;
	s4 =	sadd.s32 s4, s12;
	s5 =	sadd.s32 s5, s12;
	s6 =	sadd.s32 s6, s12  }
0x3c: {  	v7 =	vor.u32 $0x380, v0;
	v8 =	vor.u32 $0x400, v0;
	v9 =	vor.u32 $0x480, v0;
	s7 =	sadd.s32 s7, s12;
	s8 =	sadd.s32 s8, s12;
	s12 =	simm.s32 $0x200  }
0x3d: {  	v10 =	vor.u32 $0x500, v0;
	v11 =	vor.u32 $0x580, v0;
	v12 =	vor.u32 $0x600, v0;
	s13 =	simm.s32 $0x400;
	s18 =	simm.s32 $0xFE00;
	s9 =	sadd.s32 $0x800, s9  }
0x3e: {  	v13 =	vor.u32 $0x680, v0;
	v14 =	vor.u32 $0x700, v0;
	v15 =	vor.u32 $0x780, v0;
	s10 =	smax.u32 s10, $0x1;
	[smem:$0x7FC] =	sst s18;
	s18 =	simm.s32 $0x1  }
.LBB2_1:
0x3f: {  	[tilespmem:s2], [sflag:$0x2] =	stream.linear.gather [hbm4b:s4+s2], $0x200, $0x38;
	[tilespmem:$0x18A80] =	vst v63  }
0x40: {  	_ =	swait.ge [sflag:s11], $0x200  }
0x41: {  	[sflag:s11] =	ssyncset.done $0x0  }
0x42: {  	[sflag:s11] =	ssyncadd.s32 $0xFFFFFE00  }
0x43: {  	[tilespmem:s12], [sflag:$0x2] =	stream.linear.gather [hbm4b:s5+s2], $0x200, $0x38;
	[tilespmem:$0x18A80] =	vst v63  }
0x44: {  	_ =	swait.ge [sflag:s11], $0x200  }
0x45: {  	[sflag:s11] =	ssyncset.done $0x0  }
0x46: {  	[sflag:s11] =	ssyncadd.s32 $0xFFFFFE00  }
0x47: {  	[tilespmem:s13], [sflag:$0x2] =	stream.linear.gather [hbm4b:s6+s2], $0x200, $0x38;
	[tilespmem:$0x18A80] =	vst v63  }
0x48: {  	_ =	swait.ge [sflag:s11], $0x200  }
0x49: {  	[sflag:s11] =	ssyncset.done $0x0  }
0x4a: {  	v16 =	vimm.f32 $0.0e+00;
	s23 =	simm.s32 $0x0;
	[sflag:s11] =	ssyncadd.s32 $0xFFFFFE00  }
.LBB2_2:
0x4b: {  	s24 =	sshra.s32 s23, $0x2  }
0x4c: {  	v19 =	vld [tilespmem:s24+$0x0];
	_ =	sdelay $0x1  }
0x4d: {  	v18 =	vld [tilespmem:s24+$0x200];
	_ =	sdelay $0x1  }
0x4e: {  	v17 =	vld [tilespmem:s24+$0x400]  }
0x4f: {  	s25 =	rddreg [dreg:$0x9];
	v20 =	vand.u32 $0xFFFFFF80, v19  }
0x50: {  	v22 =	vadd.s32 s25, v20  }
0x51: {  	v57 =	vand.u32 $0xFFFFFF80, v18;
	(v2sf) =	vpush v22, $0x0  }
0x52: {  	v21 =	vadd.s32 s1, v57  }
0x53: {  	v58 =	vand.u32 $0xFFFFFF80, v17;
	(v2sf) =	vpush v21, $0x0  }
0x54: {  	v20 =	vadd.s32 s1, v58  }
0x55: {  	(v2sf) =	vpush v20, $0x0;
	_ =	sdelay $0x1  }
0x56: {  	(v2sf) =	vpush v22, $0x1;
	_ =	sdelay $0x1  }
0x57: {  	(v2sf) =	vpush v21, $0x1;
	_ =	sdelay $0x1  }
0x58: {  	(v2sf) =	vpush v20, $0x1;
	_ =	sdelay $0x1  }
0x59: {  	(v2sf) =	vpush v22, $0x2;
	_ =	sdelay $0x1  }
0x5a: {  	(v2sf) =	vpush v21, $0x2  }
0x5b: {  	s28 =	spop (v2sf)  }
0x5c: {  	(v2sf) =	vpush v20, $0x2;
	[tilespmem:s15], [sflag:$0x1] =	stream.strided.gather [hbm4b:s28+s13], $0x800, s14, s13, $0x38;
	[tilespmem:$0x18A80] =	vst v63  }
0x5d: {  	s29 =	spop (v2sf)  }
0x5e: {  	(v2sf) =	vpush v22, $0x3;
	[tilespmem:s16], [sflag:$0x1] =	stream.strided.gather [hbm4b:s29+s13], $0x800, s14, s13, $0x38;
	[tilespmem:$0x18A80] =	vst v63  }
0x5f: {  	s26 =	rddreg [dreg:$0xa];
	s30 =	spop (v2sf)  }
0x60: {  	(v2sf) =	vpush v21, $0x3;
	[tilespmem:s17], [sflag:$0x1] =	stream.strided.gather [hbm4b:s30+s13], $0x800, s14, s13, $0x38;
	[tilespmem:$0x18A80] =	vst v63  }
0x61: {  	s28 =	rddreg [dreg:$0xb];
	s31 =	spop (v2sf)  }
0x62: {  	(v2sf) =	vpush v20, $0x3;
	[tilespmem:s26], [sflag:$0x1] =	stream.strided.gather [hbm4b:s31+s13], $0x800, s14, s13, $0x38;
	[tilespmem:$0x18A80] =	vst v63  }
0x63: {  	s29 =	rddreg [dreg:$0xc];
	s26 =	spop (v2sf)  }
0x64: {  	(v2sf) =	vpush v22, $0x4;
	[tilespmem:s28], [sflag:$0x1] =	stream.strided.gather [hbm4b:s26+s13], $0x800, s14, s13, $0x38;
	[tilespmem:$0x18A80] =	vst v63  }
0x65: {  	s31 =	rddreg [dreg:$0xd];
	s30 =	spop (v2sf)  }
0x66: {  	(v2sf) =	vpush v21, $0x4;
	[tilespmem:s29], [sflag:$0x1] =	stream.strided.gather [hbm4b:s30+s13], $0x800, s14, s13, $0x38;
	[tilespmem:$0x18A80] =	vst v63  }
0x67: {  	s26 =	spop (v2sf);
	s29 =	rddreg [dreg:$0xe]  }
0x68: {  	(v2sf) =	vpush v20, $0x4;
	[tilespmem:s31], [sflag:$0x1] =	stream.strided.gather [hbm4b:s26+s13], $0x800, s14, s13, $0x38;
	[tilespmem:$0x18A80] =	vst v63  }
0x69: {  	s30 =	spop (v2sf);
	s31 =	rddreg [dreg:$0xf]  }
0x6a: {  	(v2sf) =	vpush v22, $0x5;
	[tilespmem:s29], [sflag:$0x1] =	stream.strided.gather [hbm4b:s30+s13], $0x800, s14, s13, $0x38;
	[tilespmem:$0x18A80] =	vst v63  }
0x6b: {  	s26 =	spop (v2sf);
	s29 =	rddreg [dreg:$0x10]  }
0x6c: {  	(v2sf) =	vpush v21, $0x5;
	[tilespmem:s31], [sflag:$0x1] =	stream.strided.gather [hbm4b:s26+s13], $0x800, s14, s13, $0x38;
	[tilespmem:$0x18A80] =	vst v63  }
0x6d: {  	s30 =	spop (v2sf);
	s31 =	rddreg [dreg:$0x11]  }
0x6e: {  	(v2sf) =	vpush v20, $0x5;
	[tilespmem:s29], [sflag:$0x1] =	stream.strided.gather [hbm4b:s30+s13], $0x800, s14, s13, $0x38;
	[tilespmem:$0x18A80] =	vst v63  }
0x6f: {  	s26 =	spop (v2sf);
	s29 =	rddreg [dreg:$0x12]  }
0x70: {  	(v2sf) =	vpush v22, $0x6;
	[tilespmem:s31], [sflag:$0x1] =	stream.strided.gather [hbm4b:s26+s13], $0x800, s14, s13, $0x38;
	[tilespmem:$0x18A80] =	vst v63  }
0x71: {  	s30 =	spop (v2sf);
	s31 =	rddreg [dreg:$0x13]  }
0x72: {  	(v2sf) =	vpush v21, $0x6;
	[tilespmem:s29], [sflag:$0x1] =	stream.strided.gather [hbm4b:s30+s13], $0x800, s14, s13, $0x38;
	[tilespmem:$0x18A80] =	vst v63  }
0x73: {  	s26 =	spop (v2sf);
	s29 =	rddreg [dreg:$0x14]  }
0x74: {  	(v2sf) =	vpush v20, $0x6;
	[tilespmem:s31], [sflag:$0x1] =	stream.strided.gather [hbm4b:s26+s13], $0x800, s14, s13, $0x38;
	[tilespmem:$0x18A80] =	vst v63  }
0x75: {  	s30 =	spop (v2sf);
	s31 =	rddreg [dreg:$0x15]  }
0x76: {  	(v2sf) =	vpush v22, $0x7;
	[tilespmem:s29], [sflag:$0x1] =	stream.strided.gather [hbm4b:s30+s13], $0x800, s14, s13, $0x38;
	[tilespmem:$0x18A80] =	vst v63  }
0x77: {  	s26 =	spop (v2sf);
	s29 =	rddreg [dreg:$0x16]  }
0x78: {  	(v2sf) =	vpush v21, $0x7;
	[tilespmem:s31], [sflag:$0x1] =	stream.strided.gather [hbm4b:s26+s13], $0x800, s14, s13, $0x38;
	[tilespmem:$0x18A80] =	vst v63  }
0x79: {  	s30 =	spop (v2sf);
	s31 =	rddreg [dreg:$0x17]  }
0x7a: {  	(v2sf) =	vpush v20, $0x7;
	[tilespmem:s29], [sflag:$0x1] =	stream.strided.gather [hbm4b:s30+s13], $0x800, s14, s13, $0x38;
	[tilespmem:$0x18A80] =	vst v63  }
0x7b: {  	s26 =	spop (v2sf);
	s29 =	rddreg [dreg:$0x18]  }
0x7c: {  	(v2sf) =	vpush v22, $0x8;
	[tilespmem:s31], [sflag:$0x1] =	stream.strided.gather [hbm4b:s26+s13], $0x800, s14, s13, $0x38;
	[tilespmem:$0x18A80] =	vst v63  }
0x7d: {  	s30 =	spop (v2sf);
	s31 =	rddreg [dreg:$0x19]  }
0x7e: {  	(v2sf) =	vpush v21, $0x8;
	[tilespmem:s29], [sflag:$0x1] =	stream.strided.gather [hbm4b:s30+s13], $0x800, s14, s13, $0x38;
	[tilespmem:$0x18A80] =	vst v63  }
0x7f: {  	s26 =	spop (v2sf);
	s29 =	rddreg [dreg:$0x1a]  }
0x80: {  	(v2sf) =	vpush v20, $0x8;
	[tilespmem:s31], [sflag:$0x1] =	stream.strided.gather [hbm4b:s26+s13], $0x800, s14, s13, $0x38;
	[tilespmem:$0x18A80] =	vst v63  }
0x81: {  	s30 =	spop (v2sf);
	s31 =	rddreg [dreg:$0x1b]  }
0x82: {  	(v2sf) =	vpush v22, $0x9;
	[tilespmem:s29], [sflag:$0x1] =	stream.strided.gather [hbm4b:s30+s13], $0x800, s14, s13, $0x38;
	[tilespmem:$0x18A80] =	vst v63  }
0x83: {  	s26 =	spop (v2sf);
	s29 =	rddreg [dreg:$0x1c]  }
0x84: {  	(v2sf) =	vpush v21, $0x9;
	[tilespmem:s31], [sflag:$0x1] =	stream.strided.gather [hbm4b:s26+s13], $0x800, s14, s13, $0x38;
	[tilespmem:$0x18A80] =	vst v63  }
0x85: {  	s30 =	spop (v2sf);
	s31 =	rddreg [dreg:$0x1d]  }
0x86: {  	(v2sf) =	vpush v20, $0x9;
	[tilespmem:s29], [sflag:$0x1] =	stream.strided.gather [hbm4b:s30+s13], $0x800, s14, s13, $0x38;
	[tilespmem:$0x18A80] =	vst v63  }
0x87: {  	s26 =	spop (v2sf);
	s29 =	rddreg [dreg:$0x1e]  }
0x88: {  	(v2sf) =	vpush v22, $0xA;
	[tilespmem:s31], [sflag:$0x1] =	stream.strided.gather [hbm4b:s26+s13], $0x800, s14, s13, $0x38;
	[tilespmem:$0x18A80] =	vst v63  }
0x89: {  	s30 =	spop (v2sf);
	s31 =	rddreg [dreg:$0x1f]  }
0x8a: {  	(v2sf) =	vpush v21, $0xA;
	[tilespmem:s29], [sflag:$0x1] =	stream.strided.gather [hbm4b:s30+s13], $0x800, s14, s13, $0x38;
	[tilespmem:$0x18A80] =	vst v63  }
0x8b: {  	s26 =	spop (v2sf);
	s29 =	sld [smem:$0x7E7]  }
0x8c: {  	(v2sf) =	vpush v20, $0xA;
	[tilespmem:s31], [sflag:$0x1] =	stream.strided.gather [hbm4b:s26+s13], $0x800, s14, s13, $0x38;
	[tilespmem:$0x18A80] =	vst v63  }
0x8d: {  	s30 =	spop (v2sf);
	s31 =	sld [smem:$0x7E8]  }
0x8e: {  	(v2sf) =	vpush v22, $0xB;
	[tilespmem:s29], [sflag:$0x1] =	stream.strided.gather [hbm4b:s30+s13], $0x800, s14, s13, $0x38;
	[tilespmem:$0x18A80] =	vst v63  }
0x8f: {  	s26 =	spop (v2sf);
	s29 =	sld [smem:$0x7E9]  }
0x90: {  	(v2sf) =	vpush v21, $0xB;
	[tilespmem:s31], [sflag:$0x1] =	stream.strided.gather [hbm4b:s26+s13], $0x800, s14, s13, $0x38;
	[tilespmem:$0x18A80] =	vst v63  }
0x91: {  	s30 =	spop (v2sf);
	s31 =	sld [smem:$0x7EA]  }
0x92: {  	(v2sf) =	vpush v20, $0xB;
	[tilespmem:s29], [sflag:$0x1] =	stream.strided.gather [hbm4b:s30+s13], $0x800, s14, s13, $0x38;
	[tilespmem:$0x18A80] =	vst v63  }
0x93: {  	s26 =	spop (v2sf);
	s29 =	sld [smem:$0x7EB]  }
0x94: {  	(v2sf) =	vpush v22, $0xC;
	[tilespmem:s31], [sflag:$0x1] =	stream.strided.gather [hbm4b:s26+s13], $0x800, s14, s13, $0x38;
	[tilespmem:$0x18A80] =	vst v63  }
0x95: {  	s30 =	spop (v2sf);
	s31 =	sld [smem:$0x7EC]  }
0x96: {  	(v2sf) =	vpush v21, $0xC;
	[tilespmem:s29], [sflag:$0x1] =	stream.strided.gather [hbm4b:s30+s13], $0x800, s14, s13, $0x38;
	[tilespmem:$0x18A80] =	vst v63  }
0x97: {  	s26 =	spop (v2sf);
	s29 =	sld [smem:$0x7ED]  }
0x98: {  	(v2sf) =	vpush v20, $0xC;
	[tilespmem:s31], [sflag:$0x1] =	stream.strided.gather [hbm4b:s26+s13], $0x800, s14, s13, $0x38;
	[tilespmem:$0x18A80] =	vst v63  }
0x99: {  	s30 =	spop (v2sf);
	s31 =	sld [smem:$0x7EE]  }
0x9a: {  	(v2sf) =	vpush v22, $0xD;
	[tilespmem:s29], [sflag:$0x1] =	stream.strided.gather [hbm4b:s30+s13], $0x800, s14, s13, $0x38;
	[tilespmem:$0x18A80] =	vst v63  }
0x9b: {  	s26 =	spop (v2sf);
	s29 =	sld [smem:$0x7EF]  }
0x9c: {  	(v2sf) =	vpush v21, $0xD;
	[tilespmem:s31], [sflag:$0x1] =	stream.strided.gather [hbm4b:s26+s13], $0x800, s14, s13, $0x38;
	[tilespmem:$0x18A80] =	vst v63  }
0x9d: {  	s30 =	spop (v2sf);
	s31 =	sld [smem:$0x7F0]  }
0x9e: {  	(v2sf) =	vpush v20, $0xD;
	[tilespmem:s29], [sflag:$0x1] =	stream.strided.gather [hbm4b:s30+s13], $0x800, s14, s13, $0x38;
	[tilespmem:$0x18A80] =	vst v63  }
0x9f: {  	s26 =	spop (v2sf);
	s29 =	sld [smem:$0x7F1]  }
0xa0: {  	(v2sf) =	vpush v22, $0xE;
	[tilespmem:s31], [sflag:$0x1] =	stream.strided.gather [hbm4b:s26+s13], $0x800, s14, s13, $0x38;
	[tilespmem:$0x18A80] =	vst v63  }
0xa1: {  	s30 =	spop (v2sf);
	s31 =	sld [smem:$0x7F2]  }
0xa2: {  	(v2sf) =	vpush v21, $0xE;
	[tilespmem:s29], [sflag:$0x1] =	stream.strided.gather [hbm4b:s30+s13], $0x800, s14, s13, $0x38;
	[tilespmem:$0x18A80] =	vst v63  }
0xa3: {  	s26 =	spop (v2sf);
	s29 =	sld [smem:$0x7F3]  }
0xa4: {  	(v2sf) =	vpush v20, $0xE;
	[tilespmem:s31], [sflag:$0x1] =	stream.strided.gather [hbm4b:s26+s13], $0x800, s14, s13, $0x38;
	[tilespmem:$0x18A80] =	vst v63  }
0xa5: {  	s30 =	spop (v2sf);
	s31 =	sld [smem:$0x7F4]  }
0xa6: {  	(v2sf) =	vpush v22, $0xF;
	[tilespmem:s29], [sflag:$0x1] =	stream.strided.gather [hbm4b:s30+s13], $0x800, s14, s13, $0x38;
	[tilespmem:$0x18A80] =	vst v63  }
0xa7: {  	s26 =	spop (v2sf);
	s29 =	sld [smem:$0x7F5]  }
0xa8: {  	(v2sf) =	vpush v21, $0xF;
	[tilespmem:s31], [sflag:$0x1] =	stream.strided.gather [hbm4b:s26+s13], $0x800, s14, s13, $0x38;
	[tilespmem:$0x18A80] =	vst v63  }
0xa9: {  	s30 =	spop (v2sf);
	s31 =	sld [smem:$0x7F6]  }
0xaa: {  	(v2sf) =	vpush v20, $0xF;
	[tilespmem:s29], [sflag:$0x1] =	stream.strided.gather [hbm4b:s30+s13], $0x800, s14, s13, $0x38;
	[tilespmem:$0x18A80] =	vst v63  }
0xab: {  	s26 =	spop (v2sf);
	s29 =	sld [smem:$0x7F7]  }
0xac: {  	[tilespmem:s31], [sflag:$0x1] =	stream.strided.gather [hbm4b:s26+s13], $0x800, s14, s13, $0x38;
	[tilespmem:$0x18A80] =	vst v63  }
0xad: {  	s30 =	spop (v2sf);
	s31 =	sld [smem:$0x7F8]  }
0xae: {  	[tilespmem:s29], [sflag:$0x1] =	stream.strided.gather [hbm4b:s30+s13], $0x800, s14, s13, $0x38;
	[tilespmem:$0x18A80] =	vst v63  }
0xaf: {  	s26 =	spop (v2sf);
	s29 =	sld [smem:$0x7F9]  }
0xb0: {  	[tilespmem:s31], [sflag:$0x1] =	stream.strided.gather [hbm4b:s26+s13], $0x800, s14, s13, $0x38;
	[tilespmem:$0x18A80] =	vst v63  }
0xb1: {  	s30 =	spop (v2sf);
	s31 =	sld [smem:$0x7FA]  }
0xb2: {  	[tilespmem:s29], [sflag:$0x1] =	stream.strided.gather [hbm4b:s30+s13], $0x800, s14, s13, $0x38;
	[tilespmem:$0x18A80] =	vst v63  }
0xb3: {  	s26 =	spop (v2sf);
	s29 =	sld [smem:$0x7FB]  }
0xb4: {  	[tilespmem:s31], [sflag:$0x1] =	stream.strided.gather [hbm4b:s26+s13], $0x800, s14, s13, $0x38;
	[tilespmem:$0x18A80] =	vst v63  }
0xb5: {  	s30 =	spop (v2sf);
	s31 =	sld [smem:$0x7FC]  }
0xb6: {  	[tilespmem:s29], [sflag:$0x1] =	stream.strided.gather [hbm4b:s30+s13], $0x800, s14, s13, $0x38;
	[tilespmem:$0x18A80] =	vst v63  }
0xb7: {  	s29 =	spop (v2sf);
	s30 =	sld [smem:$0x7FD]  }
0xb8: {  	[tilespmem:s31], [sflag:$0x1] =	stream.strided.gather [hbm4b:s29+s13], $0x800, s14, s13, $0x38;
	[tilespmem:$0x18A80] =	vst v63  }
0xb9: {  	s31 =	spop (v2sf)  }
0xba: {  	[tilespmem:s30], [sflag:$0x1] =	stream.strided.gather [hbm4b:s31+s13], $0x800, s14, s13, $0x38;
	[tilespmem:$0x18A80] =	vst v63  }
0xbb: {  	_ =	swait.ge [sflag:s18], $0x800  }
0xbc: {  	[sflag:s18] =	ssyncset.done $0x0  }
0xbd: {  	[sflag:s18] =	ssyncadd.s32 $0xFFFFF800  }
0xbe: {  	_ =	swait.ge [sflag:s18], $0x800  }
0xbf: {  	[sflag:s18] =	ssyncset.done $0x0  }
0xc0: {  	[sflag:s18] =	ssyncadd.s32 $0xFFFFF800  }
0xc1: {  	_ =	swait.ge [sflag:s18], $0x800  }
0xc2: {  	[sflag:s18] =	ssyncset.done $0x0  }
0xc3: {  	[sflag:s18] =	ssyncadd.s32 $0xFFFFF800  }
0xc4: {  	_ =	swait.ge [sflag:s18], $0x800  }
0xc5: {  	[sflag:s18] =	ssyncset.done $0x0  }
0xc6: {  	[sflag:s18] =	ssyncadd.s32 $0xFFFFF800  }
0xc7: {  	_ =	swait.ge [sflag:s18], $0x800  }
0xc8: {  	[sflag:s18] =	ssyncset.done $0x0  }
0xc9: {  	[sflag:s18] =	ssyncadd.s32 $0xFFFFF800  }
0xca: {  	_ =	swait.ge [sflag:s18], $0x800  }
0xcb: {  	[sflag:s18] =	ssyncset.done $0x0  }
0xcc: {  	[sflag:s18] =	ssyncadd.s32 $0xFFFFF800  }
0xcd: {  	_ =	swait.ge [sflag:s18], $0x800  }
0xce: {  	[sflag:s18] =	ssyncset.done $0x0  }
0xcf: {  	[sflag:s18] =	ssyncadd.s32 $0xFFFFF800  }
0xd0: {  	_ =	swait.ge [sflag:s18], $0x800  }
0xd1: {  	[sflag:s18] =	ssyncset.done $0x0  }
0xd2: {  	[sflag:s18] =	ssyncadd.s32 $0xFFFFF800  }
0xd3: {  	_ =	swait.ge [sflag:s18], $0x800  }
0xd4: {  	[sflag:s18] =	ssyncset.done $0x0  }
0xd5: {  	[sflag:s18] =	ssyncadd.s32 $0xFFFFF800  }
0xd6: {  	_ =	swait.ge [sflag:s18], $0x800  }
0xd7: {  	[sflag:s18] =	ssyncset.done $0x0  }
0xd8: {  	[sflag:s18] =	ssyncadd.s32 $0xFFFFF800  }
0xd9: {  	_ =	swait.ge [sflag:s18], $0x800  }
0xda: {  	[sflag:s18] =	ssyncset.done $0x0  }
0xdb: {  	[sflag:s18] =	ssyncadd.s32 $0xFFFFF800  }
0xdc: {  	_ =	swait.ge [sflag:s18], $0x800  }
0xdd: {  	[sflag:s18] =	ssyncset.done $0x0  }
0xde: {  	[sflag:s18] =	ssyncadd.s32 $0xFFFFF800  }
0xdf: {  	_ =	swait.ge [sflag:s18], $0x800  }
0xe0: {  	[sflag:s18] =	ssyncset.done $0x0  }
0xe1: {  	[sflag:s18] =	ssyncadd.s32 $0xFFFFF800  }
0xe2: {  	_ =	swait.ge [sflag:s18], $0x800  }
0xe3: {  	[sflag:s18] =	ssyncset.done $0x0  }
0xe4: {  	[sflag:s18] =	ssyncadd.s32 $0xFFFFF800  }
0xe5: {  	_ =	swait.ge [sflag:s18], $0x800  }
0xe6: {  	[sflag:s18] =	ssyncset.done $0x0  }
0xe7: {  	[sflag:s18] =	ssyncadd.s32 $0xFFFFF800  }
0xe8: {  	_ =	swait.ge [sflag:s18], $0x800  }
0xe9: {  	[sflag:s18] =	ssyncset.done $0x0  }
0xea: {  	[sflag:s18] =	ssyncadd.s32 $0xFFFFF800  }
0xeb: {  	_ =	swait.ge [sflag:s18], $0x800  }
0xec: {  	[sflag:s18] =	ssyncset.done $0x0  }
0xed: {  	[sflag:s18] =	ssyncadd.s32 $0xFFFFF800  }
0xee: {  	_ =	swait.ge [sflag:s18], $0x800  }
0xef: {  	[sflag:s18] =	ssyncset.done $0x0  }
0xf0: {  	[sflag:s18] =	ssyncadd.s32 $0xFFFFF800  }
0xf1: {  	_ =	swait.ge [sflag:s18], $0x800  }
0xf2: {  	[sflag:s18] =	ssyncset.done $0x0  }
0xf3: {  	[sflag:s18] =	ssyncadd.s32 $0xFFFFF800  }
0xf4: {  	_ =	swait.ge [sflag:s18], $0x800  }
0xf5: {  	[sflag:s18] =	ssyncset.done $0x0  }
0xf6: {  	[sflag:s18] =	ssyncadd.s32 $0xFFFFF800  }
0xf7: {  	_ =	swait.ge [sflag:s18], $0x800  }
0xf8: {  	[sflag:s18] =	ssyncset.done $0x0  }
0xf9: {  	[sflag:s18] =	ssyncadd.s32 $0xFFFFF800  }
0xfa: {  	_ =	swait.ge [sflag:s18], $0x800  }
0xfb: {  	[sflag:s18] =	ssyncset.done $0x0  }
0xfc: {  	[sflag:s18] =	ssyncadd.s32 $0xFFFFF800  }
0xfd: {  	_ =	swait.ge [sflag:s18], $0x800  }
0xfe: {  	[sflag:s18] =	ssyncset.done $0x0  }
0xff: {  	[sflag:s18] =	ssyncadd.s32 $0xFFFFF800  }
0x100: {  	_ =	swait.ge [sflag:s18], $0x800  }
0x101: {  	[sflag:s18] =	ssyncset.done $0x0  }
0x102: {  	[sflag:s18] =	ssyncadd.s32 $0xFFFFF800  }
0x103: {  	_ =	swait.ge [sflag:s18], $0x800  }
0x104: {  	[sflag:s18] =	ssyncset.done $0x0  }
0x105: {  	[sflag:s18] =	ssyncadd.s32 $0xFFFFF800  }
0x106: {  	_ =	swait.ge [sflag:s18], $0x800  }
0x107: {  	[sflag:s18] =	ssyncset.done $0x0  }
0x108: {  	[sflag:s18] =	ssyncadd.s32 $0xFFFFF800  }
0x109: {  	_ =	swait.ge [sflag:s18], $0x800  }
0x10a: {  	[sflag:s18] =	ssyncset.done $0x0  }
0x10b: {  	[sflag:s18] =	ssyncadd.s32 $0xFFFFF800  }
0x10c: {  	_ =	swait.ge [sflag:s18], $0x800  }
0x10d: {  	[sflag:s18] =	ssyncset.done $0x0  }
0x10e: {  	[sflag:s18] =	ssyncadd.s32 $0xFFFFF800  }
0x10f: {  	_ =	swait.ge [sflag:s18], $0x800  }
0x110: {  	[sflag:s18] =	ssyncset.done $0x0  }
0x111: {  	[sflag:s18] =	ssyncadd.s32 $0xFFFFF800  }
0x112: {  	_ =	swait.ge [sflag:s18], $0x800  }
0x113: {  	[sflag:s18] =	ssyncset.done $0x0  }
0x114: {  	[sflag:s18] =	ssyncadd.s32 $0xFFFFF800  }
0x115: {  	_ =	swait.ge [sflag:s18], $0x800  }
0x116: {  	[sflag:s18] =	ssyncset.done $0x0  }
0x117: {  	[sflag:s18] =	ssyncadd.s32 $0xFFFFF800  }
0x118: {  	_ =	swait.ge [sflag:s18], $0x800  }
0x119: {  	[sflag:s18] =	ssyncset.done $0x0  }
0x11a: {  	[sflag:s18] =	ssyncadd.s32 $0xFFFFF800  }
0x11b: {  	_ =	swait.ge [sflag:s18], $0x800  }
0x11c: {  	[sflag:s18] =	ssyncset.done $0x0  }
0x11d: {  	[sflag:s18] =	ssyncadd.s32 $0xFFFFF800  }
0x11e: {  	_ =	swait.ge [sflag:s18], $0x800  }
0x11f: {  	[sflag:s18] =	ssyncset.done $0x0  }
0x120: {  	[sflag:s18] =	ssyncadd.s32 $0xFFFFF800  }
0x121: {  	_ =	swait.ge [sflag:s18], $0x800  }
0x122: {  	[sflag:s18] =	ssyncset.done $0x0  }
0x123: {  	[sflag:s18] =	ssyncadd.s32 $0xFFFFF800  }
0x124: {  	_ =	swait.ge [sflag:s18], $0x800  }
0x125: {  	[sflag:s18] =	ssyncset.done $0x0  }
0x126: {  	[sflag:s18] =	ssyncadd.s32 $0xFFFFF800  }
0x127: {  	_ =	swait.ge [sflag:s18], $0x800  }
0x128: {  	[sflag:s18] =	ssyncset.done $0x0  }
0x129: {  	[sflag:s18] =	ssyncadd.s32 $0xFFFFF800  }
0x12a: {  	_ =	swait.ge [sflag:s18], $0x800  }
0x12b: {  	[sflag:s18] =	ssyncset.done $0x0  }
0x12c: {  	[sflag:s18] =	ssyncadd.s32 $0xFFFFF800  }
0x12d: {  	_ =	swait.ge [sflag:s18], $0x800  }
0x12e: {  	[sflag:s18] =	ssyncset.done $0x0  }
0x12f: {  	[sflag:s18] =	ssyncadd.s32 $0xFFFFF800  }
0x130: {  	_ =	swait.ge [sflag:s18], $0x800  }
0x131: {  	[sflag:s18] =	ssyncset.done $0x0  }
0x132: {  	[sflag:s18] =	ssyncadd.s32 $0xFFFFF800  }
0x133: {  	_ =	swait.ge [sflag:s18], $0x800  }
0x134: {  	[sflag:s18] =	ssyncset.done $0x0  }
0x135: {  	[sflag:s18] =	ssyncadd.s32 $0xFFFFF800  }
0x136: {  	_ =	swait.ge [sflag:s18], $0x800  }
0x137: {  	[sflag:s18] =	ssyncset.done $0x0  }
0x138: {  	[sflag:s18] =	ssyncadd.s32 $0xFFFFF800  }
0x139: {  	_ =	swait.ge [sflag:s18], $0x800  }
0x13a: {  	[sflag:s18] =	ssyncset.done $0x0  }
0x13b: {  	[sflag:s18] =	ssyncadd.s32 $0xFFFFF800  }
0x13c: {  	_ =	swait.ge [sflag:s18], $0x800  }
0x13d: {  	[sflag:s18] =	ssyncset.done $0x0  }
0x13e: {  	[sflag:s18] =	ssyncadd.s32 $0xFFFFF800  }
0x13f: {  	_ =	swait.ge [sflag:s18], $0x800  }
0x140: {  	[sflag:s18] =	ssyncset.done $0x0  }
0x141: {  	[sflag:s18] =	ssyncadd.s32 $0xFFFFF800  }
0x142: {  	_ =	swait.ge [sflag:s18], $0x800  }
0x143: {  	[sflag:s18] =	ssyncset.done $0x0  }
0x144: {  	[sflag:s18] =	ssyncadd.s32 $0xFFFFF800  }
0x145: {  	v19 =	vand.u32 $0x7F, v19;
	_ =	swait.ge [sflag:s18], $0x800  }
0x146: {  	v18 =	vand.u32 $0x7F, v18;
	v59 =	vor.u32 v0, v19;
	[sflag:s18] =	ssyncset.done $0x0  }
0x147: {  	v17 =	vand.u32 $0x7F, v17;
	v60 =	vor.u32 v0, v18;
	[sflag:s18] =	ssyncadd.s32 $0xFFFFF800  }
0x148: {  	v61 =	vor.u32 v0, v17;
	_ =	swait.ge [sflag:s18], $0x800  }
0x149: {  	v23 =	vor.u32 v1, v19;
	[sflag:s18] =	ssyncset.done $0x0  }
0x14a: {  	v24 =	vor.u32 v1, v18;
	[sflag:s18] =	ssyncadd.s32 $0xFFFFF800  }
0x14b: {  	v25 =	vor.u32 v1, v17;
	v20 =	vld.idx.msk [tilespmem:v59+s15+$0x0], $0xffff  }
0x14c: {  	v26 =	vor.u32 v2, v19;
	v21 =	vld.idx.msk [tilespmem:v60+s16+$0x0], $0xffff  }
0x14d: {  	v27 =	vor.u32 v2, v18;
	v22 =	vld.idx.msk [tilespmem:v61+s17+$0x0], $0xffff  }
0x14e: {  	v30 =	vor.u32 v2, v17;
	v23 =	vld.idx.msk [tilespmem:v23+s15+$0x0], $0xffff  }
0x14f: {  	v31 =	vor.u32 v3, v19;
	v24 =	vld.idx.msk [tilespmem:v24+s16+$0x0], $0xffff  }
0x150: {  	v32 =	vor.u32 v3, v18;
	v25 =	vld.idx.msk [tilespmem:v25+s17+$0x0], $0xffff  }
0x151: {  	v36 =	vor.u32 v3, v17;
	v26 =	vld.idx.msk [tilespmem:v26+s15+$0x0], $0xffff  }
0x152: {  	v35 =	vor.u32 v5, v18;
	v27 =	vld.idx.msk [tilespmem:v27+s16+$0x0], $0xffff  }
0x153: {  	v30 =	vld.idx.msk [tilespmem:v30+s17+$0x0], $0xffff;
	v28 =	vmul.f32 v20, v20;
	v29 =	vmul.f32 v21, v21  }
0x154: {  	v43 =	vor.u32 v4, v19;
	v40 =	vld.idx.msk [tilespmem:v31+s15+$0x0], $0xffff;
	v21 =	vmul.f32 v21, v20;
	v62 =	vmul.f32 v22, v22  }
0x155: {  	v49 =	vor.u32 v5, v19;
	v42 =	vld.idx.msk [tilespmem:v32+s16+$0x0], $0xffff;
	v33 =	vmul.f32 v23, v23;
	v34 =	vmul.f32 v24, v24  }
0x156: {  	v44 =	vor.u32 v4, v18;
	v45 =	vld.idx.msk [tilespmem:v36+s17+$0x0], $0xffff;
	v20 =	vmul.f32 v22, v20;
	v38 =	vmul.f32 v25, v25  }
0x157: {  	v46 =	vor.u32 v4, v17;
	v58 =	vld.idx.msk [tilespmem:v35+s16+$0x0], $0xffff;
	v39 =	vmul.f32 v24, v23;
	v23 =	vmul.f32 v25, v23  }
0x158: {  	v52 =	vor.u32 v5, v17;
	v47 =	vmul.f32 v26, v26;
	v48 =	vmul.f32 v27, v27  }
0x159: {  	v59 =	vor.u32 v6, v19;
	v27 =	vmul.f32 v27, v26;
	v50 =	vmul.f32 v30, v30  }
0x15a: {  	v56 =	vld.idx.msk [tilespmem:v49+s15+$0x0], $0xffff;
	v60 =	vor.u32 v6, v18;
	v51 =	vmul.f32 v40, v40;
	v36 =	vmul.f32 v42, v42  }
0x15b: {  	v31 =	vld.idx.msk [tilespmem:v43+s15+$0x0], $0xffff;
	v43 =	vor.u32 v8, v19;
	v26 =	vmul.f32 v30, v26;
	v54 =	vmul.f32 v45, v45  }
0x15c: {  	v55 =	vmul.f32 v42, v40;
	v35 =	vmul.f32 v58, v58;
	v28 =	vadd.f32 v29, v28  }
0x15d: {  	v25 =	vld.idx.msk [tilespmem:v46+s17+$0x0], $0xffff;
	v46 =	vor.u32 v8, v18;
	v21 =	vadd.f32 $0.0e+00, v21;
	v37 =	vadd.f32 v34, v33  }
0x15e: {  	v22 =	vld.idx.msk [tilespmem:v44+s16+$0x0], $0xffff;
	v20 =	vadd.f32 $0.0e+00, v20;
	v53 =	vadd.f32 v36, v51;
	v36 =	vor.u32 v7, v19  }
0x15f: {  	v30 =	vld.idx.msk [tilespmem:v59+s15+$0x0], $0xffff;
	v29 =	vmul.f32 v58, v56;
	v58 =	vor.u32 v10, v18;
	v63 =	vadd.f32 v62, v28  }
0x160: {  	v51 =	vld.idx.msk [tilespmem:v43+s15+$0x0], $0xffff;
	v43 =	vor.u32 v11, v18;
	v41 =	vadd.f32 v38, v37;
	v21 =	vadd.f32 v39, v21  }
0x161: {  	v20 =	vadd.f32 v23, v20;
	v28 =	vadd.f32 v48, v47;
	v23 =	vmul.f32 v45, v40  }
0x162: {  	v57 =	vadd.f32 v54, v53;
	v62 =	vor.u32 v6, v17;
	v37 =	vor.u32 v7, v18  }
0x163: {  	v38 =	vmul.f32 v56, v56;
	v39 =	vor.u32 v7, v17;
	v47 =	vor.u32 v8, v17  }
0x164: {  	v54 =	vor.u32 v9, v17;
	v61 =	vmul.f32 v22, v31;
	v22 =	vmul.f32 v22, v22  }
0x165: {  	v48 =	vmul.f32 v30, v30;
	v16 =	vadd.f32 v63, v16;
	v21 =	vadd.f32 v27, v21;
	v27 =	vld.idx.msk [tilespmem:v52+s17+$0x0], $0xffff  }
0x166: {  	v28 =	vadd.f32 v50, v28;
	v20 =	vadd.f32 v26, v20;
	v63 =	vmul.f32 v31, v31;
	v42 =	vld.idx.msk [tilespmem:v36+s15+$0x0], $0xffff  }
0x167: {  	v31 =	vmul.f32 v25, v31;
	v25 =	vmul.f32 v25, v25;
	v40 =	vadd.f32 v35, v38;
	v38 =	vld.idx.msk [tilespmem:v58+s16+$0x0], $0xffff  }
0x168: {  	v50 =	vor.u32 v9, v19;
	v52 =	vor.u32 v9, v18;
	v32 =	vld.idx.msk [tilespmem:v43+s16+$0x0], $0xffff;
	v16 =	vadd.f32 v41, v16  }
0x169: {  	v43 =	vor.u32 v14, v17;
	v21 =	vadd.f32 v55, v21;
	v20 =	vadd.f32 v23, v20;
	v23 =	vld.idx.msk [tilespmem:v60+s16+$0x0], $0xffff  }
0x16a: {  	v22 =	vadd.f32 v22, v63;
	v63 =	vor.u32 v10, v17;
	v45 =	vld.idx.msk [tilespmem:v37+s16+$0x0], $0xffff;
	v16 =	vadd.f32 v28, v16  }
0x16b: {  	v26 =	vld.idx.msk [tilespmem:v39+s17+$0x0], $0xffff;
	v21 =	vadd.f32 v61, v21;
	v20 =	vadd.f32 v31, v20;
	v61 =	vmul.f32 v51, v51  }
0x16c: {  	v22 =	vadd.f32 v25, v22;
	v28 =	vld.idx.msk [tilespmem:v62+s17+$0x0], $0xffff;
	v41 =	vmul.f32 v27, v27;
	v24 =	vmul.f32 v27, v56  }
0x16d: {  	v56 =	vor.u32 v10, v19;
	v60 =	vld.idx.msk [tilespmem:v52+s16+$0x0], $0xffff;
	v52 =	vor.u32 v12, v17;
	v16 =	vadd.f32 v57, v16  }
0x16e: {  	v21 =	vadd.f32 v29, v21;
	v53 =	vmul.f32 v42, v42;
	v57 =	vld.idx.msk [tilespmem:v50+s15+$0x0], $0xffff;
	v50 =	vor.u32 v12, v18  }
0x16f: {  	v31 =	vld.idx.msk [tilespmem:v46+s16+$0x0], $0xffff;
	v44 =	vadd.f32 v41, v40;
	v20 =	vadd.f32 v24, v20;
	v49 =	vmul.f32 v23, v23  }
0x170: {  	v23 =	vmul.f32 v23, v30;
	v40 =	vor.u32 v11, v19;
	v34 =	vmul.f32 v45, v45  }
0x171: {  	v24 =	vld.idx.msk [tilespmem:v47+s17+$0x0], $0xffff;
	v47 =	vor.u32 v12, v19;
	v25 =	vmul.f32 v45, v42;
	v55 =	vmul.f32 v26, v26  }
0x172: {  	v16 =	vadd.f32 v22, v16;
	v59 =	vmul.f32 v26, v42;
	v30 =	vmul.f32 v28, v30  }
0x173: {  	v22 =	vadd.f32 v49, v48;
	v28 =	vmul.f32 v28, v28;
	v21 =	vadd.f32 v23, v21  }
0x174: {  	v62 =	vmul.f32 v31, v31;
	v49 =	vmul.f32 v38, v38;
	v16 =	vadd.f32 v44, v16  }
0x175: {  	v23 =	vadd.f32 v34, v53;
	v34 =	vmul.f32 v31, v51;
	v26 =	vmul.f32 v60, v60  }
0x176: {  	v42 =	vld.idx.msk [tilespmem:v63+s17+$0x0], $0xffff;
	v44 =	vor.u32 v11, v17;
	v22 =	vadd.f32 v28, v22;
	v20 =	vadd.f32 v30, v20  }
0x177: {  	v21 =	vadd.f32 v25, v21;
	v36 =	vadd.f32 v62, v61;
	v39 =	vmul.f32 v60, v57  }
0x178: {  	v37 =	vld.idx.msk [tilespmem:v56+s15+$0x0], $0xffff;
	v41 =	vmul.f32 v57, v57;
	v62 =	vor.u32 v13, v17;
	v17 =	vor.u32 v15, v17  }
0x179: {  	v23 =	vadd.f32 v55, v23;
	v29 =	vmul.f32 v24, v51;
	v24 =	vmul.f32 v24, v24  }
0x17a: {  	v63 =	vld.idx.msk [tilespmem:v52+s17+$0x0], $0xffff;
	v55 =	vor.u32 v13, v19;
	v16 =	vadd.f32 v22, v16;
	v20 =	vadd.f32 v59, v20  }
0x17b: {  	v28 =	vld.idx.msk [tilespmem:v54+s17+$0x0], $0xffff;
	v21 =	vadd.f32 v34, v21;
	v45 =	vadd.f32 v26, v41;
	v54 =	vmul.f32 v42, v42  }
0x17c: {  	v41 =	vor.u32 v14, v19;
	v19 =	vor.u32 v15, v19;
	v16 =	vadd.f32 v23, v16  }
0x17d: {  	v51 =	vld.idx.msk [tilespmem:v40+s15+$0x0], $0xffff;
	v20 =	vadd.f32 v29, v20;
	v23 =	vadd.f32 v24, v36;
	v48 =	vmul.f32 v37, v37  }
0x17e: {  	v60 =	vld.idx.msk [tilespmem:v47+s15+$0x0], $0xffff;
	v21 =	vadd.f32 v39, v21;
	v56 =	vmul.f32 v38, v37;
	v58 =	vmul.f32 v42, v37  }
0x17f: {  	v61 =	vld.idx.msk [tilespmem:v50+s16+$0x0], $0xffff;
	v39 =	vmul.f32 v32, v32;
	v42 =	vor.u32 v14, v18;
	v47 =	vmul.f32 v63, v63  }
0x180: {  	v52 =	vld.idx.msk [tilespmem:v43+s17+$0x0], $0xffff;
	v46 =	vmul.f32 v28, v28;
	v22 =	vmul.f32 v28, v57;
	v57 =	vor.u32 v13, v18  }
0x181: {  	v30 =	vld.idx.msk [tilespmem:v62+s17+$0x0], $0xffff;
	v18 =	vor.u32 v15, v18;
	v16 =	vadd.f32 v23, v16;
	v53 =	vadd.f32 v49, v48  }
0x182: {  	v23 =	vld.idx.msk [tilespmem:v44+s17+$0x0], $0xffff;
	v21 =	vadd.f32 v56, v21;
	v38 =	vmul.f32 v51, v51;
	v32 =	vmul.f32 v32, v51  }
0x183: {  	v40 =	vld.idx.msk [tilespmem:v55+s15+$0x0], $0xffff;
	v44 =	vmul.f32 v60, v60;
	v24 =	vadd.f32 v46, v45;
	v20 =	vadd.f32 v22, v20  }
0x184: {  	v45 =	vmul.f32 v61, v61;
	v48 =	vld.idx.msk [tilespmem:v41+s15+$0x0], $0xffff;
	v59 =	vadd.f32 v54, v53;
	v27 =	vadd.f32 v39, v38  }
0x185: {  	v22 =	vmul.f32 v61, v60;
	v19 =	vld.idx.msk [tilespmem:v19+s15+$0x0], $0xffff;
	v21 =	vadd.f32 v32, v21;
	v16 =	vadd.f32 v24, v16  }
0x186: {  	v20 =	vadd.f32 v58, v20;
	v34 =	vld.idx.msk [tilespmem:v42+s16+$0x0], $0xffff;
	v24 =	vmul.f32 v52, v52;
	v54 =	vmul.f32 v30, v30  }
0x187: {  	v46 =	vadd.f32 v45, v44;
	v25 =	vld.idx.msk [tilespmem:v57+s16+$0x0], $0xffff;
	v26 =	vmul.f32 v23, v51;
	v23 =	vmul.f32 v23, v23  }
0x188: {  	v21 =	vadd.f32 v22, v21;
	v49 =	vmul.f32 v40, v40;
	v51 =	vmul.f32 v63, v60  }
0x189: {  	v18 =	vld.idx.msk [tilespmem:v18+s16+$0x0], $0xffff;
	v16 =	vadd.f32 v59, v16;
	v56 =	vmul.f32 v30, v40;
	v58 =	vmul.f32 v48, v48  }
0x18a: {  	v61 =	vmul.f32 v52, v48;
	v62 =	vmul.f32 v19, v19;
	v23 =	vadd.f32 v23, v27  }
0x18b: {  	v17 =	vld.idx.msk [tilespmem:v17+s17+$0x0], $0xffff;
	v20 =	vadd.f32 v26, v20;
	v26 =	vadd.f32 v47, v46;
	v59 =	vmul.f32 v34, v34  }
0x18c: {  	v60 =	vmul.f32 v34, v48;
	v50 =	vmul.f32 v25, v25;
	v16 =	vadd.f32 v23, v16  }
0x18d: {  	v20 =	vadd.f32 v51, v20;
	v55 =	vmul.f32 v25, v40;
	v22 =	vadd.f32 v59, v58  }
0x18e: {  	v63 =	vmul.f32 v18, v18;
	v53 =	vadd.f32 v50, v49;
	v16 =	vadd.f32 v26, v16  }
0x18f: {  	v18 =	vmul.f32 v18, v19;
	v21 =	vadd.f32 v55, v21;
	v20 =	vadd.f32 v56, v20  }
0x190: {  	v19 =	vmul.f32 v17, v19;
	v23 =	vadd.f32 v63, v62;
	v57 =	vadd.f32 v54, v53  }
0x191: {  	p0 =	sne.s32 s23, $0x7C0;
	v17 =	vmul.f32 v17, v17;
	v22 =	vadd.f32 v24, v22;
	v21 =	vadd.f32 v60, v21  }
.Ltmp0:
0x192: {  	v20 =	vadd.f32 v61, v20;
	v16 =	vadd.f32 v57, v16;
	(pc) =	sbr.rel @p0 .LBB2_2-.Ltmp0, $4  }
0x193: {  	v17 =	vadd.f32 v17, v23;
	v18 =	vadd.f32 v18, v21  }
0x194: {  	v19 =	vadd.f32 v19, v20;
	v16 =	vadd.f32 v22, v16  }
0x195: {  	[tilespmem:s24+$0x18600] =	vst v18  }
0x196: {  	s23 =	sadd.s32 $0x40, s23;
	[tilespmem:s24+$0x18800] =	vst v19;
	v16 =	vadd.f32 v17, v16  }
0x197: {  	_ = 	snop  }
0x198: {  	[tilespmem:$0x18A00] =	vst v16  }
0x199: {  	[hbm4b:s7+s2] =	stream.linear.scatter [tilespmem:s19], [sflag:$0x2], $0x200, $0x38;
	[tilespmem:$0x18A80] =	vst v63  }
0x19a: {  	_ =	swait.ge [sflag:s11], $0x200  }
0x19b: {  	[sflag:s11] =	ssyncset.done $0x0  }
0x19c: {  	[sflag:s11] =	ssyncadd.s32 $0xFFFFFE00  }
0x19d: {  	[hbm4b:s8+s2] =	stream.linear.scatter [tilespmem:s20], [sflag:$0x2], $0x200, $0x38;
	[tilespmem:$0x18A80] =	vst v63  }
0x19e: {  	s22 =	sadd.s32 $0x1, s22;
	_ =	swait.ge [sflag:s11], $0x200  }
0x19f: {  	p0 =	sne.s32 s22, s10;
	[sflag:s11] =	ssyncset.done $0x0  }
.Ltmp1:
0x1a0: {  	[sflag:s11] =	ssyncadd.s32 $0xFFFFFE00;
	(pc) =	sbr.rel @p0 .LBB2_1-.Ltmp1, $4  }
0x1a1: {  	[hbm4b:s9+s2] =	stream.linear.scatter [tilespmem:s21], [sflag:$0x2], $0x80, $0x38;
	[tilespmem:$0x18A80] =	vst v63  }
0x1a2: {  	_ =	swait.ge [sflag:s11], $0x80  }
0x1a3: {  	[sflag:s11] =	ssyncset.done $0x0  }
0x1a4: {  	[sflag:s11] =	ssyncadd.s32 $0xFFFFFF80  }
0x1a5: {  	_ =	sfence.sel $0x180000  }
0x1a6: {  	[bflag:$0x0] =	sbarrier.arrive $0xFFFF  }
0x1a7: {  	p0 =	sne.s32 s3, $0x0;
	_ =	strace $0x90000047  }
0x1a8: {  	s0 =	sadd.s32 @!p0 $0x100000, s0;
	[bflag:$0x2] =	sbarrier.arrive $0xFFFF  }
0x1a9: {  	[sflag:s0] =	ssyncadd.tile.s32 @!p0 $0x1;
	_ =	shalt  }
.Lfunc_end2:
_tile_overlayer_lowered:
.L_overlay_start_2:
0x1aa: {  	(tag) =	ssettag $0x2  }
0x1ab: {  	s0 =	rddreg [dreg:$0x0];
	s2 =	stileid.u32  }
0x1ac: {  	s1 =	rddreg [dreg:$0x1];
	p0 =	sne.s32 s2, $0x0  }
0x1ad: {  	s3 =	rddreg [dreg:$0x2];
	[bflag:$0x3] =	sbarrier.arrive $0xFFFF;
	s2 =	simm.s32 @!p0 $0x1C02  }
0x1ae: {  	[timem:s3], [sflag:s2] =	dma.local @!p0 [hbm:s0], s1  }
0x1af: {  	s0 =	simm.s32 @!p0 $0x2  }
0x1b0: {  	_ =	swait.ge @!p0 [sflag:s0], s1  }
0x1b1: {  	s1 =	ssub.s32 @!p0 $0x0, s1;
	[sflag:s0] =	ssyncset.done @!p0 $0x0  }
0x1b2: {  	[sflag:s0] =	ssyncadd.s32 @!p0 s1  }
0x1b3: {  	[bflag:$0x3] =	sbarrier.arrive $0xFFFF  }
0x1b4: {  	_ =	shalt  }

</sc_bundles>
